<compile_context>
chip_gen: v7x
topology: tpu7x:2x2x1
jax: 0.10.2.dev20260603
libtpu: 0.0.44.dev20260713+nightly
codegen_flags: <defaults>
</compile_context>

<pallas_src>
import functools

import jax
import jax.numpy as jnp
from jax import lax
from jax.experimental import pallas as pl
from jax.experimental.pallas import tpu as pltpu
from jax.experimental.pallas import tpu_sc as plsc

N_NODES = 100000
N_EDGES = 1600000
T_TASKS = 32
E_APP = 64

NC, NS = 2, 16
NW = NC * NS
ROW_E = 128
G_ROWS = 4
E_ROWS = N_EDGES // ROW_E
ROWS_PER_W = 392
W31_ROWS = E_ROWS - 31 * ROWS_PER_W
COLS = 8

BN = 2048
N_TC = 100352
GRID = N_TC // BN
N_ACC = N_TC
ROWS_PER_SUB = N_ACC // NS


def _sc_segment_sum(x5, e3, zeros):
    mesh = plsc.VectorSubcoreMesh(
        core_axis_name="c", subcore_axis_name="s", num_cores=NC, num_subcores=NS
    )

    @functools.partial(
        pl.kernel,
        out_type=(
            jax.ShapeDtypeStruct((N_ACC, COLS), jnp.float32),
            jax.ShapeDtypeStruct((N_ACC, COLS), jnp.float32),
        ),
        mesh=mesh,
        scratch_types=[
            pltpu.VMEM_SHARED((N_ACC, COLS), jnp.float32),
            pltpu.VMEM((2, G_ROWS, ROW_E), jnp.int32),
            pltpu.VMEM((2, G_ROWS, ROW_E), jnp.int32),
            pltpu.VMEM((2, G_ROWS * ROW_E, COLS), jnp.float32),
            pltpu.SemaphoreType.DMA,
            pltpu.SemaphoreType.DMA,
        ],
        compiler_params=pltpu.CompilerParams(use_tc_tiling_on_sc=False),
    )
    def body(x5_hbm, e3_hbm, z_hbm, out0_hbm, out1_hbm,
             acc, idx_s, idx_d, rows, sem0, sem1):
        c = lax.axis_index("c")
        s = lax.axis_index("s")
        wid = c * NS + s
        sems = (sem0, sem1)
        pltpu.sync_copy(
            z_hbm,
            acc.at[pl.ds(s * ROWS_PER_SUB, ROWS_PER_SUB)],
        )
        plsc.subcore_barrier()

        base = wid * ROWS_PER_W

        def stage_and_fire(chunk, b):
            r0 = base + chunk * G_ROWS
            pltpu.sync_copy(e3_hbm.at[0, pl.ds(r0, G_ROWS)], idx_s.at[b])
            pltpu.sync_copy(e3_hbm.at[1, pl.ds(r0, G_ROWS)], idx_d.at[b])
            return [
                pltpu.async_copy(
                    x5_hbm.at[idx_s.at[b, j]],
                    rows.at[b, pl.ds(j * ROW_E, ROW_E)],
                    sems[b],
                )
                for j in range(G_ROWS)
            ]

        def scatter(b):
            for j in range(G_ROWS):
                pltpu.sync_copy(
                    rows.at[b, pl.ds(j * ROW_E, ROW_E)],
                    acc.at[idx_d.at[b, j]],
                    add=True,
                )

        def step(i, carry):
            k0 = i * 2
            d0 = stage_and_fire(k0, 0)
            d1 = stage_and_fire(k0 + 1, 1)
            for d in d0:
                d.wait()
            scatter(0)
            for d in d1:
                d.wait()
            scatter(1)
            return carry

        npairs = jnp.where(wid == NW - 1, (W31_ROWS // G_ROWS) // 2,
                           (ROWS_PER_W // G_ROWS) // 2)
        lax.fori_loop(0, npairs, step, 0)

        @pl.when(wid == NW - 1)
        def _tail():
            d0 = stage_and_fire(W31_ROWS // G_ROWS - 1, 0)
            for d in d0:
                d.wait()
            scatter(0)

        plsc.subcore_barrier()

        @pl.when(c == 0)
        def _wb0():
            pltpu.sync_copy(
                acc.at[pl.ds(s * ROWS_PER_SUB, ROWS_PER_SUB)],
                out0_hbm.at[pl.ds(s * ROWS_PER_SUB, ROWS_PER_SUB)],
            )

        @pl.when(c == 1)
        def _wb1():
            pltpu.sync_copy(
                acc.at[pl.ds(s * ROWS_PER_SUB, ROWS_PER_SUB)],
                out1_hbm.at[pl.ds(s * ROWS_PER_SUB, ROWS_PER_SUB)],
            )

    return body(x5, e3, zeros)


def _tc_body(
    t_ref, appe_ref, appet_ref, axT_ref, wa1t_ref, wa2t_ref, wart_ref,
    wl1_ref, wl2_ref, want_ref, vatt_ref, wv_ref,
    rl_ref, act_ref, out_ref, stats, reqw, pooled,
):
    i = pl.program_id(0)

    @pl.when(i == 0)
    def _init():
        asrc_row = appe_ref[0:1, :]
        adst_col = appet_ref[:, 1:2]
        iota_t = lax.broadcasted_iota(jnp.int32, (T_TASKS, E_APP), 0)
        s_t = (iota_t == asrc_row).astype(jnp.float32)
        iota_l = lax.broadcasted_iota(jnp.int32, (E_APP, T_TASKS), 1)
        d2 = (iota_l == adst_col).astype(jnp.float32)
        deg = jnp.maximum(jnp.sum(d2, axis=0, keepdims=True), 1.0)
        msg1 = jnp.dot(axT_ref[...], s_t)
        agg1 = jnp.dot(msg1, d2) / deg
        h = jnp.maximum(jnp.dot(wa1t_ref[...], agg1), 0.0)
        msg2 = jnp.dot(h, s_t)
        agg2 = jnp.dot(msg2, d2) / deg
        h2 = jnp.dot(wa2t_ref[...], agg2)
        req_emb = jnp.mean(h2, axis=1, keepdims=True)
        rl = jnp.full((1, 1), rl_ref[0], jnp.float32)
        req_col = jnp.concatenate([req_emb, rl], axis=0)
        reqw_col = jnp.dot(wart_ref[...], req_col)
        reqw[...] = jnp.broadcast_to(reqw_col, (T_TASKS, 128))
        req_dot_wv = jnp.sum(req_col * wv_ref[32:36, 0:1], axis=0, keepdims=True)
        stats[0:1, :] = jnp.full((1, 128), -3e38, jnp.float32)
        stats[1:2, :] = jnp.zeros((1, 128), jnp.float32)
        stats[2:3, :] = jnp.zeros((1, 128), jnp.float32)
        stats[3:4, :] = jnp.zeros((1, 128), jnp.float32)
        stats[4:5, :] = jnp.broadcast_to(req_dot_wv, (1, 128))
        pooled[...] = jnp.zeros((T_TASKS, 128), jnp.float32)

    blk = t_ref[...]
    acc = blk[0] + blk[1]
    deg = jnp.maximum(acc[4:5, :], 1.0)
    agg = acc[0:4, :] / deg

    hc1 = jnp.maximum(jnp.dot(wl1_ref[...], agg), 0.0)
    hc2 = jnp.maximum(jnp.dot(wl2_ref[...], hc1), 0.0)
    h2 = hc2[0:64, :]
    c2 = hc2[64:96, :]
    att = jnp.tanh(jnp.dot(want_ref[...], h2) + reqw[:, 0:1])
    scores = jnp.sum(att * vatt_ref[...], axis=0, keepdims=True)

    gcol = i * BN + lax.broadcasted_iota(jnp.int32, (1, BN), 1)
    valid = gcol < N_NODES
    sm = jnp.where(valid, scores, -1e30)

    m_old = stats[0:1, 0:1]
    m_b = jnp.max(sm, axis=1, keepdims=True)
    m_new = jnp.maximum(m_old, m_b)
    alpha = jnp.exp(m_old - m_new)
    e = jnp.exp(sm - m_new)
    s1 = stats[1:2, 0:1] * alpha + jnp.sum(e, axis=1, keepdims=True)
    s2 = stats[2:3, 0:1] * alpha + jnp.sum(sm * e, axis=1, keepdims=True)
    a_b = jnp.sum(
        jnp.where(gcol == act_ref[0], scores, 0.0), axis=1, keepdims=True
    )
    s_act = stats[3:4, 0:1] + a_b
    stats[0:1, :] = jnp.broadcast_to(m_new, (1, 128))
    stats[1:2, :] = jnp.broadcast_to(s1, (1, 128))
    stats[2:3, :] = jnp.broadcast_to(s2, (1, 128))
    stats[3:4, :] = jnp.broadcast_to(s_act, (1, 128))

    c2m = jnp.where(valid, c2, 0.0)
    pooled[...] += jnp.broadcast_to(
        jnp.sum(c2m, axis=1, keepdims=True), (T_TASKS, 128)
    )

    @pl.when(i == GRID - 1)
    def _fin():
        m = stats[0:1, 0:1]
        s1f = stats[1:2, 0:1]
        s2f = stats[2:3, 0:1]
        sa = stats[3:4, 0:1]
        log_z = m + jnp.log(s1f)
        entropy = log_z - s2f / s1f
        alp = sa - log_z
        pooled_mean = pooled[:, 0:1] / float(N_NODES)
        sv = (
            jnp.sum(pooled_mean * wv_ref[0:32, 0:1], axis=0, keepdims=True)
            + stats[4:5, 0:1]
        )
        l = lax.broadcasted_iota(jnp.int32, (1, 128), 1)
        out_ref[...] = (
            jnp.where(l == 0, jnp.broadcast_to(alp, (1, 128)), 0.0)
            + jnp.where(l == 1, jnp.broadcast_to(sv, (1, 128)), 0.0)
            + jnp.where(l == 2, jnp.broadcast_to(entropy, (1, 128)), 0.0)
        )


def _tc_dense(t, app_edge, app_edge_t, app_xT, wa1t, wa2t, wart, wl1, wl2,
              want, vatt2, wv, rl, act):
    full = lambda shape: pl.BlockSpec(shape, lambda i: tuple(0 for _ in shape))
    return pl.pallas_call(
        _tc_body,
        grid=(GRID,),
        in_specs=[
            pl.BlockSpec((2, COLS, BN), lambda i: (0, 0, i)),
            full((2, E_APP)),
            full((E_APP, 2)),
            full((3, T_TASKS)),
            full((16, 3)),
            full((3, 16)),
            full((T_TASKS, 4)),
            full((128, 4)),
            full((96, 128)),
            full((T_TASKS, 64)),
            full((T_TASKS, 1)),
            full((36, 1)),
            pl.BlockSpec(memory_space=pltpu.SMEM),
            pl.BlockSpec(memory_space=pltpu.SMEM),
        ],
        out_specs=pl.BlockSpec((1, 128), lambda i: (0, 0)),
        out_shape=jax.ShapeDtypeStruct((1, 128), jnp.float32),
        scratch_shapes=[
            pltpu.VMEM((8, 128), jnp.float32),
            pltpu.VMEM((T_TASKS, 128), jnp.float32),
            pltpu.VMEM((T_TASKS, 128), jnp.float32),
        ],
    )(t, app_edge, app_edge_t, app_xT, wa1t, wa2t, wart, wl1, wl2, want,
      vatt2, wv, rl, act)


def kernel(x, edge_index, app_x, app_edge_index, requests_left, action,
           W_a1, W_a2, W_p1, W_p2, W_an, W_ar, v_att, W_c1, W_c2, W_v):
    f32 = jnp.float32
    x5 = jnp.concatenate(
        [x, jnp.ones((N_NODES, 1), f32), jnp.zeros((N_NODES, 3), f32)], axis=1
    )
    e3 = edge_index.reshape(2, E_ROWS, ROW_E)
    zeros = jnp.zeros((ROWS_PER_SUB, COLS), f32)

    p0, p1 = _sc_segment_sum(x5, e3, zeros)
    t = jnp.stack([p0, p1]).transpose(0, 2, 1)

    wl1 = jnp.concatenate([W_p1.T, W_c1.T], axis=0)
    wl2 = jnp.zeros((96, 128), f32)
    wl2 = wl2.at[0:64, 0:64].set(W_p2.T).at[64:96, 64:128].set(W_c2.T)

    out = _tc_dense(
        t,
        app_edge_index,
        app_edge_index.T,
        app_x.T,
        W_a1.T,
        W_a2.T,
        W_ar.T,
        wl1,
        wl2,
        W_an.T,
        v_att.reshape(T_TASKS, 1),
        W_v,
        requests_left,
        jnp.asarray(action, jnp.int32).reshape(1),
    )
    return out[0, 0:3]

# --- scband reference (transcript-rebuilt; emitter-appended) ---
"""Pipeline reference for scband-actor-critic-worker-14516989461159 (READ-ONLY COPY).

The authoritative reference and input builder live on the scoring server;
editing this copy changes nothing except your own understanding.
"""

import jax, jax.numpy as jnp
import numpy as np

N_NODES = 100000
N_EDGES = 1600000
T_TASKS = 32
E_APP = 64

def _gcn_aggregate(x, src, dst, num_nodes):
    agg = jax.ops.segment_sum(x[src], dst, num_segments=num_nodes)
    deg = jax.ops.segment_sum(jnp.ones((src.shape[0],), x.dtype), dst, num_segments=num_nodes)
    return agg / jnp.maximum(deg, 1.0)[:, None]

def setup_inputs(seed: int = 0):
    key = jax.random.key(seed)
    ks = jax.random.split(key, 20)
    inp = {}
    inp["x"] = jax.random.normal(ks[0], (N_NODES, 4), dtype=jnp.float32)
    inp["edge_index"] = jax.random.randint(ks[1], (2, N_EDGES), 0, N_NODES, dtype=jnp.int32)
    inp["app_x"] = jax.random.normal(ks[2], (T_TASKS, 3), dtype=jnp.float32)
    inp["app_edge_index"] = jax.random.randint(ks[3], (2, E_APP), 0, T_TASKS, dtype=jnp.int32)
    inp["requests_left"] = jax.random.uniform(ks[4], (1,), dtype=jnp.float32)
    inp["action"] = 4242
    inp["W_a1"] = jax.random.normal(ks[5], (3, 16), dtype=jnp.float32) * 0.1
    inp["W_a2"] = jax.random.normal(ks[6], (16, 3), dtype=jnp.float32) * 0.1
    inp["W_p1"] = jax.random.normal(ks[7], (4, 64), dtype=jnp.float32) * 0.1
    inp["W_p2"] = jax.random.normal(ks[8], (64, 64), dtype=jnp.float32) * 0.1
    inp["W_an"] = jax.random.normal(ks[9], (64, 32), dtype=jnp.float32) * 0.1
    inp["W_ar"] = jax.random.normal(ks[10], (4, 32), dtype=jnp.float32) * 0.1
    inp["v_att"] = jax.random.normal(ks[11], (32,), dtype=jnp.float32) * 0.1
    inp["W_c1"] = jax.random.normal(ks[12], (4, 64), dtype=jnp.float32) * 0.1
    inp["W_c2"] = jax.random.normal(ks[13], (64, 32), dtype=jnp.float32) * 0.1
    inp["W_v"] = jax.random.normal(ks[14], (36, 1), dtype=jnp.float32) * 0.1
    return inp

def reference(x, edge_index, app_x, app_edge_index, requests_left, action,
              W_a1, W_a2, W_p1, W_p2, W_an, W_ar, v_att, W_c1, W_c2, W_v):
    src, dst = edge_index[0], edge_index[1]
    asrc, adst = app_edge_index[0], app_edge_index[1]
    # application GNN (GNNApplication): 2 message-passing layers -> graph embedding
    h_app = jax.nn.relu(_gcn_aggregate(app_x, asrc, adst, T_TASKS) @ W_a1)
    h_app = _gcn_aggregate(h_app, asrc, adst, T_TASKS) @ W_a2
    req_emb = jnp.mean(h_app, axis=0)
    # concat requests_left (embedding_dim = application_embedding_dim + 1 = 4)
    req = jnp.concatenate([req_emb, requests_left], axis=0)
    # policy GNN (GNNAttention): message passing over infra graph + attention on request embedding
    h = jax.nn.relu(_gcn_aggregate(x, src, dst, N_NODES) @ W_p1)
    h = jax.nn.relu(h @ W_p2)
    att = jnp.tanh(h @ W_an + req @ W_ar)
    node_scores = att @ v_att
    logp = jax.nn.log_softmax(node_scores)
    probs = jnp.exp(logp)
    action_logprob = logp[action]
    entropy = -jnp.sum(probs * logp)
    # critic GNN (GNNCritic): message passing + global mean pool + value head
    hc = jax.nn.relu(_gcn_aggregate(x, src, dst, N_NODES) @ W_c1)
    hc = jax.nn.relu(hc @ W_c2)
    pooled = jnp.mean(hc, axis=0)
    state_value = (jnp.concatenate([pooled, req], axis=0) @ W_v)[0]
    return jnp.stack([action_logprob, state_value, entropy])

if __name__ == "__main__":
    import jax
    _d = setup_inputs()
    print(jax.jit(kernel)(*tuple(_d.values())))

</pallas_src>

<mosaic_0001>
#map = affine_map<(d0, d1) -> (0, 0)>
#map1 = affine_map<(d0, d1) -> (0, 0, 0)>
module attributes {stable_mosaic.version = 14 : i64} {
  func.func @body(%arg0: i32, %arg1: i32, %arg2: memref<100000x8xf32, #tpu.memory_space<hbm>>, %arg3: memref<2x12500x128xi32, #tpu.memory_space<hbm>>, %arg4: memref<6272x8xf32, #tpu.memory_space<hbm>>, %arg5: memref<100352x8xf32, #tpu.memory_space<hbm>>, %arg6: memref<100352x8xf32, #tpu.memory_space<hbm>>, %arg7: memref<100352x8xf32, #tpu.memory_space<vmem_shared>>, %arg8: memref<2x4x128xi32, #tpu.memory_space<vmem>>, %arg9: memref<2x4x128xi32, #tpu.memory_space<vmem>>, %arg10: memref<2x512x8xf32, #tpu.memory_space<vmem>>, %arg11: memref<!tpu.dma_semaphore, #tpu.memory_space<semaphore_mem>>, %arg12: memref<!tpu.dma_semaphore, #tpu.memory_space<semaphore_mem>>) attributes {dimension_semantics = [#tpu.dimension_semantics<core_parallel>, #tpu.dimension_semantics<subcore_parallel>], iteration_bounds = array<i64: 2, 16>, scalar_prefetch = 0 : i64, scratch_operands = 6 : i64, tpu.core_type = #tpu.core_type<sc_vector_subcore>, window_params = [{transform_indices = #map}, {transform_indices = #map1}, {transform_indices = #map}, {transform_indices = #map}, {transform_indices = #map}]} {
    %mul3A = arith.constant 16 : i32
    %mul3A_0 = arith.muli %arg0, %mul3A : i32
    %add3A = arith.addi %mul3A_0, %arg1 : i32
    %mul3A_1 = arith.constant 6272 : i32
    %mul3A_2 = arith.muli %arg1, %mul3A_1 : i32
    "tpu.region"() ({
      %run_scoped3A = tpu.sem_alloc : memref<!tpu.dma_semaphore, #tpu.memory_space<semaphore_mem>>
      %dma_start3A = arith.constant 0 : i32
      %dma_start3A_30 = tpu.memref_slice %arg7[%mul3A_2, %dma_start3A] : memref<100352x8xf32, #tpu.memory_space<vmem_shared>> -> memref<6272x8xf32, #tpu.memory_space<vmem_shared>>
      tpu.enqueue_dma source(%arg4 : memref<6272x8xf32, #tpu.memory_space<hbm>>) target(%dma_start3A_30 : memref<6272x8xf32, #tpu.memory_space<vmem_shared>>) target_semaphore(%run_scoped3A : memref<!tpu.dma_semaphore, #tpu.memory_space<semaphore_mem>>)
      %dma_wait3A = arith.constant 0 : i32
      %dma_wait3A_31 = tpu.memref_slice %arg7[%mul3A_2, %dma_wait3A] : memref<100352x8xf32, #tpu.memory_space<vmem_shared>> -> memref<6272x8xf32, #tpu.memory_space<vmem_shared>>
      tpu.wait_dma2 semaphore(%run_scoped3A : memref<!tpu.dma_semaphore, #tpu.memory_space<semaphore_mem>>) src(%arg4 : memref<6272x8xf32, #tpu.memory_space<hbm>>) dst(%dma_wait3A_31 : memref<6272x8xf32, #tpu.memory_space<vmem_shared>>)
      tpu.yield
    }) : () -> ()
    %barrier3A = arith.constant 0 : index
    tpu.barrier barrier_id(%barrier3A)
    %mul3A_3 = arith.constant 392 : i32
    %mul3A_4 = arith.muli %add3A, %mul3A_3 : i32
    %eq3A = arith.constant 31 : i32
    %eq3A_5 = arith.cmpi eq, %add3A, %eq3A : i32
    %jit3A = arith.constant 43 : i32
    %jit3A_6 = arith.constant 49 : i32
    %select_n3A = arith.select %eq3A_5, %jit3A, %jit3A_6 : i32
    %while3A = arith.constant 0 : i32
    %while3A_7 = arith.constant 0 : i32
    %while3A_8 = arith.subi %select_n3A, %while3A_7 : i32
    %while3A_9 = arith.addi %while3A_7, %while3A_8 : i32
    %while3A_10 = arith.constant 1 : i32
    %while3A_11 = arith.divsi %while3A_8, %while3A_10 : i32
    %while3A_12 = arith.muli %while3A_11, %while3A_10 : i32
    %while3A_13 = arith.addi %while3A_7, %while3A_12 : i32
    %while3A_14 = arith.constant 1 : i32
    scf.for %while3A_30 = %while3A_7 to %while3A_13 step %while3A_14  : i32 {
      %mul3A_31 = arith.constant 2 : i32
      %mul3A_32 = arith.muli %while3A_30, %mul3A_31 : i32
      %mul3A_33 = arith.constant 4 : i32
      %mul3A_34 = arith.muli %mul3A_32, %mul3A_33 : i32
      %add3A_35 = arith.addi %mul3A_4, %mul3A_34 : i32
      %run_scoped3A = arith.constant 0 : i32
      %run_scoped3A_36 = arith.constant 0 : i32
      "tpu.region"() ({
        %run_scoped3A_278 = tpu.sem_alloc : memref<!tpu.dma_semaphore, #tpu.memory_space<semaphore_mem>>
        %dma_start3A_279 = arith.constant 0 : i32
        %dma_start3A_280 = arith.constant 0 : i32
        %dma_start3A_281 = tpu.memref_slice %arg8[%run_scoped3A_36, %dma_start3A_279, %dma_start3A_280] : memref<2x4x128xi32, #tpu.memory_space<vmem>> -> memref<1x4x128xi32, #tpu.memory_space<vmem>>
        %dma_start3A_282 = tpu.memref_squeeze %dma_start3A_281 : memref<1x4x128xi32, #tpu.memory_space<vmem>> -> memref<4x128xi32, #tpu.memory_space<vmem>>
        %dma_start3A_283 = arith.constant 0 : i32
        %dma_start3A_284 = tpu.memref_slice %arg3[%run_scoped3A, %add3A_35, %dma_start3A_283] : memref<2x12500x128xi32, #tpu.memory_space<hbm>> -> memref<1x4x128xi32, #tpu.memory_space<hbm>>
        %dma_start3A_285 = tpu.memref_squeeze %dma_start3A_284 : memref<1x4x128xi32, #tpu.memory_space<hbm>> -> memref<4x128xi32, #tpu.memory_space<hbm>>
        %dma_start3A_286 = arith.constant 0 : i32
        %dma_start3A_287 = arith.constant 0 : i32
        %dma_start3A_288 = tpu.memref_slice %arg8[%run_scoped3A_36, %dma_start3A_286, %dma_start3A_287] : memref<2x4x128xi32, #tpu.memory_space<vmem>> -> memref<1x4x128xi32, #tpu.memory_space<vmem>>
        %dma_start3A_289 = tpu.memref_squeeze %dma_start3A_288 : memref<1x4x128xi32, #tpu.memory_space<vmem>> -> memref<4x128xi32, #tpu.memory_space<vmem>>
        %dma_start3A_290 = arith.constant 0 : i32
        %dma_start3A_291 = tpu.memref_slice %arg3[%run_scoped3A, %add3A_35, %dma_start3A_290] : memref<2x12500x128xi32, #tpu.memory_space<hbm>> -> memref<1x4x128xi32, #tpu.memory_space<hbm>>
        %dma_start3A_292 = tpu.memref_squeeze %dma_start3A_291 : memref<1x4x128xi32, #tpu.memory_space<hbm>> -> memref<4x128xi32, #tpu.memory_space<hbm>>
        tpu.enqueue_dma source(%dma_start3A_292 : memref<4x128xi32, #tpu.memory_space<hbm>>) target(%dma_start3A_289 : memref<4x128xi32, #tpu.memory_space<vmem>>) target_semaphore(%run_scoped3A_278 : memref<!tpu.dma_semaphore, #tpu.memory_space<semaphore_mem>>)
        %dma_wait3A_293 = arith.constant 0 : i32
        %dma_wait3A_294 = arith.constant 0 : i32
        %dma_wait3A_295 = tpu.memref_slice %arg8[%run_scoped3A_36, %dma_wait3A_293, %dma_wait3A_294] : memref<2x4x128xi32, #tpu.memory_space<vmem>> -> memref<1x4x128xi32, #tpu.memory_space<vmem>>
        %dma_wait3A_296 = tpu.memref_squeeze %dma_wait3A_295 : memref<1x4x128xi32, #tpu.memory_space<vmem>> -> memref<4x128xi32, #tpu.memory_space<vmem>>
        %dma_wait3A_297 = arith.constant 0 : i32
        %dma_wait3A_298 = tpu.memref_slice %arg3[%run_scoped3A, %add3A_35, %dma_wait3A_297] : memref<2x12500x128xi32, #tpu.memory_space<hbm>> -> memref<1x4x128xi32, #tpu.memory_space<hbm>>
        %dma_wait3A_299 = tpu.memref_squeeze %dma_wait3A_298 : memref<1x4x128xi32, #tpu.memory_space<hbm>> -> memref<4x128xi32, #tpu.memory_space<hbm>>
        %dma_wait3A_300 = arith.constant 0 : i32
        %dma_wait3A_301 = arith.constant 0 : i32
        %dma_wait3A_302 = tpu.memref_slice %arg8[%run_scoped3A_36, %dma_wait3A_300, %dma_wait3A_301] : memref<2x4x128xi32, #tpu.memory_space<vmem>> -> memref<1x4x128xi32, #tpu.memory_space<vmem>>
        %dma_wait3A_303 = tpu.memref_squeeze %dma_wait3A_302 : memref<1x4x128xi32, #tpu.memory_space<vmem>> -> memref<4x128xi32, #tpu.memory_space<vmem>>
        %dma_wait3A_304 = arith.constant 0 : i32
        %dma_wait3A_305 = tpu.memref_slice %arg3[%run_scoped3A, %add3A_35, %dma_wait3A_304] : memref<2x12500x128xi32, #tpu.memory_space<hbm>> -> memref<1x4x128xi32, #tpu.memory_space<hbm>>
        %dma_wait3A_306 = tpu.memref_squeeze %dma_wait3A_305 : memref<1x4x128xi32, #tpu.memory_space<hbm>> -> memref<4x128xi32, #tpu.memory_space<hbm>>
        tpu.wait_dma2 semaphore(%run_scoped3A_278 : memref<!tpu.dma_semaphore, #tpu.memory_space<semaphore_mem>>) src(%dma_wait3A_306 : memref<4x128xi32, #tpu.memory_space<hbm>>) dst(%dma_wait3A_303 : memref<4x128xi32, #tpu.memory_space<vmem>>)
        tpu.yield
      }) : () -> ()
      %run_scoped3A_37 = arith.constant 1 : i32
      %run_scoped3A_38 = arith.constant 0 : i32
      "tpu.region"() ({
        %run_scoped3A_278 = tpu.sem_alloc : memref<!tpu.dma_semaphore, #tpu.memory_space<semaphore_mem>>
        %dma_start3A_279 = arith.constant 0 : i32
        %dma_start3A_280 = arith.constant 0 : i32
        %dma_start3A_281 = tpu.memref_slice %arg9[%run_scoped3A_38, %dma_start3A_279, %dma_start3A_280] : memref<2x4x128xi32, #tpu.memory_space<vmem>> -> memref<1x4x128xi32, #tpu.memory_space<vmem>>
        %dma_start3A_282 = tpu.memref_squeeze %dma_start3A_281 : memref<1x4x128xi32, #tpu.memory_space<vmem>> -> memref<4x128xi32, #tpu.memory_space<vmem>>
        %dma_start3A_283 = arith.constant 0 : i32
        %dma_start3A_284 = tpu.memref_slice %arg3[%run_scoped3A_37, %add3A_35, %dma_start3A_283] : memref<2x12500x128xi32, #tpu.memory_space<hbm>> -> memref<1x4x128xi32, #tpu.memory_space<hbm>>
        %dma_start3A_285 = tpu.memref_squeeze %dma_start3A_284 : memref<1x4x128xi32, #tpu.memory_space<hbm>> -> memref<4x128xi32, #tpu.memory_space<hbm>>
        %dma_start3A_286 = arith.constant 0 : i32
        %dma_start3A_287 = arith.constant 0 : i32
        %dma_start3A_288 = tpu.memref_slice %arg9[%run_scoped3A_38, %dma_start3A_286, %dma_start3A_287] : memref<2x4x128xi32, #tpu.memory_space<vmem>> -> memref<1x4x128xi32, #tpu.memory_space<vmem>>
        %dma_start3A_289 = tpu.memref_squeeze %dma_start3A_288 : memref<1x4x128xi32, #tpu.memory_space<vmem>> -> memref<4x128xi32, #tpu.memory_space<vmem>>
        %dma_start3A_290 = arith.constant 0 : i32
        %dma_start3A_291 = tpu.memref_slice %arg3[%run_scoped3A_37, %add3A_35, %dma_start3A_290] : memref<2x12500x128xi32, #tpu.memory_space<hbm>> -> memref<1x4x128xi32, #tpu.memory_space<hbm>>
        %dma_start3A_292 = tpu.memref_squeeze %dma_start3A_291 : memref<1x4x128xi32, #tpu.memory_space<hbm>> -> memref<4x128xi32, #tpu.memory_space<hbm>>
        tpu.enqueue_dma source(%dma_start3A_292 : memref<4x128xi32, #tpu.memory_space<hbm>>) target(%dma_start3A_289 : memref<4x128xi32, #tpu.memory_space<vmem>>) target_semaphore(%run_scoped3A_278 : memref<!tpu.dma_semaphore, #tpu.memory_space<semaphore_mem>>)
        %dma_wait3A_293 = arith.constant 0 : i32
        %dma_wait3A_294 = arith.constant 0 : i32
        %dma_wait3A_295 = tpu.memref_slice %arg9[%run_scoped3A_38, %dma_wait3A_293, %dma_wait3A_294] : memref<2x4x128xi32, #tpu.memory_space<vmem>> -> memref<1x4x128xi32, #tpu.memory_space<vmem>>
        %dma_wait3A_296 = tpu.memref_squeeze %dma_wait3A_295 : memref<1x4x128xi32, #tpu.memory_space<vmem>> -> memref<4x128xi32, #tpu.memory_space<vmem>>
        %dma_wait3A_297 = arith.constant 0 : i32
        %dma_wait3A_298 = tpu.memref_slice %arg3[%run_scoped3A_37, %add3A_35, %dma_wait3A_297] : memref<2x12500x128xi32, #tpu.memory_space<hbm>> -> memref<1x4x128xi32, #tpu.memory_space<hbm>>
        %dma_wait3A_299 = tpu.memref_squeeze %dma_wait3A_298 : memref<1x4x128xi32, #tpu.memory_space<hbm>> -> memref<4x128xi32, #tpu.memory_space<hbm>>
        %dma_wait3A_300 = arith.constant 0 : i32
        %dma_wait3A_301 = arith.constant 0 : i32
        %dma_wait3A_302 = tpu.memref_slice %arg9[%run_scoped3A_38, %dma_wait3A_300, %dma_wait3A_301] : memref<2x4x128xi32, #tpu.memory_space<vmem>> -> memref<1x4x128xi32, #tpu.memory_space<vmem>>
        %dma_wait3A_303 = tpu.memref_squeeze %dma_wait3A_302 : memref<1x4x128xi32, #tpu.memory_space<vmem>> -> memref<4x128xi32, #tpu.memory_space<vmem>>
        %dma_wait3A_304 = arith.constant 0 : i32
        %dma_wait3A_305 = tpu.memref_slice %arg3[%run_scoped3A_37, %add3A_35, %dma_wait3A_304] : memref<2x12500x128xi32, #tpu.memory_space<hbm>> -> memref<1x4x128xi32, #tpu.memory_space<hbm>>
        %dma_wait3A_306 = tpu.memref_squeeze %dma_wait3A_305 : memref<1x4x128xi32, #tpu.memory_space<hbm>> -> memref<4x128xi32, #tpu.memory_space<hbm>>
        tpu.wait_dma2 semaphore(%run_scoped3A_278 : memref<!tpu.dma_semaphore, #tpu.memory_space<semaphore_mem>>) src(%dma_wait3A_306 : memref<4x128xi32, #tpu.memory_space<hbm>>) dst(%dma_wait3A_303 : memref<4x128xi32, #tpu.memory_space<vmem>>)
        tpu.yield
      }) : () -> ()
      %dma_start3A = arith.constant 0 : i32
      %dma_start3A_39 = arith.constant 0 : i32
      %dma_start3A_40 = arith.constant 0 : i32
      %dma_start3A_41 = arith.constant 0 : i32
      %dma_start3A_42 = arith.constant 0 : i32
      %dma_start3A_43 = tpu.memref_slice %arg10[%dma_start3A_40, %dma_start3A_41, %dma_start3A_42] : memref<2x512x8xf32, #tpu.memory_space<vmem>> -> memref<1x128x8xf32, #tpu.memory_space<vmem>>
      %dma_start3A_44 = tpu.memref_squeeze %dma_start3A_43 : memref<1x128x8xf32, #tpu.memory_space<vmem>> -> memref<128x8xf32, #tpu.memory_space<vmem>>
      %dma_start3A_45 = arith.constant 0 : i32
      %dma_start3A_46 = tpu.memref_slice %arg8[%dma_start3A, %dma_start3A_39, %dma_start3A_45] : memref<2x4x128xi32, #tpu.memory_space<vmem>> -> memref<1x1x128xi32, #tpu.memory_space<vmem>>
      %dma_start3A_47 = tpu.memref_squeeze %dma_start3A_46 : memref<1x1x128xi32, #tpu.memory_space<vmem>> -> memref<128xi32, #tpu.memory_space<vmem>>
      %dma_start3A_48 = arith.constant 0 : i32
      %dma_start3A_49 = arith.constant 0 : i32
      %dma_start3A_50 = tpu.memref_slice %arg2[%dma_start3A_48, %dma_start3A_49] : memref<100000x8xf32, #tpu.memory_space<hbm>> -> memref<100000x8xf32, #tpu.memory_space<hbm>>
      tpu.enqueue_indirect_dma source(%dma_start3A_50 : memref<100000x8xf32, #tpu.memory_space<hbm>>) target(%dma_start3A_44 : memref<128x8xf32, #tpu.memory_space<vmem>>) offsets(%dma_start3A_47 : memref<128xi32, #tpu.memory_space<vmem>>) semaphore(%arg11 : memref<!tpu.dma_semaphore, #tpu.memory_space<semaphore_mem>>)
      %dma_start3A_51 = arith.constant 0 : i32
      %dma_start3A_52 = arith.constant 1 : i32
      %dma_start3A_53 = arith.constant 0 : i32
      %dma_start3A_54 = arith.constant 128 : i32
      %dma_start3A_55 = arith.constant 0 : i32
      %dma_start3A_56 = tpu.memref_slice %arg10[%dma_start3A_53, %dma_start3A_54, %dma_start3A_55] : memref<2x512x8xf32, #tpu.memory_space<vmem>> -> memref<1x128x8xf32, #tpu.memory_space<vmem>>
      %dma_start3A_57 = tpu.memref_squeeze %dma_start3A_56 : memref<1x128x8xf32, #tpu.memory_space<vmem>> -> memref<128x8xf32, #tpu.memory_space<vmem>>
      %dma_start3A_58 = arith.constant 0 : i32
      %dma_start3A_59 = tpu.memref_slice %arg8[%dma_start3A_51, %dma_start3A_52, %dma_start3A_58] : memref<2x4x128xi32, #tpu.memory_space<vmem>> -> memref<1x1x128xi32, #tpu.memory_space<vmem>>
      %dma_start3A_60 = tpu.memref_squeeze %dma_start3A_59 : memref<1x1x128xi32, #tpu.memory_space<vmem>> -> memref<128xi32, #tpu.memory_space<vmem>>
      %dma_start3A_61 = arith.constant 0 : i32
      %dma_start3A_62 = arith.constant 0 : i32
      %dma_start3A_63 = tpu.memref_slice %arg2[%dma_start3A_61, %dma_start3A_62] : memref<100000x8xf32, #tpu.memory_space<hbm>> -> memref<100000x8xf32, #tpu.memory_space<hbm>>
      tpu.enqueue_indirect_dma source(%dma_start3A_63 : memref<100000x8xf32, #tpu.memory_space<hbm>>) target(%dma_start3A_57 : memref<128x8xf32, #tpu.memory_space<vmem>>) offsets(%dma_start3A_60 : memref<128xi32, #tpu.memory_space<vmem>>) semaphore(%arg11 : memref<!tpu.dma_semaphore, #tpu.memory_space<semaphore_mem>>)
      %dma_start3A_64 = arith.constant 0 : i32
      %dma_start3A_65 = arith.constant 2 : i32
      %dma_start3A_66 = arith.constant 0 : i32
      %dma_start3A_67 = arith.constant 256 : i32
      %dma_start3A_68 = arith.constant 0 : i32
      %dma_start3A_69 = tpu.memref_slice %arg10[%dma_start3A_66, %dma_start3A_67, %dma_start3A_68] : memref<2x512x8xf32, #tpu.memory_space<vmem>> -> memref<1x128x8xf32, #tpu.memory_space<vmem>>
      %dma_start3A_70 = tpu.memref_squeeze %dma_start3A_69 : memref<1x128x8xf32, #tpu.memory_space<vmem>> -> memref<128x8xf32, #tpu.memory_space<vmem>>
      %dma_start3A_71 = arith.constant 0 : i32
      %dma_start3A_72 = tpu.memref_slice %arg8[%dma_start3A_64, %dma_start3A_65, %dma_start3A_71] : memref<2x4x128xi32, #tpu.memory_space<vmem>> -> memref<1x1x128xi32, #tpu.memory_space<vmem>>
      %dma_start3A_73 = tpu.memref_squeeze %dma_start3A_72 : memref<1x1x128xi32, #tpu.memory_space<vmem>> -> memref<128xi32, #tpu.memory_space<vmem>>
      %dma_start3A_74 = arith.constant 0 : i32
      %dma_start3A_75 = arith.constant 0 : i32
      %dma_start3A_76 = tpu.memref_slice %arg2[%dma_start3A_74, %dma_start3A_75] : memref<100000x8xf32, #tpu.memory_space<hbm>> -> memref<100000x8xf32, #tpu.memory_space<hbm>>
      tpu.enqueue_indirect_dma source(%dma_start3A_76 : memref<100000x8xf32, #tpu.memory_space<hbm>>) target(%dma_start3A_70 : memref<128x8xf32, #tpu.memory_space<vmem>>) offsets(%dma_start3A_73 : memref<128xi32, #tpu.memory_space<vmem>>) semaphore(%arg11 : memref<!tpu.dma_semaphore, #tpu.memory_space<semaphore_mem>>)
      %dma_start3A_77 = arith.constant 0 : i32
      %dma_start3A_78 = arith.constant 3 : i32
      %dma_start3A_79 = arith.constant 0 : i32
      %dma_start3A_80 = arith.constant 384 : i32
      %dma_start3A_81 = arith.constant 0 : i32
      %dma_start3A_82 = tpu.memref_slice %arg10[%dma_start3A_79, %dma_start3A_80, %dma_start3A_81] : memref<2x512x8xf32, #tpu.memory_space<vmem>> -> memref<1x128x8xf32, #tpu.memory_space<vmem>>
      %dma_start3A_83 = tpu.memref_squeeze %dma_start3A_82 : memref<1x128x8xf32, #tpu.memory_space<vmem>> -> memref<128x8xf32, #tpu.memory_space<vmem>>
      %dma_start3A_84 = arith.constant 0 : i32
      %dma_start3A_85 = tpu.memref_slice %arg8[%dma_start3A_77, %dma_start3A_78, %dma_start3A_84] : memref<2x4x128xi32, #tpu.memory_space<vmem>> -> memref<1x1x128xi32, #tpu.memory_space<vmem>>
      %dma_start3A_86 = tpu.memref_squeeze %dma_start3A_85 : memref<1x1x128xi32, #tpu.memory_space<vmem>> -> memref<128xi32, #tpu.memory_space<vmem>>
      %dma_start3A_87 = arith.constant 0 : i32
      %dma_start3A_88 = arith.constant 0 : i32
      %dma_start3A_89 = tpu.memref_slice %arg2[%dma_start3A_87, %dma_start3A_88] : memref<100000x8xf32, #tpu.memory_space<hbm>> -> memref<100000x8xf32, #tpu.memory_space<hbm>>
      tpu.enqueue_indirect_dma source(%dma_start3A_89 : memref<100000x8xf32, #tpu.memory_space<hbm>>) target(%dma_start3A_83 : memref<128x8xf32, #tpu.memory_space<vmem>>) offsets(%dma_start3A_86 : memref<128xi32, #tpu.memory_space<vmem>>) semaphore(%arg11 : memref<!tpu.dma_semaphore, #tpu.memory_space<semaphore_mem>>)
      %add3A_90 = arith.constant 1 : i32
      %add3A_91 = arith.addi %mul3A_32, %add3A_90 : i32
      %mul3A_92 = arith.constant 4 : i32
      %mul3A_93 = arith.muli %add3A_91, %mul3A_92 : i32
      %add3A_94 = arith.addi %mul3A_4, %mul3A_93 : i32
      %run_scoped3A_95 = arith.constant 0 : i32
      %run_scoped3A_96 = arith.constant 1 : i32
      "tpu.region"() ({
        %run_scoped3A_278 = tpu.sem_alloc : memref<!tpu.dma_semaphore, #tpu.memory_space<semaphore_mem>>
        %dma_start3A_279 = arith.constant 0 : i32
        %dma_start3A_280 = arith.constant 0 : i32
        %dma_start3A_281 = tpu.memref_slice %arg8[%run_scoped3A_96, %dma_start3A_279, %dma_start3A_280] : memref<2x4x128xi32, #tpu.memory_space<vmem>> -> memref<1x4x128xi32, #tpu.memory_space<vmem>>
        %dma_start3A_282 = tpu.memref_squeeze %dma_start3A_281 : memref<1x4x128xi32, #tpu.memory_space<vmem>> -> memref<4x128xi32, #tpu.memory_space<vmem>>
        %dma_start3A_283 = arith.constant 0 : i32
        %dma_start3A_284 = tpu.memref_slice %arg3[%run_scoped3A_95, %add3A_94, %dma_start3A_283] : memref<2x12500x128xi32, #tpu.memory_space<hbm>> -> memref<1x4x128xi32, #tpu.memory_space<hbm>>
        %dma_start3A_285 = tpu.memref_squeeze %dma_start3A_284 : memref<1x4x128xi32, #tpu.memory_space<hbm>> -> memref<4x128xi32, #tpu.memory_space<hbm>>
        %dma_start3A_286 = arith.constant 0 : i32
        %dma_start3A_287 = arith.constant 0 : i32
        %dma_start3A_288 = tpu.memref_slice %arg8[%run_scoped3A_96, %dma_start3A_286, %dma_start3A_287] : memref<2x4x128xi32, #tpu.memory_space<vmem>> -> memref<1x4x128xi32, #tpu.memory_space<vmem>>
        %dma_start3A_289 = tpu.memref_squeeze %dma_start3A_288 : memref<1x4x128xi32, #tpu.memory_space<vmem>> -> memref<4x128xi32, #tpu.memory_space<vmem>>
        %dma_start3A_290 = arith.constant 0 : i32
        %dma_start3A_291 = tpu.memref_slice %arg3[%run_scoped3A_95, %add3A_94, %dma_start3A_290] : memref<2x12500x128xi32, #tpu.memory_space<hbm>> -> memref<1x4x128xi32, #tpu.memory_space<hbm>>
        %dma_start3A_292 = tpu.memref_squeeze %dma_start3A_291 : memref<1x4x128xi32, #tpu.memory_space<hbm>> -> memref<4x128xi32, #tpu.memory_space<hbm>>
        tpu.enqueue_dma source(%dma_start3A_292 : memref<4x128xi32, #tpu.memory_space<hbm>>) target(%dma_start3A_289 : memref<4x128xi32, #tpu.memory_space<vmem>>) target_semaphore(%run_scoped3A_278 : memref<!tpu.dma_semaphore, #tpu.memory_space<semaphore_mem>>)
        %dma_wait3A_293 = arith.constant 0 : i32
        %dma_wait3A_294 = arith.constant 0 : i32
        %dma_wait3A_295 = tpu.memref_slice %arg8[%run_scoped3A_96, %dma_wait3A_293, %dma_wait3A_294] : memref<2x4x128xi32, #tpu.memory_space<vmem>> -> memref<1x4x128xi32, #tpu.memory_space<vmem>>
        %dma_wait3A_296 = tpu.memref_squeeze %dma_wait3A_295 : memref<1x4x128xi32, #tpu.memory_space<vmem>> -> memref<4x128xi32, #tpu.memory_space<vmem>>
        %dma_wait3A_297 = arith.constant 0 : i32
        %dma_wait3A_298 = tpu.memref_slice %arg3[%run_scoped3A_95, %add3A_94, %dma_wait3A_297] : memref<2x12500x128xi32, #tpu.memory_space<hbm>> -> memref<1x4x128xi32, #tpu.memory_space<hbm>>
        %dma_wait3A_299 = tpu.memref_squeeze %dma_wait3A_298 : memref<1x4x128xi32, #tpu.memory_space<hbm>> -> memref<4x128xi32, #tpu.memory_space<hbm>>
        %dma_wait3A_300 = arith.constant 0 : i32
        %dma_wait3A_301 = arith.constant 0 : i32
        %dma_wait3A_302 = tpu.memref_slice %arg8[%run_scoped3A_96, %dma_wait3A_300, %dma_wait3A_301] : memref<2x4x128xi32, #tpu.memory_space<vmem>> -> memref<1x4x128xi32, #tpu.memory_space<vmem>>
        %dma_wait3A_303 = tpu.memref_squeeze %dma_wait3A_302 : memref<1x4x128xi32, #tpu.memory_space<vmem>> -> memref<4x128xi32, #tpu.memory_space<vmem>>
        %dma_wait3A_304 = arith.constant 0 : i32
        %dma_wait3A_305 = tpu.memref_slice %arg3[%run_scoped3A_95, %add3A_94, %dma_wait3A_304] : memref<2x12500x128xi32, #tpu.memory_space<hbm>> -> memref<1x4x128xi32, #tpu.memory_space<hbm>>
        %dma_wait3A_306 = tpu.memref_squeeze %dma_wait3A_305 : memref<1x4x128xi32, #tpu.memory_space<hbm>> -> memref<4x128xi32, #tpu.memory_space<hbm>>
        tpu.wait_dma2 semaphore(%run_scoped3A_278 : memref<!tpu.dma_semaphore, #tpu.memory_space<semaphore_mem>>) src(%dma_wait3A_306 : memref<4x128xi32, #tpu.memory_space<hbm>>) dst(%dma_wait3A_303 : memref<4x128xi32, #tpu.memory_space<vmem>>)
        tpu.yield
      }) : () -> ()
      %run_scoped3A_97 = arith.constant 1 : i32
      %run_scoped3A_98 = arith.constant 1 : i32
      "tpu.region"() ({
        %run_scoped3A_278 = tpu.sem_alloc : memref<!tpu.dma_semaphore, #tpu.memory_space<semaphore_mem>>
        %dma_start3A_279 = arith.constant 0 : i32
        %dma_start3A_280 = arith.constant 0 : i32
        %dma_start3A_281 = tpu.memref_slice %arg9[%run_scoped3A_98, %dma_start3A_279, %dma_start3A_280] : memref<2x4x128xi32, #tpu.memory_space<vmem>> -> memref<1x4x128xi32, #tpu.memory_space<vmem>>
        %dma_start3A_282 = tpu.memref_squeeze %dma_start3A_281 : memref<1x4x128xi32, #tpu.memory_space<vmem>> -> memref<4x128xi32, #tpu.memory_space<vmem>>
        %dma_start3A_283 = arith.constant 0 : i32
        %dma_start3A_284 = tpu.memref_slice %arg3[%run_scoped3A_97, %add3A_94, %dma_start3A_283] : memref<2x12500x128xi32, #tpu.memory_space<hbm>> -> memref<1x4x128xi32, #tpu.memory_space<hbm>>
        %dma_start3A_285 = tpu.memref_squeeze %dma_start3A_284 : memref<1x4x128xi32, #tpu.memory_space<hbm>> -> memref<4x128xi32, #tpu.memory_space<hbm>>
        %dma_start3A_286 = arith.constant 0 : i32
        %dma_start3A_287 = arith.constant 0 : i32
        %dma_start3A_288 = tpu.memref_slice %arg9[%run_scoped3A_98, %dma_start3A_286, %dma_start3A_287] : memref<2x4x128xi32, #tpu.memory_space<vmem>> -> memref<1x4x128xi32, #tpu.memory_space<vmem>>
        %dma_start3A_289 = tpu.memref_squeeze %dma_start3A_288 : memref<1x4x128xi32, #tpu.memory_space<vmem>> -> memref<4x128xi32, #tpu.memory_space<vmem>>
        %dma_start3A_290 = arith.constant 0 : i32
        %dma_start3A_291 = tpu.memref_slice %arg3[%run_scoped3A_97, %add3A_94, %dma_start3A_290] : memref<2x12500x128xi32, #tpu.memory_space<hbm>> -> memref<1x4x128xi32, #tpu.memory_space<hbm>>
        %dma_start3A_292 = tpu.memref_squeeze %dma_start3A_291 : memref<1x4x128xi32, #tpu.memory_space<hbm>> -> memref<4x128xi32, #tpu.memory_space<hbm>>
        tpu.enqueue_dma source(%dma_start3A_292 : memref<4x128xi32, #tpu.memory_space<hbm>>) target(%dma_start3A_289 : memref<4x128xi32, #tpu.memory_space<vmem>>) target_semaphore(%run_scoped3A_278 : memref<!tpu.dma_semaphore, #tpu.memory_space<semaphore_mem>>)
        %dma_wait3A_293 = arith.constant 0 : i32
        %dma_wait3A_294 = arith.constant 0 : i32
        %dma_wait3A_295 = tpu.memref_slice %arg9[%run_scoped3A_98, %dma_wait3A_293, %dma_wait3A_294] : memref<2x4x128xi32, #tpu.memory_space<vmem>> -> memref<1x4x128xi32, #tpu.memory_space<vmem>>
        %dma_wait3A_296 = tpu.memref_squeeze %dma_wait3A_295 : memref<1x4x128xi32, #tpu.memory_space<vmem>> -> memref<4x128xi32, #tpu.memory_space<vmem>>
        %dma_wait3A_297 = arith.constant 0 : i32
        %dma_wait3A_298 = tpu.memref_slice %arg3[%run_scoped3A_97, %add3A_94, %dma_wait3A_297] : memref<2x12500x128xi32, #tpu.memory_space<hbm>> -> memref<1x4x128xi32, #tpu.memory_space<hbm>>
        %dma_wait3A_299 = tpu.memref_squeeze %dma_wait3A_298 : memref<1x4x128xi32, #tpu.memory_space<hbm>> -> memref<4x128xi32, #tpu.memory_space<hbm>>
        %dma_wait3A_300 = arith.constant 0 : i32
        %dma_wait3A_301 = arith.constant 0 : i32
        %dma_wait3A_302 = tpu.memref_slice %arg9[%run_scoped3A_98, %dma_wait3A_300, %dma_wait3A_301] : memref<2x4x128xi32, #tpu.memory_space<vmem>> -> memref<1x4x128xi32, #tpu.memory_space<vmem>>
        %dma_wait3A_303 = tpu.memref_squeeze %dma_wait3A_302 : memref<1x4x128xi32, #tpu.memory_space<vmem>> -> memref<4x128xi32, #tpu.memory_space<vmem>>
        %dma_wait3A_304 = arith.constant 0 : i32
        %dma_wait3A_305 = tpu.memref_slice %arg3[%run_scoped3A_97, %add3A_94, %dma_wait3A_304] : memref<2x12500x128xi32, #tpu.memory_space<hbm>> -> memref<1x4x128xi32, #tpu.memory_space<hbm>>
        %dma_wait3A_306 = tpu.memref_squeeze %dma_wait3A_305 : memref<1x4x128xi32, #tpu.memory_space<hbm>> -> memref<4x128xi32, #tpu.memory_space<hbm>>
        tpu.wait_dma2 semaphore(%run_scoped3A_278 : memref<!tpu.dma_semaphore, #tpu.memory_space<semaphore_mem>>) src(%dma_wait3A_306 : memref<4x128xi32, #tpu.memory_space<hbm>>) dst(%dma_wait3A_303 : memref<4x128xi32, #tpu.memory_space<vmem>>)
        tpu.yield
      }) : () -> ()
      %dma_start3A_99 = arith.constant 1 : i32
      %dma_start3A_100 = arith.constant 0 : i32
      %dma_start3A_101 = arith.constant 1 : i32
      %dma_start3A_102 = arith.constant 0 : i32
      %dma_start3A_103 = arith.constant 0 : i32
      %dma_start3A_104 = tpu.memref_slice %arg10[%dma_start3A_101, %dma_start3A_102, %dma_start3A_103] : memref<2x512x8xf32, #tpu.memory_space<vmem>> -> memref<1x128x8xf32, #tpu.memory_space<vmem>>
      %dma_start3A_105 = tpu.memref_squeeze %dma_start3A_104 : memref<1x128x8xf32, #tpu.memory_space<vmem>> -> memref<128x8xf32, #tpu.memory_space<vmem>>
      %dma_start3A_106 = arith.constant 0 : i32
      %dma_start3A_107 = tpu.memref_slice %arg8[%dma_start3A_99, %dma_start3A_100, %dma_start3A_106] : memref<2x4x128xi32, #tpu.memory_space<vmem>> -> memref<1x1x128xi32, #tpu.memory_space<vmem>>
      %dma_start3A_108 = tpu.memref_squeeze %dma_start3A_107 : memref<1x1x128xi32, #tpu.memory_space<vmem>> -> memref<128xi32, #tpu.memory_space<vmem>>
      %dma_start3A_109 = arith.constant 0 : i32
      %dma_start3A_110 = arith.constant 0 : i32
      %dma_start3A_111 = tpu.memref_slice %arg2[%dma_start3A_109, %dma_start3A_110] : memref<100000x8xf32, #tpu.memory_space<hbm>> -> memref<100000x8xf32, #tpu.memory_space<hbm>>
      tpu.enqueue_indirect_dma source(%dma_start3A_111 : memref<100000x8xf32, #tpu.memory_space<hbm>>) target(%dma_start3A_105 : memref<128x8xf32, #tpu.memory_space<vmem>>) offsets(%dma_start3A_108 : memref<128xi32, #tpu.memory_space<vmem>>) semaphore(%arg12 : memref<!tpu.dma_semaphore, #tpu.memory_space<semaphore_mem>>)
      %dma_start3A_112 = arith.constant 1 : i32
      %dma_start3A_113 = arith.constant 1 : i32
      %dma_start3A_114 = arith.constant 1 : i32
      %dma_start3A_115 = arith.constant 128 : i32
      %dma_start3A_116 = arith.constant 0 : i32
      %dma_start3A_117 = tpu.memref_slice %arg10[%dma_start3A_114, %dma_start3A_115, %dma_start3A_116] : memref<2x512x8xf32, #tpu.memory_space<vmem>> -> memref<1x128x8xf32, #tpu.memory_space<vmem>>
      %dma_start3A_118 = tpu.memref_squeeze %dma_start3A_117 : memref<1x128x8xf32, #tpu.memory_space<vmem>> -> memref<128x8xf32, #tpu.memory_space<vmem>>
      %dma_start3A_119 = arith.constant 0 : i32
      %dma_start3A_120 = tpu.memref_slice %arg8[%dma_start3A_112, %dma_start3A_113, %dma_start3A_119] : memref<2x4x128xi32, #tpu.memory_space<vmem>> -> memref<1x1x128xi32, #tpu.memory_space<vmem>>
      %dma_start3A_121 = tpu.memref_squeeze %dma_start3A_120 : memref<1x1x128xi32, #tpu.memory_space<vmem>> -> memref<128xi32, #tpu.memory_space<vmem>>
      %dma_start3A_122 = arith.constant 0 : i32
      %dma_start3A_123 = arith.constant 0 : i32
      %dma_start3A_124 = tpu.memref_slice %arg2[%dma_start3A_122, %dma_start3A_123] : memref<100000x8xf32, #tpu.memory_space<hbm>> -> memref<100000x8xf32, #tpu.memory_space<hbm>>
      tpu.enqueue_indirect_dma source(%dma_start3A_124 : memref<100000x8xf32, #tpu.memory_space<hbm>>) target(%dma_start3A_118 : memref<128x8xf32, #tpu.memory_space<vmem>>) offsets(%dma_start3A_121 : memref<128xi32, #tpu.memory_space<vmem>>) semaphore(%arg12 : memref<!tpu.dma_semaphore, #tpu.memory_space<semaphore_mem>>)
      %dma_start3A_125 = arith.constant 1 : i32
      %dma_start3A_126 = arith.constant 2 : i32
      %dma_start3A_127 = arith.constant 1 : i32
      %dma_start3A_128 = arith.constant 256 : i32
      %dma_start3A_129 = arith.constant 0 : i32
      %dma_start3A_130 = tpu.memref_slice %arg10[%dma_start3A_127, %dma_start3A_128, %dma_start3A_129] : memref<2x512x8xf32, #tpu.memory_space<vmem>> -> memref<1x128x8xf32, #tpu.memory_space<vmem>>
      %dma_start3A_131 = tpu.memref_squeeze %dma_start3A_130 : memref<1x128x8xf32, #tpu.memory_space<vmem>> -> memref<128x8xf32, #tpu.memory_space<vmem>>
      %dma_start3A_132 = arith.constant 0 : i32
      %dma_start3A_133 = tpu.memref_slice %arg8[%dma_start3A_125, %dma_start3A_126, %dma_start3A_132] : memref<2x4x128xi32, #tpu.memory_space<vmem>> -> memref<1x1x128xi32, #tpu.memory_space<vmem>>
      %dma_start3A_134 = tpu.memref_squeeze %dma_start3A_133 : memref<1x1x128xi32, #tpu.memory_space<vmem>> -> memref<128xi32, #tpu.memory_space<vmem>>
      %dma_start3A_135 = arith.constant 0 : i32
      %dma_start3A_136 = arith.constant 0 : i32
      %dma_start3A_137 = tpu.memref_slice %arg2[%dma_start3A_135, %dma_start3A_136] : memref<100000x8xf32, #tpu.memory_space<hbm>> -> memref<100000x8xf32, #tpu.memory_space<hbm>>
      tpu.enqueue_indirect_dma source(%dma_start3A_137 : memref<100000x8xf32, #tpu.memory_space<hbm>>) target(%dma_start3A_131 : memref<128x8xf32, #tpu.memory_space<vmem>>) offsets(%dma_start3A_134 : memref<128xi32, #tpu.memory_space<vmem>>) semaphore(%arg12 : memref<!tpu.dma_semaphore, #tpu.memory_space<semaphore_mem>>)
      %dma_start3A_138 = arith.constant 1 : i32
      %dma_start3A_139 = arith.constant 3 : i32
      %dma_start3A_140 = arith.constant 1 : i32
      %dma_start3A_141 = arith.constant 384 : i32
      %dma_start3A_142 = arith.constant 0 : i32
      %dma_start3A_143 = tpu.memref_slice %arg10[%dma_start3A_140, %dma_start3A_141, %dma_start3A_142] : memref<2x512x8xf32, #tpu.memory_space<vmem>> -> memref<1x128x8xf32, #tpu.memory_space<vmem>>
      %dma_start3A_144 = tpu.memref_squeeze %dma_start3A_143 : memref<1x128x8xf32, #tpu.memory_space<vmem>> -> memref<128x8xf32, #tpu.memory_space<vmem>>
      %dma_start3A_145 = arith.constant 0 : i32
      %dma_start3A_146 = tpu.memref_slice %arg8[%dma_start3A_138, %dma_start3A_139, %dma_start3A_145] : memref<2x4x128xi32, #tpu.memory_space<vmem>> -> memref<1x1x128xi32, #tpu.memory_space<vmem>>
      %dma_start3A_147 = tpu.memref_squeeze %dma_start3A_146 : memref<1x1x128xi32, #tpu.memory_space<vmem>> -> memref<128xi32, #tpu.memory_space<vmem>>
      %dma_start3A_148 = arith.constant 0 : i32
      %dma_start3A_149 = arith.constant 0 : i32
      %dma_start3A_150 = tpu.memref_slice %arg2[%dma_start3A_148, %dma_start3A_149] : memref<100000x8xf32, #tpu.memory_space<hbm>> -> memref<100000x8xf32, #tpu.memory_space<hbm>>
      tpu.enqueue_indirect_dma source(%dma_start3A_150 : memref<100000x8xf32, #tpu.memory_space<hbm>>) target(%dma_start3A_144 : memref<128x8xf32, #tpu.memory_space<vmem>>) offsets(%dma_start3A_147 : memref<128xi32, #tpu.memory_space<vmem>>) semaphore(%arg12 : memref<!tpu.dma_semaphore, #tpu.memory_space<semaphore_mem>>)
      %dma_wait3A = arith.constant 0 : i32
      %dma_wait3A_151 = arith.constant 0 : i32
      %dma_wait3A_152 = arith.constant 0 : i32
      %dma_wait3A_153 = arith.constant 0 : i32
      %dma_wait3A_154 = arith.constant 0 : i32
      %dma_wait3A_155 = tpu.memref_slice %arg10[%dma_wait3A_152, %dma_wait3A_153, %dma_wait3A_154] : memref<2x512x8xf32, #tpu.memory_space<vmem>> -> memref<1x128x8xf32, #tpu.memory_space<vmem>>
      %dma_wait3A_156 = tpu.memref_squeeze %dma_wait3A_155 : memref<1x128x8xf32, #tpu.memory_space<vmem>> -> memref<128x8xf32, #tpu.memory_space<vmem>>
      %dma_wait3A_157 = arith.constant 0 : i32
      %dma_wait3A_158 = tpu.memref_slice %arg8[%dma_wait3A, %dma_wait3A_151, %dma_wait3A_157] : memref<2x4x128xi32, #tpu.memory_space<vmem>> -> memref<1x1x128xi32, #tpu.memory_space<vmem>>
      %dma_wait3A_159 = tpu.memref_squeeze %dma_wait3A_158 : memref<1x1x128xi32, #tpu.memory_space<vmem>> -> memref<128xi32, #tpu.memory_space<vmem>>
      %dma_wait3A_160 = arith.constant 0 : i32
      %dma_wait3A_161 = arith.constant 0 : i32
      %dma_wait3A_162 = tpu.memref_slice %arg2[%dma_wait3A_160, %dma_wait3A_161] : memref<100000x8xf32, #tpu.memory_space<hbm>> -> memref<100000x8xf32, #tpu.memory_space<hbm>>
      tpu.wait_indirect_dma semaphore(%arg11 : memref<!tpu.dma_semaphore, #tpu.memory_space<semaphore_mem>>) src(%dma_wait3A_162 : memref<100000x8xf32, #tpu.memory_space<hbm>>) dst(%dma_wait3A_156 : memref<128x8xf32, #tpu.memory_space<vmem>>)
      %dma_wait3A_163 = arith.constant 0 : i32
      %dma_wait3A_164 = arith.constant 1 : i32
      %dma_wait3A_165 = arith.constant 0 : i32
      %dma_wait3A_166 = arith.constant 128 : i32
      %dma_wait3A_167 = arith.constant 0 : i32
      %dma_wait3A_168 = tpu.memref_slice %arg10[%dma_wait3A_165, %dma_wait3A_166, %dma_wait3A_167] : memref<2x512x8xf32, #tpu.memory_space<vmem>> -> memref<1x128x8xf32, #tpu.memory_space<vmem>>
      %dma_wait3A_169 = tpu.memref_squeeze %dma_wait3A_168 : memref<1x128x8xf32, #tpu.memory_space<vmem>> -> memref<128x8xf32, #tpu.memory_space<vmem>>
      %dma_wait3A_170 = arith.constant 0 : i32
      %dma_wait3A_171 = tpu.memref_slice %arg8[%dma_wait3A_163, %dma_wait3A_164, %dma_wait3A_170] : memref<2x4x128xi32, #tpu.memory_space<vmem>> -> memref<1x1x128xi32, #tpu.memory_space<vmem>>
      %dma_wait3A_172 = tpu.memref_squeeze %dma_wait3A_171 : memref<1x1x128xi32, #tpu.memory_space<vmem>> -> memref<128xi32, #tpu.memory_space<vmem>>
      %dma_wait3A_173 = arith.constant 0 : i32
      %dma_wait3A_174 = arith.constant 0 : i32
      %dma_wait3A_175 = tpu.memref_slice %arg2[%dma_wait3A_173, %dma_wait3A_174] : memref<100000x8xf32, #tpu.memory_space<hbm>> -> memref<100000x8xf32, #tpu.memory_space<hbm>>
      tpu.wait_indirect_dma semaphore(%arg11 : memref<!tpu.dma_semaphore, #tpu.memory_space<semaphore_mem>>) src(%dma_wait3A_175 : memref<100000x8xf32, #tpu.memory_space<hbm>>) dst(%dma_wait3A_169 : memref<128x8xf32, #tpu.memory_space<vmem>>)
      %dma_wait3A_176 = arith.constant 0 : i32
      %dma_wait3A_177 = arith.constant 2 : i32
      %dma_wait3A_178 = arith.constant 0 : i32
      %dma_wait3A_179 = arith.constant 256 : i32
      %dma_wait3A_180 = arith.constant 0 : i32
      %dma_wait3A_181 = tpu.memref_slice %arg10[%dma_wait3A_178, %dma_wait3A_179, %dma_wait3A_180] : memref<2x512x8xf32, #tpu.memory_space<vmem>> -> memref<1x128x8xf32, #tpu.memory_space<vmem>>
      %dma_wait3A_182 = tpu.memref_squeeze %dma_wait3A_181 : memref<1x128x8xf32, #tpu.memory_space<vmem>> -> memref<128x8xf32, #tpu.memory_space<vmem>>
      %dma_wait3A_183 = arith.constant 0 : i32
      %dma_wait3A_184 = tpu.memref_slice %arg8[%dma_wait3A_176, %dma_wait3A_177, %dma_wait3A_183] : memref<2x4x128xi32, #tpu.memory_space<vmem>> -> memref<1x1x128xi32, #tpu.memory_space<vmem>>
      %dma_wait3A_185 = tpu.memref_squeeze %dma_wait3A_184 : memref<1x1x128xi32, #tpu.memory_space<vmem>> -> memref<128xi32, #tpu.memory_space<vmem>>
      %dma_wait3A_186 = arith.constant 0 : i32
      %dma_wait3A_187 = arith.constant 0 : i32
      %dma_wait3A_188 = tpu.memref_slice %arg2[%dma_wait3A_186, %dma_wait3A_187] : memref<100000x8xf32, #tpu.memory_space<hbm>> -> memref<100000x8xf32, #tpu.memory_space<hbm>>
      tpu.wait_indirect_dma semaphore(%arg11 : memref<!tpu.dma_semaphore, #tpu.memory_space<semaphore_mem>>) src(%dma_wait3A_188 : memref<100000x8xf32, #tpu.memory_space<hbm>>) dst(%dma_wait3A_182 : memref<128x8xf32, #tpu.memory_space<vmem>>)
      %dma_wait3A_189 = arith.constant 0 : i32
      %dma_wait3A_190 = arith.constant 3 : i32
      %dma_wait3A_191 = arith.constant 0 : i32
      %dma_wait3A_192 = arith.constant 384 : i32
      %dma_wait3A_193 = arith.constant 0 : i32
      %dma_wait3A_194 = tpu.memref_slice %arg10[%dma_wait3A_191, %dma_wait3A_192, %dma_wait3A_193] : memref<2x512x8xf32, #tpu.memory_space<vmem>> -> memref<1x128x8xf32, #tpu.memory_space<vmem>>
      %dma_wait3A_195 = tpu.memref_squeeze %dma_wait3A_194 : memref<1x128x8xf32, #tpu.memory_space<vmem>> -> memref<128x8xf32, #tpu.memory_space<vmem>>
      %dma_wait3A_196 = arith.constant 0 : i32
      %dma_wait3A_197 = tpu.memref_slice %arg8[%dma_wait3A_189, %dma_wait3A_190, %dma_wait3A_196] : memref<2x4x128xi32, #tpu.memory_space<vmem>> -> memref<1x1x128xi32, #tpu.memory_space<vmem>>
      %dma_wait3A_198 = tpu.memref_squeeze %dma_wait3A_197 : memref<1x1x128xi32, #tpu.memory_space<vmem>> -> memref<128xi32, #tpu.memory_space<vmem>>
      %dma_wait3A_199 = arith.constant 0 : i32
      %dma_wait3A_200 = arith.constant 0 : i32
      %dma_wait3A_201 = tpu.memref_slice %arg2[%dma_wait3A_199, %dma_wait3A_200] : memref<100000x8xf32, #tpu.memory_space<hbm>> -> memref<100000x8xf32, #tpu.memory_space<hbm>>
      tpu.wait_indirect_dma semaphore(%arg11 : memref<!tpu.dma_semaphore, #tpu.memory_space<semaphore_mem>>) src(%dma_wait3A_201 : memref<100000x8xf32, #tpu.memory_space<hbm>>) dst(%dma_wait3A_195 : memref<128x8xf32, #tpu.memory_space<vmem>>)
      %run_scoped3A_202 = arith.constant 0 : i32
      %run_scoped3A_203 = arith.constant 0 : i32
      %run_scoped3A_204 = arith.constant 0 : i32
      "tpu.region"() ({
        %run_scoped3A_278 = tpu.sem_alloc : memref<!tpu.dma_semaphore, #tpu.memory_space<semaphore_mem>>
        %dma_start3A_279 = arith.constant 0 : i32
        %dma_start3A_280 = arith.constant 0 : i32
        %dma_start3A_281 = tpu.memref_slice %arg10[%run_scoped3A_202, %dma_start3A_279, %dma_start3A_280] : memref<2x512x8xf32, #tpu.memory_space<vmem>> -> memref<1x128x8xf32, #tpu.memory_space<vmem>>
        %dma_start3A_282 = tpu.memref_squeeze %dma_start3A_281 : memref<1x128x8xf32, #tpu.memory_space<vmem>> -> memref<128x8xf32, #tpu.memory_space<vmem>>
        %dma_start3A_283 = arith.constant 0 : i32
        %dma_start3A_284 = tpu.memref_slice %arg9[%run_scoped3A_203, %run_scoped3A_204, %dma_start3A_283] : memref<2x4x128xi32, #tpu.memory_space<vmem>> -> memref<1x1x128xi32, #tpu.memory_space<vmem>>
        %dma_start3A_285 = tpu.memref_squeeze %dma_start3A_284 : memref<1x1x128xi32, #tpu.memory_space<vmem>> -> memref<128xi32, #tpu.memory_space<vmem>>
        %dma_start3A_286 = arith.constant 0 : i32
        %dma_start3A_287 = arith.constant 0 : i32
        %dma_start3A_288 = tpu.memref_slice %arg7[%dma_start3A_286, %dma_start3A_287] : memref<100352x8xf32, #tpu.memory_space<vmem_shared>> -> memref<100352x8xf32, #tpu.memory_space<vmem_shared>>
        tpu.enqueue_indirect_dma source(%dma_start3A_282 : memref<128x8xf32, #tpu.memory_space<vmem>>) target(%dma_start3A_288 : memref<100352x8xf32, #tpu.memory_space<vmem_shared>>) offsets(%dma_start3A_285 : memref<128xi32, #tpu.memory_space<vmem>>) semaphore(%run_scoped3A_278 : memref<!tpu.dma_semaphore, #tpu.memory_space<semaphore_mem>>) {add = true}
        %dma_wait3A_289 = arith.constant 0 : i32
        %dma_wait3A_290 = arith.constant 0 : i32
        %dma_wait3A_291 = tpu.memref_slice %arg10[%run_scoped3A_202, %dma_wait3A_289, %dma_wait3A_290] : memref<2x512x8xf32, #tpu.memory_space<vmem>> -> memref<1x128x8xf32, #tpu.memory_space<vmem>>
        %dma_wait3A_292 = tpu.memref_squeeze %dma_wait3A_291 : memref<1x128x8xf32, #tpu.memory_space<vmem>> -> memref<128x8xf32, #tpu.memory_space<vmem>>
        %dma_wait3A_293 = arith.constant 0 : i32
        %dma_wait3A_294 = tpu.memref_slice %arg9[%run_scoped3A_203, %run_scoped3A_204, %dma_wait3A_293] : memref<2x4x128xi32, #tpu.memory_space<vmem>> -> memref<1x1x128xi32, #tpu.memory_space<vmem>>
        %dma_wait3A_295 = tpu.memref_squeeze %dma_wait3A_294 : memref<1x1x128xi32, #tpu.memory_space<vmem>> -> memref<128xi32, #tpu.memory_space<vmem>>
        %dma_wait3A_296 = arith.constant 0 : i32
        %dma_wait3A_297 = arith.constant 0 : i32
        %dma_wait3A_298 = tpu.memref_slice %arg7[%dma_wait3A_296, %dma_wait3A_297] : memref<100352x8xf32, #tpu.memory_space<vmem_shared>> -> memref<100352x8xf32, #tpu.memory_space<vmem_shared>>
        tpu.wait_indirect_dma semaphore(%run_scoped3A_278 : memref<!tpu.dma_semaphore, #tpu.memory_space<semaphore_mem>>) src(%dma_wait3A_292 : memref<128x8xf32, #tpu.memory_space<vmem>>) dst(%dma_wait3A_298 : memref<100352x8xf32, #tpu.memory_space<vmem_shared>>)
        tpu.yield
      }) : () -> ()
      %run_scoped3A_205 = arith.constant 0 : i32
      %run_scoped3A_206 = arith.constant 0 : i32
      %run_scoped3A_207 = arith.constant 1 : i32
      "tpu.region"() ({
        %run_scoped3A_278 = tpu.sem_alloc : memref<!tpu.dma_semaphore, #tpu.memory_space<semaphore_mem>>
        %dma_start3A_279 = arith.constant 128 : i32
        %dma_start3A_280 = arith.constant 0 : i32
        %dma_start3A_281 = tpu.memref_slice %arg10[%run_scoped3A_205, %dma_start3A_279, %dma_start3A_280] : memref<2x512x8xf32, #tpu.memory_space<vmem>> -> memref<1x128x8xf32, #tpu.memory_space<vmem>>
        %dma_start3A_282 = tpu.memref_squeeze %dma_start3A_281 : memref<1x128x8xf32, #tpu.memory_space<vmem>> -> memref<128x8xf32, #tpu.memory_space<vmem>>
        %dma_start3A_283 = arith.constant 0 : i32
        %dma_start3A_284 = tpu.memref_slice %arg9[%run_scoped3A_206, %run_scoped3A_207, %dma_start3A_283] : memref<2x4x128xi32, #tpu.memory_space<vmem>> -> memref<1x1x128xi32, #tpu.memory_space<vmem>>
        %dma_start3A_285 = tpu.memref_squeeze %dma_start3A_284 : memref<1x1x128xi32, #tpu.memory_space<vmem>> -> memref<128xi32, #tpu.memory_space<vmem>>
        %dma_start3A_286 = arith.constant 0 : i32
        %dma_start3A_287 = arith.constant 0 : i32
        %dma_start3A_288 = tpu.memref_slice %arg7[%dma_start3A_286, %dma_start3A_287] : memref<100352x8xf32, #tpu.memory_space<vmem_shared>> -> memref<100352x8xf32, #tpu.memory_space<vmem_shared>>
        tpu.enqueue_indirect_dma source(%dma_start3A_282 : memref<128x8xf32, #tpu.memory_space<vmem>>) target(%dma_start3A_288 : memref<100352x8xf32, #tpu.memory_space<vmem_shared>>) offsets(%dma_start3A_285 : memref<128xi32, #tpu.memory_space<vmem>>) semaphore(%run_scoped3A_278 : memref<!tpu.dma_semaphore, #tpu.memory_space<semaphore_mem>>) {add = true}
        %dma_wait3A_289 = arith.constant 128 : i32
        %dma_wait3A_290 = arith.constant 0 : i32
        %dma_wait3A_291 = tpu.memref_slice %arg10[%run_scoped3A_205, %dma_wait3A_289, %dma_wait3A_290] : memref<2x512x8xf32, #tpu.memory_space<vmem>> -> memref<1x128x8xf32, #tpu.memory_space<vmem>>
        %dma_wait3A_292 = tpu.memref_squeeze %dma_wait3A_291 : memref<1x128x8xf32, #tpu.memory_space<vmem>> -> memref<128x8xf32, #tpu.memory_space<vmem>>
        %dma_wait3A_293 = arith.constant 0 : i32
        %dma_wait3A_294 = tpu.memref_slice %arg9[%run_scoped3A_206, %run_scoped3A_207, %dma_wait3A_293] : memref<2x4x128xi32, #tpu.memory_space<vmem>> -> memref<1x1x128xi32, #tpu.memory_space<vmem>>
        %dma_wait3A_295 = tpu.memref_squeeze %dma_wait3A_294 : memref<1x1x128xi32, #tpu.memory_space<vmem>> -> memref<128xi32, #tpu.memory_space<vmem>>
        %dma_wait3A_296 = arith.constant 0 : i32
        %dma_wait3A_297 = arith.constant 0 : i32
        %dma_wait3A_298 = tpu.memref_slice %arg7[%dma_wait3A_296, %dma_wait3A_297] : memref<100352x8xf32, #tpu.memory_space<vmem_shared>> -> memref<100352x8xf32, #tpu.memory_space<vmem_shared>>
        tpu.wait_indirect_dma semaphore(%run_scoped3A_278 : memref<!tpu.dma_semaphore, #tpu.memory_space<semaphore_mem>>) src(%dma_wait3A_292 : memref<128x8xf32, #tpu.memory_space<vmem>>) dst(%dma_wait3A_298 : memref<100352x8xf32, #tpu.memory_space<vmem_shared>>)
        tpu.yield
      }) : () -> ()
      %run_scoped3A_208 = arith.constant 0 : i32
      %run_scoped3A_209 = arith.constant 0 : i32
      %run_scoped3A_210 = arith.constant 2 : i32
      "tpu.region"() ({
        %run_scoped3A_278 = tpu.sem_alloc : memref<!tpu.dma_semaphore, #tpu.memory_space<semaphore_mem>>
        %dma_start3A_279 = arith.constant 256 : i32
        %dma_start3A_280 = arith.constant 0 : i32
        %dma_start3A_281 = tpu.memref_slice %arg10[%run_scoped3A_208, %dma_start3A_279, %dma_start3A_280] : memref<2x512x8xf32, #tpu.memory_space<vmem>> -> memref<1x128x8xf32, #tpu.memory_space<vmem>>
        %dma_start3A_282 = tpu.memref_squeeze %dma_start3A_281 : memref<1x128x8xf32, #tpu.memory_space<vmem>> -> memref<128x8xf32, #tpu.memory_space<vmem>>
        %dma_start3A_283 = arith.constant 0 : i32
        %dma_start3A_284 = tpu.memref_slice %arg9[%run_scoped3A_209, %run_scoped3A_210, %dma_start3A_283] : memref<2x4x128xi32, #tpu.memory_space<vmem>> -> memref<1x1x128xi32, #tpu.memory_space<vmem>>
        %dma_start3A_285 = tpu.memref_squeeze %dma_start3A_284 : memref<1x1x128xi32, #tpu.memory_space<vmem>> -> memref<128xi32, #tpu.memory_space<vmem>>
        %dma_start3A_286 = arith.constant 0 : i32
        %dma_start3A_287 = arith.constant 0 : i32
        %dma_start3A_288 = tpu.memref_slice %arg7[%dma_start3A_286, %dma_start3A_287] : memref<100352x8xf32, #tpu.memory_space<vmem_shared>> -> memref<100352x8xf32, #tpu.memory_space<vmem_shared>>
        tpu.enqueue_indirect_dma source(%dma_start3A_282 : memref<128x8xf32, #tpu.memory_space<vmem>>) target(%dma_start3A_288 : memref<100352x8xf32, #tpu.memory_space<vmem_shared>>) offsets(%dma_start3A_285 : memref<128xi32, #tpu.memory_space<vmem>>) semaphore(%run_scoped3A_278 : memref<!tpu.dma_semaphore, #tpu.memory_space<semaphore_mem>>) {add = true}
        %dma_wait3A_289 = arith.constant 256 : i32
        %dma_wait3A_290 = arith.constant 0 : i32
        %dma_wait3A_291 = tpu.memref_slice %arg10[%run_scoped3A_208, %dma_wait3A_289, %dma_wait3A_290] : memref<2x512x8xf32, #tpu.memory_space<vmem>> -> memref<1x128x8xf32, #tpu.memory_space<vmem>>
        %dma_wait3A_292 = tpu.memref_squeeze %dma_wait3A_291 : memref<1x128x8xf32, #tpu.memory_space<vmem>> -> memref<128x8xf32, #tpu.memory_space<vmem>>
        %dma_wait3A_293 = arith.constant 0 : i32
        %dma_wait3A_294 = tpu.memref_slice %arg9[%run_scoped3A_209, %run_scoped3A_210, %dma_wait3A_293] : memref<2x4x128xi32, #tpu.memory_space<vmem>> -> memref<1x1x128xi32, #tpu.memory_space<vmem>>
        %dma_wait3A_295 = tpu.memref_squeeze %dma_wait3A_294 : memref<1x1x128xi32, #tpu.memory_space<vmem>> -> memref<128xi32, #tpu.memory_space<vmem>>
        %dma_wait3A_296 = arith.constant 0 : i32
        %dma_wait3A_297 = arith.constant 0 : i32
        %dma_wait3A_298 = tpu.memref_slice %arg7[%dma_wait3A_296, %dma_wait3A_297] : memref<100352x8xf32, #tpu.memory_space<vmem_shared>> -> memref<100352x8xf32, #tpu.memory_space<vmem_shared>>
        tpu.wait_indirect_dma semaphore(%run_scoped3A_278 : memref<!tpu.dma_semaphore, #tpu.memory_space<semaphore_mem>>) src(%dma_wait3A_292 : memref<128x8xf32, #tpu.memory_space<vmem>>) dst(%dma_wait3A_298 : memref<100352x8xf32, #tpu.memory_space<vmem_shared>>)
        tpu.yield
      }) : () -> ()
      %run_scoped3A_211 = arith.constant 0 : i32
      %run_scoped3A_212 = arith.constant 0 : i32
      %run_scoped3A_213 = arith.constant 3 : i32
      "tpu.region"() ({
        %run_scoped3A_278 = tpu.sem_alloc : memref<!tpu.dma_semaphore, #tpu.memory_space<semaphore_mem>>
        %dma_start3A_279 = arith.constant 384 : i32
        %dma_start3A_280 = arith.constant 0 : i32
        %dma_start3A_281 = tpu.memref_slice %arg10[%run_scoped3A_211, %dma_start3A_279, %dma_start3A_280] : memref<2x512x8xf32, #tpu.memory_space<vmem>> -> memref<1x128x8xf32, #tpu.memory_space<vmem>>
        %dma_start3A_282 = tpu.memref_squeeze %dma_start3A_281 : memref<1x128x8xf32, #tpu.memory_space<vmem>> -> memref<128x8xf32, #tpu.memory_space<vmem>>
        %dma_start3A_283 = arith.constant 0 : i32
        %dma_start3A_284 = tpu.memref_slice %arg9[%run_scoped3A_212, %run_scoped3A_213, %dma_start3A_283] : memref<2x4x128xi32, #tpu.memory_space<vmem>> -> memref<1x1x128xi32, #tpu.memory_space<vmem>>
        %dma_start3A_285 = tpu.memref_squeeze %dma_start3A_284 : memref<1x1x128xi32, #tpu.memory_space<vmem>> -> memref<128xi32, #tpu.memory_space<vmem>>
        %dma_start3A_286 = arith.constant 0 : i32
        %dma_start3A_287 = arith.constant 0 : i32
        %dma_start3A_288 = tpu.memref_slice %arg7[%dma_start3A_286, %dma_start3A_287] : memref<100352x8xf32, #tpu.memory_space<vmem_shared>> -> memref<100352x8xf32, #tpu.memory_space<vmem_shared>>
        tpu.enqueue_indirect_dma source(%dma_start3A_282 : memref<128x8xf32, #tpu.memory_space<vmem>>) target(%dma_start3A_288 : memref<100352x8xf32, #tpu.memory_space<vmem_shared>>) offsets(%dma_start3A_285 : memref<128xi32, #tpu.memory_space<vmem>>) semaphore(%run_scoped3A_278 : memref<!tpu.dma_semaphore, #tpu.memory_space<semaphore_mem>>) {add = true}
        %dma_wait3A_289 = arith.constant 384 : i32
        %dma_wait3A_290 = arith.constant 0 : i32
        %dma_wait3A_291 = tpu.memref_slice %arg10[%run_scoped3A_211, %dma_wait3A_289, %dma_wait3A_290] : memref<2x512x8xf32, #tpu.memory_space<vmem>> -> memref<1x128x8xf32, #tpu.memory_space<vmem>>
        %dma_wait3A_292 = tpu.memref_squeeze %dma_wait3A_291 : memref<1x128x8xf32, #tpu.memory_space<vmem>> -> memref<128x8xf32, #tpu.memory_space<vmem>>
        %dma_wait3A_293 = arith.constant 0 : i32
        %dma_wait3A_294 = tpu.memref_slice %arg9[%run_scoped3A_212, %run_scoped3A_213, %dma_wait3A_293] : memref<2x4x128xi32, #tpu.memory_space<vmem>> -> memref<1x1x128xi32, #tpu.memory_space<vmem>>
        %dma_wait3A_295 = tpu.memref_squeeze %dma_wait3A_294 : memref<1x1x128xi32, #tpu.memory_space<vmem>> -> memref<128xi32, #tpu.memory_space<vmem>>
        %dma_wait3A_296 = arith.constant 0 : i32
        %dma_wait3A_297 = arith.constant 0 : i32
        %dma_wait3A_298 = tpu.memref_slice %arg7[%dma_wait3A_296, %dma_wait3A_297] : memref<100352x8xf32, #tpu.memory_space<vmem_shared>> -> memref<100352x8xf32, #tpu.memory_space<vmem_shared>>
        tpu.wait_indirect_dma semaphore(%run_scoped3A_278 : memref<!tpu.dma_semaphore, #tpu.memory_space<semaphore_mem>>) src(%dma_wait3A_292 : memref<128x8xf32, #tpu.memory_space<vmem>>) dst(%dma_wait3A_298 : memref<100352x8xf32, #tpu.memory_space<vmem_shared>>)
        tpu.yield
      }) : () -> ()
      %dma_wait3A_214 = arith.constant 1 : i32
      %dma_wait3A_215 = arith.constant 0 : i32
      %dma_wait3A_216 = arith.constant 1 : i32
      %dma_wait3A_217 = arith.constant 0 : i32
      %dma_wait3A_218 = arith.constant 0 : i32
      %dma_wait3A_219 = tpu.memref_slice %arg10[%dma_wait3A_216, %dma_wait3A_217, %dma_wait3A_218] : memref<2x512x8xf32, #tpu.memory_space<vmem>> -> memref<1x128x8xf32, #tpu.memory_space<vmem>>
      %dma_wait3A_220 = tpu.memref_squeeze %dma_wait3A_219 : memref<1x128x8xf32, #tpu.memory_space<vmem>> -> memref<128x8xf32, #tpu.memory_space<vmem>>
      %dma_wait3A_221 = arith.constant 0 : i32
      %dma_wait3A_222 = tpu.memref_slice %arg8[%dma_wait3A_214, %dma_wait3A_215, %dma_wait3A_221] : memref<2x4x128xi32, #tpu.memory_space<vmem>> -> memref<1x1x128xi32, #tpu.memory_space<vmem>>
      %dma_wait3A_223 = tpu.memref_squeeze %dma_wait3A_222 : memref<1x1x128xi32, #tpu.memory_space<vmem>> -> memref<128xi32, #tpu.memory_space<vmem>>
      %dma_wait3A_224 = arith.constant 0 : i32
      %dma_wait3A_225 = arith.constant 0 : i32
      %dma_wait3A_226 = tpu.memref_slice %arg2[%dma_wait3A_224, %dma_wait3A_225] : memref<100000x8xf32, #tpu.memory_space<hbm>> -> memref<100000x8xf32, #tpu.memory_space<hbm>>
      tpu.wait_indirect_dma semaphore(%arg12 : memref<!tpu.dma_semaphore, #tpu.memory_space<semaphore_mem>>) src(%dma_wait3A_226 : memref<100000x8xf32, #tpu.memory_space<hbm>>) dst(%dma_wait3A_220 : memref<128x8xf32, #tpu.memory_space<vmem>>)
      %dma_wait3A_227 = arith.constant 1 : i32
      %dma_wait3A_228 = arith.constant 1 : i32
      %dma_wait3A_229 = arith.constant 1 : i32
      %dma_wait3A_230 = arith.constant 128 : i32
      %dma_wait3A_231 = arith.constant 0 : i32
      %dma_wait3A_232 = tpu.memref_slice %arg10[%dma_wait3A_229, %dma_wait3A_230, %dma_wait3A_231] : memref<2x512x8xf32, #tpu.memory_space<vmem>> -> memref<1x128x8xf32, #tpu.memory_space<vmem>>
      %dma_wait3A_233 = tpu.memref_squeeze %dma_wait3A_232 : memref<1x128x8xf32, #tpu.memory_space<vmem>> -> memref<128x8xf32, #tpu.memory_space<vmem>>
      %dma_wait3A_234 = arith.constant 0 : i32
      %dma_wait3A_235 = tpu.memref_slice %arg8[%dma_wait3A_227, %dma_wait3A_228, %dma_wait3A_234] : memref<2x4x128xi32, #tpu.memory_space<vmem>> -> memref<1x1x128xi32, #tpu.memory_space<vmem>>
      %dma_wait3A_236 = tpu.memref_squeeze %dma_wait3A_235 : memref<1x1x128xi32, #tpu.memory_space<vmem>> -> memref<128xi32, #tpu.memory_space<vmem>>
      %dma_wait3A_237 = arith.constant 0 : i32
      %dma_wait3A_238 = arith.constant 0 : i32
      %dma_wait3A_239 = tpu.memref_slice %arg2[%dma_wait3A_237, %dma_wait3A_238] : memref<100000x8xf32, #tpu.memory_space<hbm>> -> memref<100000x8xf32, #tpu.memory_space<hbm>>
      tpu.wait_indirect_dma semaphore(%arg12 : memref<!tpu.dma_semaphore, #tpu.memory_space<semaphore_mem>>) src(%dma_wait3A_239 : memref<100000x8xf32, #tpu.memory_space<hbm>>) dst(%dma_wait3A_233 : memref<128x8xf32, #tpu.memory_space<vmem>>)
      %dma_wait3A_240 = arith.constant 1 : i32
      %dma_wait3A_241 = arith.constant 2 : i32
      %dma_wait3A_242 = arith.constant 1 : i32
      %dma_wait3A_243 = arith.constant 256 : i32
      %dma_wait3A_244 = arith.constant 0 : i32
      %dma_wait3A_245 = tpu.memref_slice %arg10[%dma_wait3A_242, %dma_wait3A_243, %dma_wait3A_244] : memref<2x512x8xf32, #tpu.memory_space<vmem>> -> memref<1x128x8xf32, #tpu.memory_space<vmem>>
      %dma_wait3A_246 = tpu.memref_squeeze %dma_wait3A_245 : memref<1x128x8xf32, #tpu.memory_space<vmem>> -> memref<128x8xf32, #tpu.memory_space<vmem>>
      %dma_wait3A_247 = arith.constant 0 : i32
      %dma_wait3A_248 = tpu.memref_slice %arg8[%dma_wait3A_240, %dma_wait3A_241, %dma_wait3A_247] : memref<2x4x128xi32, #tpu.memory_space<vmem>> -> memref<1x1x128xi32, #tpu.memory_space<vmem>>
      %dma_wait3A_249 = tpu.memref_squeeze %dma_wait3A_248 : memref<1x1x128xi32, #tpu.memory_space<vmem>> -> memref<128xi32, #tpu.memory_space<vmem>>
      %dma_wait3A_250 = arith.constant 0 : i32
      %dma_wait3A_251 = arith.constant 0 : i32
      %dma_wait3A_252 = tpu.memref_slice %arg2[%dma_wait3A_250, %dma_wait3A_251] : memref<100000x8xf32, #tpu.memory_space<hbm>> -> memref<100000x8xf32, #tpu.memory_space<hbm>>
      tpu.wait_indirect_dma semaphore(%arg12 : memref<!tpu.dma_semaphore, #tpu.memory_space<semaphore_mem>>) src(%dma_wait3A_252 : memref<100000x8xf32, #tpu.memory_space<hbm>>) dst(%dma_wait3A_246 : memref<128x8xf32, #tpu.memory_space<vmem>>)
      %dma_wait3A_253 = arith.constant 1 : i32
      %dma_wait3A_254 = arith.constant 3 : i32
      %dma_wait3A_255 = arith.constant 1 : i32
      %dma_wait3A_256 = arith.constant 384 : i32
      %dma_wait3A_257 = arith.constant 0 : i32
      %dma_wait3A_258 = tpu.memref_slice %arg10[%dma_wait3A_255, %dma_wait3A_256, %dma_wait3A_257] : memref<2x512x8xf32, #tpu.memory_space<vmem>> -> memref<1x128x8xf32, #tpu.memory_space<vmem>>
      %dma_wait3A_259 = tpu.memref_squeeze %dma_wait3A_258 : memref<1x128x8xf32, #tpu.memory_space<vmem>> -> memref<128x8xf32, #tpu.memory_space<vmem>>
      %dma_wait3A_260 = arith.constant 0 : i32
      %dma_wait3A_261 = tpu.memref_slice %arg8[%dma_wait3A_253, %dma_wait3A_254, %dma_wait3A_260] : memref<2x4x128xi32, #tpu.memory_space<vmem>> -> memref<1x1x128xi32, #tpu.memory_space<vmem>>
      %dma_wait3A_262 = tpu.memref_squeeze %dma_wait3A_261 : memref<1x1x128xi32, #tpu.memory_space<vmem>> -> memref<128xi32, #tpu.memory_space<vmem>>
      %dma_wait3A_263 = arith.constant 0 : i32
      %dma_wait3A_264 = arith.constant 0 : i32
      %dma_wait3A_265 = tpu.memref_slice %arg2[%dma_wait3A_263, %dma_wait3A_264] : memref<100000x8xf32, #tpu.memory_space<hbm>> -> memref<100000x8xf32, #tpu.memory_space<hbm>>
      tpu.wait_indirect_dma semaphore(%arg12 : memref<!tpu.dma_semaphore, #tpu.memory_space<semaphore_mem>>) src(%dma_wait3A_265 : memref<100000x8xf32, #tpu.memory_space<hbm>>) dst(%dma_wait3A_259 : memref<128x8xf32, #tpu.memory_space<vmem>>)
      %run_scoped3A_266 = arith.constant 1 : i32
      %run_scoped3A_267 = arith.constant 1 : i32
      %run_scoped3A_268 = arith.constant 0 : i32
      "tpu.region"() ({
        %run_scoped3A_278 = tpu.sem_alloc : memref<!tpu.dma_semaphore, #tpu.memory_space<semaphore_mem>>
        %dma_start3A_279 = arith.constant 0 : i32
        %dma_start3A_280 = arith.constant 0 : i32
        %dma_start3A_281 = tpu.memref_slice %arg10[%run_scoped3A_266, %dma_start3A_279, %dma_start3A_280] : memref<2x512x8xf32, #tpu.memory_space<vmem>> -> memref<1x128x8xf32, #tpu.memory_space<vmem>>
        %dma_start3A_282 = tpu.memref_squeeze %dma_start3A_281 : memref<1x128x8xf32, #tpu.memory_space<vmem>> -> memref<128x8xf32, #tpu.memory_space<vmem>>
        %dma_start3A_283 = arith.constant 0 : i32
        %dma_start3A_284 = tpu.memref_slice %arg9[%run_scoped3A_267, %run_scoped3A_268, %dma_start3A_283] : memref<2x4x128xi32, #tpu.memory_space<vmem>> -> memref<1x1x128xi32, #tpu.memory_space<vmem>>
        %dma_start3A_285 = tpu.memref_squeeze %dma_start3A_284 : memref<1x1x128xi32, #tpu.memory_space<vmem>> -> memref<128xi32, #tpu.memory_space<vmem>>
        %dma_start3A_286 = arith.constant 0 : i32
        %dma_start3A_287 = arith.constant 0 : i32
        %dma_start3A_288 = tpu.memref_slice %arg7[%dma_start3A_286, %dma_start3A_287] : memref<100352x8xf32, #tpu.memory_space<vmem_shared>> -> memref<100352x8xf32, #tpu.memory_space<vmem_shared>>
        tpu.enqueue_indirect_dma source(%dma_start3A_282 : memref<128x8xf32, #tpu.memory_space<vmem>>) target(%dma_start3A_288 : memref<100352x8xf32, #tpu.memory_space<vmem_shared>>) offsets(%dma_start3A_285 : memref<128xi32, #tpu.memory_space<vmem>>) semaphore(%run_scoped3A_278 : memref<!tpu.dma_semaphore, #tpu.memory_space<semaphore_mem>>) {add = true}
        %dma_wait3A_289 = arith.constant 0 : i32
        %dma_wait3A_290 = arith.constant 0 : i32
        %dma_wait3A_291 = tpu.memref_slice %arg10[%run_scoped3A_266, %dma_wait3A_289, %dma_wait3A_290] : memref<2x512x8xf32, #tpu.memory_space<vmem>> -> memref<1x128x8xf32, #tpu.memory_space<vmem>>
        %dma_wait3A_292 = tpu.memref_squeeze %dma_wait3A_291 : memref<1x128x8xf32, #tpu.memory_space<vmem>> -> memref<128x8xf32, #tpu.memory_space<vmem>>
        %dma_wait3A_293 = arith.constant 0 : i32
        %dma_wait3A_294 = tpu.memref_slice %arg9[%run_scoped3A_267, %run_scoped3A_268, %dma_wait3A_293] : memref<2x4x128xi32, #tpu.memory_space<vmem>> -> memref<1x1x128xi32, #tpu.memory_space<vmem>>
        %dma_wait3A_295 = tpu.memref_squeeze %dma_wait3A_294 : memref<1x1x128xi32, #tpu.memory_space<vmem>> -> memref<128xi32, #tpu.memory_space<vmem>>
        %dma_wait3A_296 = arith.constant 0 : i32
        %dma_wait3A_297 = arith.constant 0 : i32
        %dma_wait3A_298 = tpu.memref_slice %arg7[%dma_wait3A_296, %dma_wait3A_297] : memref<100352x8xf32, #tpu.memory_space<vmem_shared>> -> memref<100352x8xf32, #tpu.memory_space<vmem_shared>>
        tpu.wait_indirect_dma semaphore(%run_scoped3A_278 : memref<!tpu.dma_semaphore, #tpu.memory_space<semaphore_mem>>) src(%dma_wait3A_292 : memref<128x8xf32, #tpu.memory_space<vmem>>) dst(%dma_wait3A_298 : memref<100352x8xf32, #tpu.memory_space<vmem_shared>>)
        tpu.yield
      }) : () -> ()
      %run_scoped3A_269 = arith.constant 1 : i32
      %run_scoped3A_270 = arith.constant 1 : i32
      %run_scoped3A_271 = arith.constant 1 : i32
      "tpu.region"() ({
        %run_scoped3A_278 = tpu.sem_alloc : memref<!tpu.dma_semaphore, #tpu.memory_space<semaphore_mem>>
        %dma_start3A_279 = arith.constant 128 : i32
        %dma_start3A_280 = arith.constant 0 : i32
        %dma_start3A_281 = tpu.memref_slice %arg10[%run_scoped3A_269, %dma_start3A_279, %dma_start3A_280] : memref<2x512x8xf32, #tpu.memory_space<vmem>> -> memref<1x128x8xf32, #tpu.memory_space<vmem>>
        %dma_start3A_282 = tpu.memref_squeeze %dma_start3A_281 : memref<1x128x8xf32, #tpu.memory_space<vmem>> -> memref<128x8xf32, #tpu.memory_space<vmem>>
        %dma_start3A_283 = arith.constant 0 : i32
        %dma_start3A_284 = tpu.memref_slice %arg9[%run_scoped3A_270, %run_scoped3A_271, %dma_start3A_283] : memref<2x4x128xi32, #tpu.memory_space<vmem>> -> memref<1x1x128xi32, #tpu.memory_space<vmem>>
        %dma_start3A_285 = tpu.memref_squeeze %dma_start3A_284 : memref<1x1x128xi32, #tpu.memory_space<vmem>> -> memref<128xi32, #tpu.memory_space<vmem>>
        %dma_start3A_286 = arith.constant 0 : i32
        %dma_start3A_287 = arith.constant 0 : i32
        %dma_start3A_288 = tpu.memref_slice %arg7[%dma_start3A_286, %dma_start3A_287] : memref<100352x8xf32, #tpu.memory_space<vmem_shared>> -> memref<100352x8xf32, #tpu.memory_space<vmem_shared>>
        tpu.enqueue_indirect_dma source(%dma_start3A_282 : memref<128x8xf32, #tpu.memory_space<vmem>>) target(%dma_start3A_288 : memref<100352x8xf32, #tpu.memory_space<vmem_shared>>) offsets(%dma_start3A_285 : memref<128xi32, #tpu.memory_space<vmem>>) semaphore(%run_scoped3A_278 : memref<!tpu.dma_semaphore, #tpu.memory_space<semaphore_mem>>) {add = true}
        %dma_wait3A_289 = arith.constant 128 : i32
        %dma_wait3A_290 = arith.constant 0 : i32
        %dma_wait3A_291 = tpu.memref_slice %arg10[%run_scoped3A_269, %dma_wait3A_289, %dma_wait3A_290] : memref<2x512x8xf32, #tpu.memory_space<vmem>> -> memref<1x128x8xf32, #tpu.memory_space<vmem>>
        %dma_wait3A_292 = tpu.memref_squeeze %dma_wait3A_291 : memref<1x128x8xf32, #tpu.memory_space<vmem>> -> memref<128x8xf32, #tpu.memory_space<vmem>>
        %dma_wait3A_293 = arith.constant 0 : i32
        %dma_wait3A_294 = tpu.memref_slice %arg9[%run_scoped3A_270, %run_scoped3A_271, %dma_wait3A_293] : memref<2x4x128xi32, #tpu.memory_space<vmem>> -> memref<1x1x128xi32, #tpu.memory_space<vmem>>
        %dma_wait3A_295 = tpu.memref_squeeze %dma_wait3A_294 : memref<1x1x128xi32, #tpu.memory_space<vmem>> -> memref<128xi32, #tpu.memory_space<vmem>>
        %dma_wait3A_296 = arith.constant 0 : i32
        %dma_wait3A_297 = arith.constant 0 : i32
        %dma_wait3A_298 = tpu.memref_slice %arg7[%dma_wait3A_296, %dma_wait3A_297] : memref<100352x8xf32, #tpu.memory_space<vmem_shared>> -> memref<100352x8xf32, #tpu.memory_space<vmem_shared>>
        tpu.wait_indirect_dma semaphore(%run_scoped3A_278 : memref<!tpu.dma_semaphore, #tpu.memory_space<semaphore_mem>>) src(%dma_wait3A_292 : memref<128x8xf32, #tpu.memory_space<vmem>>) dst(%dma_wait3A_298 : memref<100352x8xf32, #tpu.memory_space<vmem_shared>>)
        tpu.yield
      }) : () -> ()
      %run_scoped3A_272 = arith.constant 1 : i32
      %run_scoped3A_273 = arith.constant 1 : i32
      %run_scoped3A_274 = arith.constant 2 : i32
      "tpu.region"() ({
        %run_scoped3A_278 = tpu.sem_alloc : memref<!tpu.dma_semaphore, #tpu.memory_space<semaphore_mem>>
        %dma_start3A_279 = arith.constant 256 : i32
        %dma_start3A_280 = arith.constant 0 : i32
        %dma_start3A_281 = tpu.memref_slice %arg10[%run_scoped3A_272, %dma_start3A_279, %dma_start3A_280] : memref<2x512x8xf32, #tpu.memory_space<vmem>> -> memref<1x128x8xf32, #tpu.memory_space<vmem>>
        %dma_start3A_282 = tpu.memref_squeeze %dma_start3A_281 : memref<1x128x8xf32, #tpu.memory_space<vmem>> -> memref<128x8xf32, #tpu.memory_space<vmem>>
        %dma_start3A_283 = arith.constant 0 : i32
        %dma_start3A_284 = tpu.memref_slice %arg9[%run_scoped3A_273, %run_scoped3A_274, %dma_start3A_283] : memref<2x4x128xi32, #tpu.memory_space<vmem>> -> memref<1x1x128xi32, #tpu.memory_space<vmem>>
        %dma_start3A_285 = tpu.memref_squeeze %dma_start3A_284 : memref<1x1x128xi32, #tpu.memory_space<vmem>> -> memref<128xi32, #tpu.memory_space<vmem>>
        %dma_start3A_286 = arith.constant 0 : i32
        %dma_start3A_287 = arith.constant 0 : i32
        %dma_start3A_288 = tpu.memref_slice %arg7[%dma_start3A_286, %dma_start3A_287] : memref<100352x8xf32, #tpu.memory_space<vmem_shared>> -> memref<100352x8xf32, #tpu.memory_space<vmem_shared>>
        tpu.enqueue_indirect_dma source(%dma_start3A_282 : memref<128x8xf32, #tpu.memory_space<vmem>>) target(%dma_start3A_288 : memref<100352x8xf32, #tpu.memory_space<vmem_shared>>) offsets(%dma_start3A_285 : memref<128xi32, #tpu.memory_space<vmem>>) semaphore(%run_scoped3A_278 : memref<!tpu.dma_semaphore, #tpu.memory_space<semaphore_mem>>) {add = true}
        %dma_wait3A_289 = arith.constant 256 : i32
        %dma_wait3A_290 = arith.constant 0 : i32
        %dma_wait3A_291 = tpu.memref_slice %arg10[%run_scoped3A_272, %dma_wait3A_289, %dma_wait3A_290] : memref<2x512x8xf32, #tpu.memory_space<vmem>> -> memref<1x128x8xf32, #tpu.memory_space<vmem>>
        %dma_wait3A_292 = tpu.memref_squeeze %dma_wait3A_291 : memref<1x128x8xf32, #tpu.memory_space<vmem>> -> memref<128x8xf32, #tpu.memory_space<vmem>>
        %dma_wait3A_293 = arith.constant 0 : i32
        %dma_wait3A_294 = tpu.memref_slice %arg9[%run_scoped3A_273, %run_scoped3A_274, %dma_wait3A_293] : memref<2x4x128xi32, #tpu.memory_space<vmem>> -> memref<1x1x128xi32, #tpu.memory_space<vmem>>
        %dma_wait3A_295 = tpu.memref_squeeze %dma_wait3A_294 : memref<1x1x128xi32, #tpu.memory_space<vmem>> -> memref<128xi32, #tpu.memory_space<vmem>>
        %dma_wait3A_296 = arith.constant 0 : i32
        %dma_wait3A_297 = arith.constant 0 : i32
        %dma_wait3A_298 = tpu.memref_slice %arg7[%dma_wait3A_296, %dma_wait3A_297] : memref<100352x8xf32, #tpu.memory_space<vmem_shared>> -> memref<100352x8xf32, #tpu.memory_space<vmem_shared>>
        tpu.wait_indirect_dma semaphore(%run_scoped3A_278 : memref<!tpu.dma_semaphore, #tpu.memory_space<semaphore_mem>>) src(%dma_wait3A_292 : memref<128x8xf32, #tpu.memory_space<vmem>>) dst(%dma_wait3A_298 : memref<100352x8xf32, #tpu.memory_space<vmem_shared>>)
        tpu.yield
      }) : () -> ()
      %run_scoped3A_275 = arith.constant 1 : i32
      %run_scoped3A_276 = arith.constant 1 : i32
      %run_scoped3A_277 = arith.constant 3 : i32
      "tpu.region"() ({
        %run_scoped3A_278 = tpu.sem_alloc : memref<!tpu.dma_semaphore, #tpu.memory_space<semaphore_mem>>
        %dma_start3A_279 = arith.constant 384 : i32
        %dma_start3A_280 = arith.constant 0 : i32
        %dma_start3A_281 = tpu.memref_slice %arg10[%run_scoped3A_275, %dma_start3A_279, %dma_start3A_280] : memref<2x512x8xf32, #tpu.memory_space<vmem>> -> memref<1x128x8xf32, #tpu.memory_space<vmem>>
        %dma_start3A_282 = tpu.memref_squeeze %dma_start3A_281 : memref<1x128x8xf32, #tpu.memory_space<vmem>> -> memref<128x8xf32, #tpu.memory_space<vmem>>
        %dma_start3A_283 = arith.constant 0 : i32
        %dma_start3A_284 = tpu.memref_slice %arg9[%run_scoped3A_276, %run_scoped3A_277, %dma_start3A_283] : memref<2x4x128xi32, #tpu.memory_space<vmem>> -> memref<1x1x128xi32, #tpu.memory_space<vmem>>
        %dma_start3A_285 = tpu.memref_squeeze %dma_start3A_284 : memref<1x1x128xi32, #tpu.memory_space<vmem>> -> memref<128xi32, #tpu.memory_space<vmem>>
        %dma_start3A_286 = arith.constant 0 : i32
        %dma_start3A_287 = arith.constant 0 : i32
        %dma_start3A_288 = tpu.memref_slice %arg7[%dma_start3A_286, %dma_start3A_287] : memref<100352x8xf32, #tpu.memory_space<vmem_shared>> -> memref<100352x8xf32, #tpu.memory_space<vmem_shared>>
        tpu.enqueue_indirect_dma source(%dma_start3A_282 : memref<128x8xf32, #tpu.memory_space<vmem>>) target(%dma_start3A_288 : memref<100352x8xf32, #tpu.memory_space<vmem_shared>>) offsets(%dma_start3A_285 : memref<128xi32, #tpu.memory_space<vmem>>) semaphore(%run_scoped3A_278 : memref<!tpu.dma_semaphore, #tpu.memory_space<semaphore_mem>>) {add = true}
        %dma_wait3A_289 = arith.constant 384 : i32
        %dma_wait3A_290 = arith.constant 0 : i32
        %dma_wait3A_291 = tpu.memref_slice %arg10[%run_scoped3A_275, %dma_wait3A_289, %dma_wait3A_290] : memref<2x512x8xf32, #tpu.memory_space<vmem>> -> memref<1x128x8xf32, #tpu.memory_space<vmem>>
        %dma_wait3A_292 = tpu.memref_squeeze %dma_wait3A_291 : memref<1x128x8xf32, #tpu.memory_space<vmem>> -> memref<128x8xf32, #tpu.memory_space<vmem>>
        %dma_wait3A_293 = arith.constant 0 : i32
        %dma_wait3A_294 = tpu.memref_slice %arg9[%run_scoped3A_276, %run_scoped3A_277, %dma_wait3A_293] : memref<2x4x128xi32, #tpu.memory_space<vmem>> -> memref<1x1x128xi32, #tpu.memory_space<vmem>>
        %dma_wait3A_295 = tpu.memref_squeeze %dma_wait3A_294 : memref<1x1x128xi32, #tpu.memory_space<vmem>> -> memref<128xi32, #tpu.memory_space<vmem>>
        %dma_wait3A_296 = arith.constant 0 : i32
        %dma_wait3A_297 = arith.constant 0 : i32
        %dma_wait3A_298 = tpu.memref_slice %arg7[%dma_wait3A_296, %dma_wait3A_297] : memref<100352x8xf32, #tpu.memory_space<vmem_shared>> -> memref<100352x8xf32, #tpu.memory_space<vmem_shared>>
        tpu.wait_indirect_dma semaphore(%run_scoped3A_278 : memref<!tpu.dma_semaphore, #tpu.memory_space<semaphore_mem>>) src(%dma_wait3A_292 : memref<128x8xf32, #tpu.memory_space<vmem>>) dst(%dma_wait3A_298 : memref<100352x8xf32, #tpu.memory_space<vmem_shared>>)
        tpu.yield
      }) : () -> ()
    }
    %while3A_15 = arith.constant 1 : i32
    scf.for %while3A_30 = %while3A_13 to %while3A_9 step %while3A_15  : i32 {
      %mul3A_31 = arith.constant 2 : i32
      %mul3A_32 = arith.muli %while3A_30, %mul3A_31 : i32
      %mul3A_33 = arith.constant 4 : i32
      %mul3A_34 = arith.muli %mul3A_32, %mul3A_33 : i32
      %add3A_35 = arith.addi %mul3A_4, %mul3A_34 : i32
      %run_scoped3A = arith.constant 0 : i32
      %run_scoped3A_36 = arith.constant 0 : i32
      "tpu.region"() ({
        %run_scoped3A_278 = tpu.sem_alloc : memref<!tpu.dma_semaphore, #tpu.memory_space<semaphore_mem>>
        %dma_start3A_279 = arith.constant 0 : i32
        %dma_start3A_280 = arith.constant 0 : i32
        %dma_start3A_281 = tpu.memref_slice %arg8[%run_scoped3A_36, %dma_start3A_279, %dma_start3A_280] : memref<2x4x128xi32, #tpu.memory_space<vmem>> -> memref<1x4x128xi32, #tpu.memory_space<vmem>>
        %dma_start3A_282 = tpu.memref_squeeze %dma_start3A_281 : memref<1x4x128xi32, #tpu.memory_space<vmem>> -> memref<4x128xi32, #tpu.memory_space<vmem>>
        %dma_start3A_283 = arith.constant 0 : i32
        %dma_start3A_284 = tpu.memref_slice %arg3[%run_scoped3A, %add3A_35, %dma_start3A_283] : memref<2x12500x128xi32, #tpu.memory_space<hbm>> -> memref<1x4x128xi32, #tpu.memory_space<hbm>>
        %dma_start3A_285 = tpu.memref_squeeze %dma_start3A_284 : memref<1x4x128xi32, #tpu.memory_space<hbm>> -> memref<4x128xi32, #tpu.memory_space<hbm>>
        %dma_start3A_286 = arith.constant 0 : i32
        %dma_start3A_287 = arith.constant 0 : i32
        %dma_start3A_288 = tpu.memref_slice %arg8[%run_scoped3A_36, %dma_start3A_286, %dma_start3A_287] : memref<2x4x128xi32, #tpu.memory_space<vmem>> -> memref<1x4x128xi32, #tpu.memory_space<vmem>>
        %dma_start3A_289 = tpu.memref_squeeze %dma_start3A_288 : memref<1x4x128xi32, #tpu.memory_space<vmem>> -> memref<4x128xi32, #tpu.memory_space<vmem>>
        %dma_start3A_290 = arith.constant 0 : i32
        %dma_start3A_291 = tpu.memref_slice %arg3[%run_scoped3A, %add3A_35, %dma_start3A_290] : memref<2x12500x128xi32, #tpu.memory_space<hbm>> -> memref<1x4x128xi32, #tpu.memory_space<hbm>>
        %dma_start3A_292 = tpu.memref_squeeze %dma_start3A_291 : memref<1x4x128xi32, #tpu.memory_space<hbm>> -> memref<4x128xi32, #tpu.memory_space<hbm>>
        tpu.enqueue_dma source(%dma_start3A_292 : memref<4x128xi32, #tpu.memory_space<hbm>>) target(%dma_start3A_289 : memref<4x128xi32, #tpu.memory_space<vmem>>) target_semaphore(%run_scoped3A_278 : memref<!tpu.dma_semaphore, #tpu.memory_space<semaphore_mem>>)
        %dma_wait3A_293 = arith.constant 0 : i32
        %dma_wait3A_294 = arith.constant 0 : i32
        %dma_wait3A_295 = tpu.memref_slice %arg8[%run_scoped3A_36, %dma_wait3A_293, %dma_wait3A_294] : memref<2x4x128xi32, #tpu.memory_space<vmem>> -> memref<1x4x128xi32, #tpu.memory_space<vmem>>
        %dma_wait3A_296 = tpu.memref_squeeze %dma_wait3A_295 : memref<1x4x128xi32, #tpu.memory_space<vmem>> -> memref<4x128xi32, #tpu.memory_space<vmem>>
        %dma_wait3A_297 = arith.constant 0 : i32
        %dma_wait3A_298 = tpu.memref_slice %arg3[%run_scoped3A, %add3A_35, %dma_wait3A_297] : memref<2x12500x128xi32, #tpu.memory_space<hbm>> -> memref<1x4x128xi32, #tpu.memory_space<hbm>>
        %dma_wait3A_299 = tpu.memref_squeeze %dma_wait3A_298 : memref<1x4x128xi32, #tpu.memory_space<hbm>> -> memref<4x128xi32, #tpu.memory_space<hbm>>
        %dma_wait3A_300 = arith.constant 0 : i32
        %dma_wait3A_301 = arith.constant 0 : i32
        %dma_wait3A_302 = tpu.memref_slice %arg8[%run_scoped3A_36, %dma_wait3A_300, %dma_wait3A_301] : memref<2x4x128xi32, #tpu.memory_space<vmem>> -> memref<1x4x128xi32, #tpu.memory_space<vmem>>
        %dma_wait3A_303 = tpu.memref_squeeze %dma_wait3A_302 : memref<1x4x128xi32, #tpu.memory_space<vmem>> -> memref<4x128xi32, #tpu.memory_space<vmem>>
        %dma_wait3A_304 = arith.constant 0 : i32
        %dma_wait3A_305 = tpu.memref_slice %arg3[%run_scoped3A, %add3A_35, %dma_wait3A_304] : memref<2x12500x128xi32, #tpu.memory_space<hbm>> -> memref<1x4x128xi32, #tpu.memory_space<hbm>>
        %dma_wait3A_306 = tpu.memref_squeeze %dma_wait3A_305 : memref<1x4x128xi32, #tpu.memory_space<hbm>> -> memref<4x128xi32, #tpu.memory_space<hbm>>
        tpu.wait_dma2 semaphore(%run_scoped3A_278 : memref<!tpu.dma_semaphore, #tpu.memory_space<semaphore_mem>>) src(%dma_wait3A_306 : memref<4x128xi32, #tpu.memory_space<hbm>>) dst(%dma_wait3A_303 : memref<4x128xi32, #tpu.memory_space<vmem>>)
        tpu.yield
      }) : () -> ()
      %run_scoped3A_37 = arith.constant 1 : i32
      %run_scoped3A_38 = arith.constant 0 : i32
      "tpu.region"() ({
        %run_scoped3A_278 = tpu.sem_alloc : memref<!tpu.dma_semaphore, #tpu.memory_space<semaphore_mem>>
        %dma_start3A_279 = arith.constant 0 : i32
        %dma_start3A_280 = arith.constant 0 : i32
        %dma_start3A_281 = tpu.memref_slice %arg9[%run_scoped3A_38, %dma_start3A_279, %dma_start3A_280] : memref<2x4x128xi32, #tpu.memory_space<vmem>> -> memref<1x4x128xi32, #tpu.memory_space<vmem>>
        %dma_start3A_282 = tpu.memref_squeeze %dma_start3A_281 : memref<1x4x128xi32, #tpu.memory_space<vmem>> -> memref<4x128xi32, #tpu.memory_space<vmem>>
        %dma_start3A_283 = arith.constant 0 : i32
        %dma_start3A_284 = tpu.memref_slice %arg3[%run_scoped3A_37, %add3A_35, %dma_start3A_283] : memref<2x12500x128xi32, #tpu.memory_space<hbm>> -> memref<1x4x128xi32, #tpu.memory_space<hbm>>
        %dma_start3A_285 = tpu.memref_squeeze %dma_start3A_284 : memref<1x4x128xi32, #tpu.memory_space<hbm>> -> memref<4x128xi32, #tpu.memory_space<hbm>>
        %dma_start3A_286 = arith.constant 0 : i32
        %dma_start3A_287 = arith.constant 0 : i32
        %dma_start3A_288 = tpu.memref_slice %arg9[%run_scoped3A_38, %dma_start3A_286, %dma_start3A_287] : memref<2x4x128xi32, #tpu.memory_space<vmem>> -> memref<1x4x128xi32, #tpu.memory_space<vmem>>
        %dma_start3A_289 = tpu.memref_squeeze %dma_start3A_288 : memref<1x4x128xi32, #tpu.memory_space<vmem>> -> memref<4x128xi32, #tpu.memory_space<vmem>>
        %dma_start3A_290 = arith.constant 0 : i32
        %dma_start3A_291 = tpu.memref_slice %arg3[%run_scoped3A_37, %add3A_35, %dma_start3A_290] : memref<2x12500x128xi32, #tpu.memory_space<hbm>> -> memref<1x4x128xi32, #tpu.memory_space<hbm>>
        %dma_start3A_292 = tpu.memref_squeeze %dma_start3A_291 : memref<1x4x128xi32, #tpu.memory_space<hbm>> -> memref<4x128xi32, #tpu.memory_space<hbm>>
        tpu.enqueue_dma source(%dma_start3A_292 : memref<4x128xi32, #tpu.memory_space<hbm>>) target(%dma_start3A_289 : memref<4x128xi32, #tpu.memory_space<vmem>>) target_semaphore(%run_scoped3A_278 : memref<!tpu.dma_semaphore, #tpu.memory_space<semaphore_mem>>)
        %dma_wait3A_293 = arith.constant 0 : i32
        %dma_wait3A_294 = arith.constant 0 : i32
        %dma_wait3A_295 = tpu.memref_slice %arg9[%run_scoped3A_38, %dma_wait3A_293, %dma_wait3A_294] : memref<2x4x128xi32, #tpu.memory_space<vmem>> -> memref<1x4x128xi32, #tpu.memory_space<vmem>>
        %dma_wait3A_296 = tpu.memref_squeeze %dma_wait3A_295 : memref<1x4x128xi32, #tpu.memory_space<vmem>> -> memref<4x128xi32, #tpu.memory_space<vmem>>
        %dma_wait3A_297 = arith.constant 0 : i32
        %dma_wait3A_298 = tpu.memref_slice %arg3[%run_scoped3A_37, %add3A_35, %dma_wait3A_297] : memref<2x12500x128xi32, #tpu.memory_space<hbm>> -> memref<1x4x128xi32, #tpu.memory_space<hbm>>
        %dma_wait3A_299 = tpu.memref_squeeze %dma_wait3A_298 : memref<1x4x128xi32, #tpu.memory_space<hbm>> -> memref<4x128xi32, #tpu.memory_space<hbm>>
        %dma_wait3A_300 = arith.constant 0 : i32
        %dma_wait3A_301 = arith.constant 0 : i32
        %dma_wait3A_302 = tpu.memref_slice %arg9[%run_scoped3A_38, %dma_wait3A_300, %dma_wait3A_301] : memref<2x4x128xi32, #tpu.memory_space<vmem>> -> memref<1x4x128xi32, #tpu.memory_space<vmem>>
        %dma_wait3A_303 = tpu.memref_squeeze %dma_wait3A_302 : memref<1x4x128xi32, #tpu.memory_space<vmem>> -> memref<4x128xi32, #tpu.memory_space<vmem>>
        %dma_wait3A_304 = arith.constant 0 : i32
        %dma_wait3A_305 = tpu.memref_slice %arg3[%run_scoped3A_37, %add3A_35, %dma_wait3A_304] : memref<2x12500x128xi32, #tpu.memory_space<hbm>> -> memref<1x4x128xi32, #tpu.memory_space<hbm>>
        %dma_wait3A_306 = tpu.memref_squeeze %dma_wait3A_305 : memref<1x4x128xi32, #tpu.memory_space<hbm>> -> memref<4x128xi32, #tpu.memory_space<hbm>>
        tpu.wait_dma2 semaphore(%run_scoped3A_278 : memref<!tpu.dma_semaphore, #tpu.memory_space<semaphore_mem>>) src(%dma_wait3A_306 : memref<4x128xi32, #tpu.memory_space<hbm>>) dst(%dma_wait3A_303 : memref<4x128xi32, #tpu.memory_space<vmem>>)
        tpu.yield
      }) : () -> ()
      %dma_start3A = arith.constant 0 : i32
      %dma_start3A_39 = arith.constant 0 : i32
      %dma_start3A_40 = arith.constant 0 : i32
      %dma_start3A_41 = arith.constant 0 : i32
      %dma_start3A_42 = arith.constant 0 : i32
      %dma_start3A_43 = tpu.memref_slice %arg10[%dma_start3A_40, %dma_start3A_41, %dma_start3A_42] : memref<2x512x8xf32, #tpu.memory_space<vmem>> -> memref<1x128x8xf32, #tpu.memory_space<vmem>>
      %dma_start3A_44 = tpu.memref_squeeze %dma_start3A_43 : memref<1x128x8xf32, #tpu.memory_space<vmem>> -> memref<128x8xf32, #tpu.memory_space<vmem>>
      %dma_start3A_45 = arith.constant 0 : i32
      %dma_start3A_46 = tpu.memref_slice %arg8[%dma_start3A, %dma_start3A_39, %dma_start3A_45] : memref<2x4x128xi32, #tpu.memory_space<vmem>> -> memref<1x1x128xi32, #tpu.memory_space<vmem>>
      %dma_start3A_47 = tpu.memref_squeeze %dma_start3A_46 : memref<1x1x128xi32, #tpu.memory_space<vmem>> -> memref<128xi32, #tpu.memory_space<vmem>>
      %dma_start3A_48 = arith.constant 0 : i32
      %dma_start3A_49 = arith.constant 0 : i32
      %dma_start3A_50 = tpu.memref_slice %arg2[%dma_start3A_48, %dma_start3A_49] : memref<100000x8xf32, #tpu.memory_space<hbm>> -> memref<100000x8xf32, #tpu.memory_space<hbm>>
      tpu.enqueue_indirect_dma source(%dma_start3A_50 : memref<100000x8xf32, #tpu.memory_space<hbm>>) target(%dma_start3A_44 : memref<128x8xf32, #tpu.memory_space<vmem>>) offsets(%dma_start3A_47 : memref<128xi32, #tpu.memory_space<vmem>>) semaphore(%arg11 : memref<!tpu.dma_semaphore, #tpu.memory_space<semaphore_mem>>)
      %dma_start3A_51 = arith.constant 0 : i32
      %dma_start3A_52 = arith.constant 1 : i32
      %dma_start3A_53 = arith.constant 0 : i32
      %dma_start3A_54 = arith.constant 128 : i32
      %dma_start3A_55 = arith.constant 0 : i32
      %dma_start3A_56 = tpu.memref_slice %arg10[%dma_start3A_53, %dma_start3A_54, %dma_start3A_55] : memref<2x512x8xf32, #tpu.memory_space<vmem>> -> memref<1x128x8xf32, #tpu.memory_space<vmem>>
      %dma_start3A_57 = tpu.memref_squeeze %dma_start3A_56 : memref<1x128x8xf32, #tpu.memory_space<vmem>> -> memref<128x8xf32, #tpu.memory_space<vmem>>
      %dma_start3A_58 = arith.constant 0 : i32
      %dma_start3A_59 = tpu.memref_slice %arg8[%dma_start3A_51, %dma_start3A_52, %dma_start3A_58] : memref<2x4x128xi32, #tpu.memory_space<vmem>> -> memref<1x1x128xi32, #tpu.memory_space<vmem>>
      %dma_start3A_60 = tpu.memref_squeeze %dma_start3A_59 : memref<1x1x128xi32, #tpu.memory_space<vmem>> -> memref<128xi32, #tpu.memory_space<vmem>>
      %dma_start3A_61 = arith.constant 0 : i32
      %dma_start3A_62 = arith.constant 0 : i32
      %dma_start3A_63 = tpu.memref_slice %arg2[%dma_start3A_61, %dma_start3A_62] : memref<100000x8xf32, #tpu.memory_space<hbm>> -> memref<100000x8xf32, #tpu.memory_space<hbm>>
      tpu.enqueue_indirect_dma source(%dma_start3A_63 : memref<100000x8xf32, #tpu.memory_space<hbm>>) target(%dma_start3A_57 : memref<128x8xf32, #tpu.memory_space<vmem>>) offsets(%dma_start3A_60 : memref<128xi32, #tpu.memory_space<vmem>>) semaphore(%arg11 : memref<!tpu.dma_semaphore, #tpu.memory_space<semaphore_mem>>)
      %dma_start3A_64 = arith.constant 0 : i32
      %dma_start3A_65 = arith.constant 2 : i32
      %dma_start3A_66 = arith.constant 0 : i32
      %dma_start3A_67 = arith.constant 256 : i32
      %dma_start3A_68 = arith.constant 0 : i32
      %dma_start3A_69 = tpu.memref_slice %arg10[%dma_start3A_66, %dma_start3A_67, %dma_start3A_68] : memref<2x512x8xf32, #tpu.memory_space<vmem>> -> memref<1x128x8xf32, #tpu.memory_space<vmem>>
      %dma_start3A_70 = tpu.memref_squeeze %dma_start3A_69 : memref<1x128x8xf32, #tpu.memory_space<vmem>> -> memref<128x8xf32, #tpu.memory_space<vmem>>
      %dma_start3A_71 = arith.constant 0 : i32
      %dma_start3A_72 = tpu.memref_slice %arg8[%dma_start3A_64, %dma_start3A_65, %dma_start3A_71] : memref<2x4x128xi32, #tpu.memory_space<vmem>> -> memref<1x1x128xi32, #tpu.memory_space<vmem>>
      %dma_start3A_73 = tpu.memref_squeeze %dma_start3A_72 : memref<1x1x128xi32, #tpu.memory_space<vmem>> -> memref<128xi32, #tpu.memory_space<vmem>>
      %dma_start3A_74 = arith.constant 0 : i32
      %dma_start3A_75 = arith.constant 0 : i32
      %dma_start3A_76 = tpu.memref_slice %arg2[%dma_start3A_74, %dma_start3A_75] : memref<100000x8xf32, #tpu.memory_space<hbm>> -> memref<100000x8xf32, #tpu.memory_space<hbm>>
      tpu.enqueue_indirect_dma source(%dma_start3A_76 : memref<100000x8xf32, #tpu.memory_space<hbm>>) target(%dma_start3A_70 : memref<128x8xf32, #tpu.memory_space<vmem>>) offsets(%dma_start3A_73 : memref<128xi32, #tpu.memory_space<vmem>>) semaphore(%arg11 : memref<!tpu.dma_semaphore, #tpu.memory_space<semaphore_mem>>)
      %dma_start3A_77 = arith.constant 0 : i32
      %dma_start3A_78 = arith.constant 3 : i32
      %dma_start3A_79 = arith.constant 0 : i32
      %dma_start3A_80 = arith.constant 384 : i32
      %dma_start3A_81 = arith.constant 0 : i32
      %dma_start3A_82 = tpu.memref_slice %arg10[%dma_start3A_79, %dma_start3A_80, %dma_start3A_81] : memref<2x512x8xf32, #tpu.memory_space<vmem>> -> memref<1x128x8xf32, #tpu.memory_space<vmem>>
      %dma_start3A_83 = tpu.memref_squeeze %dma_start3A_82 : memref<1x128x8xf32, #tpu.memory_space<vmem>> -> memref<128x8xf32, #tpu.memory_space<vmem>>
      %dma_start3A_84 = arith.constant 0 : i32
      %dma_start3A_85 = tpu.memref_slice %arg8[%dma_start3A_77, %dma_start3A_78, %dma_start3A_84] : memref<2x4x128xi32, #tpu.memory_space<vmem>> -> memref<1x1x128xi32, #tpu.memory_space<vmem>>
      %dma_start3A_86 = tpu.memref_squeeze %dma_start3A_85 : memref<1x1x128xi32, #tpu.memory_space<vmem>> -> memref<128xi32, #tpu.memory_space<vmem>>
      %dma_start3A_87 = arith.constant 0 : i32
      %dma_start3A_88 = arith.constant 0 : i32
      %dma_start3A_89 = tpu.memref_slice %arg2[%dma_start3A_87, %dma_start3A_88] : memref<100000x8xf32, #tpu.memory_space<hbm>> -> memref<100000x8xf32, #tpu.memory_space<hbm>>
      tpu.enqueue_indirect_dma source(%dma_start3A_89 : memref<100000x8xf32, #tpu.memory_space<hbm>>) target(%dma_start3A_83 : memref<128x8xf32, #tpu.memory_space<vmem>>) offsets(%dma_start3A_86 : memref<128xi32, #tpu.memory_space<vmem>>) semaphore(%arg11 : memref<!tpu.dma_semaphore, #tpu.memory_space<semaphore_mem>>)
      %add3A_90 = arith.constant 1 : i32
      %add3A_91 = arith.addi %mul3A_32, %add3A_90 : i32
      %mul3A_92 = arith.constant 4 : i32
      %mul3A_93 = arith.muli %add3A_91, %mul3A_92 : i32
      %add3A_94 = arith.addi %mul3A_4, %mul3A_93 : i32
      %run_scoped3A_95 = arith.constant 0 : i32
      %run_scoped3A_96 = arith.constant 1 : i32
      "tpu.region"() ({
        %run_scoped3A_278 = tpu.sem_alloc : memref<!tpu.dma_semaphore, #tpu.memory_space<semaphore_mem>>
        %dma_start3A_279 = arith.constant 0 : i32
        %dma_start3A_280 = arith.constant 0 : i32
        %dma_start3A_281 = tpu.memref_slice %arg8[%run_scoped3A_96, %dma_start3A_279, %dma_start3A_280] : memref<2x4x128xi32, #tpu.memory_space<vmem>> -> memref<1x4x128xi32, #tpu.memory_space<vmem>>
        %dma_start3A_282 = tpu.memref_squeeze %dma_start3A_281 : memref<1x4x128xi32, #tpu.memory_space<vmem>> -> memref<4x128xi32, #tpu.memory_space<vmem>>
        %dma_start3A_283 = arith.constant 0 : i32
        %dma_start3A_284 = tpu.memref_slice %arg3[%run_scoped3A_95, %add3A_94, %dma_start3A_283] : memref<2x12500x128xi32, #tpu.memory_space<hbm>> -> memref<1x4x128xi32, #tpu.memory_space<hbm>>
        %dma_start3A_285 = tpu.memref_squeeze %dma_start3A_284 : memref<1x4x128xi32, #tpu.memory_space<hbm>> -> memref<4x128xi32, #tpu.memory_space<hbm>>
        %dma_start3A_286 = arith.constant 0 : i32
        %dma_start3A_287 = arith.constant 0 : i32
        %dma_start3A_288 = tpu.memref_slice %arg8[%run_scoped3A_96, %dma_start3A_286, %dma_start3A_287] : memref<2x4x128xi32, #tpu.memory_space<vmem>> -> memref<1x4x128xi32, #tpu.memory_space<vmem>>
        %dma_start3A_289 = tpu.memref_squeeze %dma_start3A_288 : memref<1x4x128xi32, #tpu.memory_space<vmem>> -> memref<4x128xi32, #tpu.memory_space<vmem>>
        %dma_start3A_290 = arith.constant 0 : i32
        %dma_start3A_291 = tpu.memref_slice %arg3[%run_scoped3A_95, %add3A_94, %dma_start3A_290] : memref<2x12500x128xi32, #tpu.memory_space<hbm>> -> memref<1x4x128xi32, #tpu.memory_space<hbm>>
        %dma_start3A_292 = tpu.memref_squeeze %dma_start3A_291 : memref<1x4x128xi32, #tpu.memory_space<hbm>> -> memref<4x128xi32, #tpu.memory_space<hbm>>
        tpu.enqueue_dma source(%dma_start3A_292 : memref<4x128xi32, #tpu.memory_space<hbm>>) target(%dma_start3A_289 : memref<4x128xi32, #tpu.memory_space<vmem>>) target_semaphore(%run_scoped3A_278 : memref<!tpu.dma_semaphore, #tpu.memory_space<semaphore_mem>>)
        %dma_wait3A_293 = arith.constant 0 : i32
        %dma_wait3A_294 = arith.constant 0 : i32
        %dma_wait3A_295 = tpu.memref_slice %arg8[%run_scoped3A_96, %dma_wait3A_293, %dma_wait3A_294] : memref<2x4x128xi32, #tpu.memory_space<vmem>> -> memref<1x4x128xi32, #tpu.memory_space<vmem>>
        %dma_wait3A_296 = tpu.memref_squeeze %dma_wait3A_295 : memref<1x4x128xi32, #tpu.memory_space<vmem>> -> memref<4x128xi32, #tpu.memory_space<vmem>>
        %dma_wait3A_297 = arith.constant 0 : i32
        %dma_wait3A_298 = tpu.memref_slice %arg3[%run_scoped3A_95, %add3A_94, %dma_wait3A_297] : memref<2x12500x128xi32, #tpu.memory_space<hbm>> -> memref<1x4x128xi32, #tpu.memory_space<hbm>>
        %dma_wait3A_299 = tpu.memref_squeeze %dma_wait3A_298 : memref<1x4x128xi32, #tpu.memory_space<hbm>> -> memref<4x128xi32, #tpu.memory_space<hbm>>
        %dma_wait3A_300 = arith.constant 0 : i32
        %dma_wait3A_301 = arith.constant 0 : i32
        %dma_wait3A_302 = tpu.memref_slice %arg8[%run_scoped3A_96, %dma_wait3A_300, %dma_wait3A_301] : memref<2x4x128xi32, #tpu.memory_space<vmem>> -> memref<1x4x128xi32, #tpu.memory_space<vmem>>
        %dma_wait3A_303 = tpu.memref_squeeze %dma_wait3A_302 : memref<1x4x128xi32, #tpu.memory_space<vmem>> -> memref<4x128xi32, #tpu.memory_space<vmem>>
        %dma_wait3A_304 = arith.constant 0 : i32
        %dma_wait3A_305 = tpu.memref_slice %arg3[%run_scoped3A_95, %add3A_94, %dma_wait3A_304] : memref<2x12500x128xi32, #tpu.memory_space<hbm>> -> memref<1x4x128xi32, #tpu.memory_space<hbm>>
        %dma_wait3A_306 = tpu.memref_squeeze %dma_wait3A_305 : memref<1x4x128xi32, #tpu.memory_space<hbm>> -> memref<4x128xi32, #tpu.memory_space<hbm>>
        tpu.wait_dma2 semaphore(%run_scoped3A_278 : memref<!tpu.dma_semaphore, #tpu.memory_space<semaphore_mem>>) src(%dma_wait3A_306 : memref<4x128xi32, #tpu.memory_space<hbm>>) dst(%dma_wait3A_303 : memref<4x128xi32, #tpu.memory_space<vmem>>)
        tpu.yield
      }) : () -> ()
      %run_scoped3A_97 = arith.constant 1 : i32
      %run_scoped3A_98 = arith.constant 1 : i32
      "tpu.region"() ({
        %run_scoped3A_278 = tpu.sem_alloc : memref<!tpu.dma_semaphore, #tpu.memory_space<semaphore_mem>>
        %dma_start3A_279 = arith.constant 0 : i32
        %dma_start3A_280 = arith.constant 0 : i32
        %dma_start3A_281 = tpu.memref_slice %arg9[%run_scoped3A_98, %dma_start3A_279, %dma_start3A_280] : memref<2x4x128xi32, #tpu.memory_space<vmem>> -> memref<1x4x128xi32, #tpu.memory_space<vmem>>
        %dma_start3A_282 = tpu.memref_squeeze %dma_start3A_281 : memref<1x4x128xi32, #tpu.memory_space<vmem>> -> memref<4x128xi32, #tpu.memory_space<vmem>>
        %dma_start3A_283 = arith.constant 0 : i32
        %dma_start3A_284 = tpu.memref_slice %arg3[%run_scoped3A_97, %add3A_94, %dma_start3A_283] : memref<2x12500x128xi32, #tpu.memory_space<hbm>> -> memref<1x4x128xi32, #tpu.memory_space<hbm>>
        %dma_start3A_285 = tpu.memref_squeeze %dma_start3A_284 : memref<1x4x128xi32, #tpu.memory_space<hbm>> -> memref<4x128xi32, #tpu.memory_space<hbm>>
        %dma_start3A_286 = arith.constant 0 : i32
        %dma_start3A_287 = arith.constant 0 : i32
        %dma_start3A_288 = tpu.memref_slice %arg9[%run_scoped3A_98, %dma_start3A_286, %dma_start3A_287] : memref<2x4x128xi32, #tpu.memory_space<vmem>> -> memref<1x4x128xi32, #tpu.memory_space<vmem>>
        %dma_start3A_289 = tpu.memref_squeeze %dma_start3A_288 : memref<1x4x128xi32, #tpu.memory_space<vmem>> -> memref<4x128xi32, #tpu.memory_space<vmem>>
        %dma_start3A_290 = arith.constant 0 : i32
        %dma_start3A_291 = tpu.memref_slice %arg3[%run_scoped3A_97, %add3A_94, %dma_start3A_290] : memref<2x12500x128xi32, #tpu.memory_space<hbm>> -> memref<1x4x128xi32, #tpu.memory_space<hbm>>
        %dma_start3A_292 = tpu.memref_squeeze %dma_start3A_291 : memref<1x4x128xi32, #tpu.memory_space<hbm>> -> memref<4x128xi32, #tpu.memory_space<hbm>>
        tpu.enqueue_dma source(%dma_start3A_292 : memref<4x128xi32, #tpu.memory_space<hbm>>) target(%dma_start3A_289 : memref<4x128xi32, #tpu.memory_space<vmem>>) target_semaphore(%run_scoped3A_278 : memref<!tpu.dma_semaphore, #tpu.memory_space<semaphore_mem>>)
        %dma_wait3A_293 = arith.constant 0 : i32
        %dma_wait3A_294 = arith.constant 0 : i32
        %dma_wait3A_295 = tpu.memref_slice %arg9[%run_scoped3A_98, %dma_wait3A_293, %dma_wait3A_294] : memref<2x4x128xi32, #tpu.memory_space<vmem>> -> memref<1x4x128xi32, #tpu.memory_space<vmem>>
        %dma_wait3A_296 = tpu.memref_squeeze %dma_wait3A_295 : memref<1x4x128xi32, #tpu.memory_space<vmem>> -> memref<4x128xi32, #tpu.memory_space<vmem>>
        %dma_wait3A_297 = arith.constant 0 : i32
        %dma_wait3A_298 = tpu.memref_slice %arg3[%run_scoped3A_97, %add3A_94, %dma_wait3A_297] : memref<2x12500x128xi32, #tpu.memory_space<hbm>> -> memref<1x4x128xi32, #tpu.memory_space<hbm>>
        %dma_wait3A_299 = tpu.memref_squeeze %dma_wait3A_298 : memref<1x4x128xi32, #tpu.memory_space<hbm>> -> memref<4x128xi32, #tpu.memory_space<hbm>>
        %dma_wait3A_300 = arith.constant 0 : i32
        %dma_wait3A_301 = arith.constant 0 : i32
        %dma_wait3A_302 = tpu.memref_slice %arg9[%run_scoped3A_98, %dma_wait3A_300, %dma_wait3A_301] : memref<2x4x128xi32, #tpu.memory_space<vmem>> -> memref<1x4x128xi32, #tpu.memory_space<vmem>>
        %dma_wait3A_303 = tpu.memref_squeeze %dma_wait3A_302 : memref<1x4x128xi32, #tpu.memory_space<vmem>> -> memref<4x128xi32, #tpu.memory_space<vmem>>
        %dma_wait3A_304 = arith.constant 0 : i32
        %dma_wait3A_305 = tpu.memref_slice %arg3[%run_scoped3A_97, %add3A_94, %dma_wait3A_304] : memref<2x12500x128xi32, #tpu.memory_space<hbm>> -> memref<1x4x128xi32, #tpu.memory_space<hbm>>
        %dma_wait3A_306 = tpu.memref_squeeze %dma_wait3A_305 : memref<1x4x128xi32, #tpu.memory_space<hbm>> -> memref<4x128xi32, #tpu.memory_space<hbm>>
        tpu.wait_dma2 semaphore(%run_scoped3A_278 : memref<!tpu.dma_semaphore, #tpu.memory_space<semaphore_mem>>) src(%dma_wait3A_306 : memref<4x128xi32, #tpu.memory_space<hbm>>) dst(%dma_wait3A_303 : memref<4x128xi32, #tpu.memory_space<vmem>>)
        tpu.yield
      }) : () -> ()
      %dma_start3A_99 = arith.constant 1 : i32
      %dma_start3A_100 = arith.constant 0 : i32
      %dma_start3A_101 = arith.constant 1 : i32
      %dma_start3A_102 = arith.constant 0 : i32
      %dma_start3A_103 = arith.constant 0 : i32
      %dma_start3A_104 = tpu.memref_slice %arg10[%dma_start3A_101, %dma_start3A_102, %dma_start3A_103] : memref<2x512x8xf32, #tpu.memory_space<vmem>> -> memref<1x128x8xf32, #tpu.memory_space<vmem>>
      %dma_start3A_105 = tpu.memref_squeeze %dma_start3A_104 : memref<1x128x8xf32, #tpu.memory_space<vmem>> -> memref<128x8xf32, #tpu.memory_space<vmem>>
      %dma_start3A_106 = arith.constant 0 : i32
      %dma_start3A_107 = tpu.memref_slice %arg8[%dma_start3A_99, %dma_start3A_100, %dma_start3A_106] : memref<2x4x128xi32, #tpu.memory_space<vmem>> -> memref<1x1x128xi32, #tpu.memory_space<vmem>>
      %dma_start3A_108 = tpu.memref_squeeze %dma_start3A_107 : memref<1x1x128xi32, #tpu.memory_space<vmem>> -> memref<128xi32, #tpu.memory_space<vmem>>
      %dma_start3A_109 = arith.constant 0 : i32
      %dma_start3A_110 = arith.constant 0 : i32
      %dma_start3A_111 = tpu.memref_slice %arg2[%dma_start3A_109, %dma_start3A_110] : memref<100000x8xf32, #tpu.memory_space<hbm>> -> memref<100000x8xf32, #tpu.memory_space<hbm>>
      tpu.enqueue_indirect_dma source(%dma_start3A_111 : memref<100000x8xf32, #tpu.memory_space<hbm>>) target(%dma_start3A_105 : memref<128x8xf32, #tpu.memory_space<vmem>>) offsets(%dma_start3A_108 : memref<128xi32, #tpu.memory_space<vmem>>) semaphore(%arg12 : memref<!tpu.dma_semaphore, #tpu.memory_space<semaphore_mem>>)
      %dma_start3A_112 = arith.constant 1 : i32
      %dma_start3A_113 = arith.constant 1 : i32
      %dma_start3A_114 = arith.constant 1 : i32
      %dma_start3A_115 = arith.constant 128 : i32
      %dma_start3A_116 = arith.constant 0 : i32
      %dma_start3A_117 = tpu.memref_slice %arg10[%dma_start3A_114, %dma_start3A_115, %dma_start3A_116] : memref<2x512x8xf32, #tpu.memory_space<vmem>> -> memref<1x128x8xf32, #tpu.memory_space<vmem>>
      %dma_start3A_118 = tpu.memref_squeeze %dma_start3A_117 : memref<1x128x8xf32, #tpu.memory_space<vmem>> -> memref<128x8xf32, #tpu.memory_space<vmem>>
      %dma_start3A_119 = arith.constant 0 : i32
      %dma_start3A_120 = tpu.memref_slice %arg8[%dma_start3A_112, %dma_start3A_113, %dma_start3A_119] : memref<2x4x128xi32, #tpu.memory_space<vmem>> -> memref<1x1x128xi32, #tpu.memory_space<vmem>>
      %dma_start3A_121 = tpu.memref_squeeze %dma_start3A_120 : memref<1x1x128xi32, #tpu.memory_space<vmem>> -> memref<128xi32, #tpu.memory_space<vmem>>
      %dma_start3A_122 = arith.constant 0 : i32
      %dma_start3A_123 = arith.constant 0 : i32
      %dma_start3A_124 = tpu.memref_slice %arg2[%dma_start3A_122, %dma_start3A_123] : memref<100000x8xf32, #tpu.memory_space<hbm>> -> memref<100000x8xf32, #tpu.memory_space<hbm>>
      tpu.enqueue_indirect_dma source(%dma_start3A_124 : memref<100000x8xf32, #tpu.memory_space<hbm>>) target(%dma_start3A_118 : memref<128x8xf32, #tpu.memory_space<vmem>>) offsets(%dma_start3A_121 : memref<128xi32, #tpu.memory_space<vmem>>) semaphore(%arg12 : memref<!tpu.dma_semaphore, #tpu.memory_space<semaphore_mem>>)
      %dma_start3A_125 = arith.constant 1 : i32
      %dma_start3A_126 = arith.constant 2 : i32
      %dma_start3A_127 = arith.constant 1 : i32
      %dma_start3A_128 = arith.constant 256 : i32
      %dma_start3A_129 = arith.constant 0 : i32
      %dma_start3A_130 = tpu.memref_slice %arg10[%dma_start3A_127, %dma_start3A_128, %dma_start3A_129] : memref<2x512x8xf32, #tpu.memory_space<vmem>> -> memref<1x128x8xf32, #tpu.memory_space<vmem>>
      %dma_start3A_131 = tpu.memref_squeeze %dma_start3A_130 : memref<1x128x8xf32, #tpu.memory_space<vmem>> -> memref<128x8xf32, #tpu.memory_space<vmem>>
      %dma_start3A_132 = arith.constant 0 : i32
      %dma_start3A_133 = tpu.memref_slice %arg8[%dma_start3A_125, %dma_start3A_126, %dma_start3A_132] : memref<2x4x128xi32, #tpu.memory_space<vmem>> -> memref<1x1x128xi32, #tpu.memory_space<vmem>>
      %dma_start3A_134 = tpu.memref_squeeze %dma_start3A_133 : memref<1x1x128xi32, #tpu.memory_space<vmem>> -> memref<128xi32, #tpu.memory_space<vmem>>
      %dma_start3A_135 = arith.constant 0 : i32
      %dma_start3A_136 = arith.constant 0 : i32
      %dma_start3A_137 = tpu.memref_slice %arg2[%dma_start3A_135, %dma_start3A_136] : memref<100000x8xf32, #tpu.memory_space<hbm>> -> memref<100000x8xf32, #tpu.memory_space<hbm>>
      tpu.enqueue_indirect_dma source(%dma_start3A_137 : memref<100000x8xf32, #tpu.memory_space<hbm>>) target(%dma_start3A_131 : memref<128x8xf32, #tpu.memory_space<vmem>>) offsets(%dma_start3A_134 : memref<128xi32, #tpu.memory_space<vmem>>) semaphore(%arg12 : memref<!tpu.dma_semaphore, #tpu.memory_space<semaphore_mem>>)
      %dma_start3A_138 = arith.constant 1 : i32
      %dma_start3A_139 = arith.constant 3 : i32
      %dma_start3A_140 = arith.constant 1 : i32
      %dma_start3A_141 = arith.constant 384 : i32
      %dma_start3A_142 = arith.constant 0 : i32
      %dma_start3A_143 = tpu.memref_slice %arg10[%dma_start3A_140, %dma_start3A_141, %dma_start3A_142] : memref<2x512x8xf32, #tpu.memory_space<vmem>> -> memref<1x128x8xf32, #tpu.memory_space<vmem>>
      %dma_start3A_144 = tpu.memref_squeeze %dma_start3A_143 : memref<1x128x8xf32, #tpu.memory_space<vmem>> -> memref<128x8xf32, #tpu.memory_space<vmem>>
      %dma_start3A_145 = arith.constant 0 : i32
      %dma_start3A_146 = tpu.memref_slice %arg8[%dma_start3A_138, %dma_start3A_139, %dma_start3A_145] : memref<2x4x128xi32, #tpu.memory_space<vmem>> -> memref<1x1x128xi32, #tpu.memory_space<vmem>>
      %dma_start3A_147 = tpu.memref_squeeze %dma_start3A_146 : memref<1x1x128xi32, #tpu.memory_space<vmem>> -> memref<128xi32, #tpu.memory_space<vmem>>
      %dma_start3A_148 = arith.constant 0 : i32
      %dma_start3A_149 = arith.constant 0 : i32
      %dma_start3A_150 = tpu.memref_slice %arg2[%dma_start3A_148, %dma_start3A_149] : memref<100000x8xf32, #tpu.memory_space<hbm>> -> memref<100000x8xf32, #tpu.memory_space<hbm>>
      tpu.enqueue_indirect_dma source(%dma_start3A_150 : memref<100000x8xf32, #tpu.memory_space<hbm>>) target(%dma_start3A_144 : memref<128x8xf32, #tpu.memory_space<vmem>>) offsets(%dma_start3A_147 : memref<128xi32, #tpu.memory_space<vmem>>) semaphore(%arg12 : memref<!tpu.dma_semaphore, #tpu.memory_space<semaphore_mem>>)
      %dma_wait3A = arith.constant 0 : i32
      %dma_wait3A_151 = arith.constant 0 : i32
      %dma_wait3A_152 = arith.constant 0 : i32
      %dma_wait3A_153 = arith.constant 0 : i32
      %dma_wait3A_154 = arith.constant 0 : i32
      %dma_wait3A_155 = tpu.memref_slice %arg10[%dma_wait3A_152, %dma_wait3A_153, %dma_wait3A_154] : memref<2x512x8xf32, #tpu.memory_space<vmem>> -> memref<1x128x8xf32, #tpu.memory_space<vmem>>
      %dma_wait3A_156 = tpu.memref_squeeze %dma_wait3A_155 : memref<1x128x8xf32, #tpu.memory_space<vmem>> -> memref<128x8xf32, #tpu.memory_space<vmem>>
      %dma_wait3A_157 = arith.constant 0 : i32
      %dma_wait3A_158 = tpu.memref_slice %arg8[%dma_wait3A, %dma_wait3A_151, %dma_wait3A_157] : memref<2x4x128xi32, #tpu.memory_space<vmem>> -> memref<1x1x128xi32, #tpu.memory_space<vmem>>
      %dma_wait3A_159 = tpu.memref_squeeze %dma_wait3A_158 : memref<1x1x128xi32, #tpu.memory_space<vmem>> -> memref<128xi32, #tpu.memory_space<vmem>>
      %dma_wait3A_160 = arith.constant 0 : i32
      %dma_wait3A_161 = arith.constant 0 : i32
      %dma_wait3A_162 = tpu.memref_slice %arg2[%dma_wait3A_160, %dma_wait3A_161] : memref<100000x8xf32, #tpu.memory_space<hbm>> -> memref<100000x8xf32, #tpu.memory_space<hbm>>
      tpu.wait_indirect_dma semaphore(%arg11 : memref<!tpu.dma_semaphore, #tpu.memory_space<semaphore_mem>>) src(%dma_wait3A_162 : memref<100000x8xf32, #tpu.memory_space<hbm>>) dst(%dma_wait3A_156 : memref<128x8xf32, #tpu.memory_space<vmem>>)
      %dma_wait3A_163 = arith.constant 0 : i32
      %dma_wait3A_164 = arith.constant 1 : i32
      %dma_wait3A_165 = arith.constant 0 : i32
      %dma_wait3A_166 = arith.constant 128 : i32
      %dma_wait3A_167 = arith.constant 0 : i32
      %dma_wait3A_168 = tpu.memref_slice %arg10[%dma_wait3A_165, %dma_wait3A_166, %dma_wait3A_167] : memref<2x512x8xf32, #tpu.memory_space<vmem>> -> memref<1x128x8xf32, #tpu.memory_space<vmem>>
      %dma_wait3A_169 = tpu.memref_squeeze %dma_wait3A_168 : memref<1x128x8xf32, #tpu.memory_space<vmem>> -> memref<128x8xf32, #tpu.memory_space<vmem>>
      %dma_wait3A_170 = arith.constant 0 : i32
      %dma_wait3A_171 = tpu.memref_slice %arg8[%dma_wait3A_163, %dma_wait3A_164, %dma_wait3A_170] : memref<2x4x128xi32, #tpu.memory_space<vmem>> -> memref<1x1x128xi32, #tpu.memory_space<vmem>>
      %dma_wait3A_172 = tpu.memref_squeeze %dma_wait3A_171 : memref<1x1x128xi32, #tpu.memory_space<vmem>> -> memref<128xi32, #tpu.memory_space<vmem>>
      %dma_wait3A_173 = arith.constant 0 : i32
      %dma_wait3A_174 = arith.constant 0 : i32
      %dma_wait3A_175 = tpu.memref_slice %arg2[%dma_wait3A_173, %dma_wait3A_174] : memref<100000x8xf32, #tpu.memory_space<hbm>> -> memref<100000x8xf32, #tpu.memory_space<hbm>>
      tpu.wait_indirect_dma semaphore(%arg11 : memref<!tpu.dma_semaphore, #tpu.memory_space<semaphore_mem>>) src(%dma_wait3A_175 : memref<100000x8xf32, #tpu.memory_space<hbm>>) dst(%dma_wait3A_169 : memref<128x8xf32, #tpu.memory_space<vmem>>)
      %dma_wait3A_176 = arith.constant 0 : i32
      %dma_wait3A_177 = arith.constant 2 : i32
      %dma_wait3A_178 = arith.constant 0 : i32
      %dma_wait3A_179 = arith.constant 256 : i32
      %dma_wait3A_180 = arith.constant 0 : i32
      %dma_wait3A_181 = tpu.memref_slice %arg10[%dma_wait3A_178, %dma_wait3A_179, %dma_wait3A_180] : memref<2x512x8xf32, #tpu.memory_space<vmem>> -> memref<1x128x8xf32, #tpu.memory_space<vmem>>
      %dma_wait3A_182 = tpu.memref_squeeze %dma_wait3A_181 : memref<1x128x8xf32, #tpu.memory_space<vmem>> -> memref<128x8xf32, #tpu.memory_space<vmem>>
      %dma_wait3A_183 = arith.constant 0 : i32
      %dma_wait3A_184 = tpu.memref_slice %arg8[%dma_wait3A_176, %dma_wait3A_177, %dma_wait3A_183] : memref<2x4x128xi32, #tpu.memory_space<vmem>> -> memref<1x1x128xi32, #tpu.memory_space<vmem>>
      %dma_wait3A_185 = tpu.memref_squeeze %dma_wait3A_184 : memref<1x1x128xi32, #tpu.memory_space<vmem>> -> memref<128xi32, #tpu.memory_space<vmem>>
      %dma_wait3A_186 = arith.constant 0 : i32
      %dma_wait3A_187 = arith.constant 0 : i32
      %dma_wait3A_188 = tpu.memref_slice %arg2[%dma_wait3A_186, %dma_wait3A_187] : memref<100000x8xf32, #tpu.memory_space<hbm>> -> memref<100000x8xf32, #tpu.memory_space<hbm>>
      tpu.wait_indirect_dma semaphore(%arg11 : memref<!tpu.dma_semaphore, #tpu.memory_space<semaphore_mem>>) src(%dma_wait3A_188 : memref<100000x8xf32, #tpu.memory_space<hbm>>) dst(%dma_wait3A_182 : memref<128x8xf32, #tpu.memory_space<vmem>>)
      %dma_wait3A_189 = arith.constant 0 : i32
      %dma_wait3A_190 = arith.constant 3 : i32
      %dma_wait3A_191 = arith.constant 0 : i32
      %dma_wait3A_192 = arith.constant 384 : i32
      %dma_wait3A_193 = arith.constant 0 : i32
      %dma_wait3A_194 = tpu.memref_slice %arg10[%dma_wait3A_191, %dma_wait3A_192, %dma_wait3A_193] : memref<2x512x8xf32, #tpu.memory_space<vmem>> -> memref<1x128x8xf32, #tpu.memory_space<vmem>>
      %dma_wait3A_195 = tpu.memref_squeeze %dma_wait3A_194 : memref<1x128x8xf32, #tpu.memory_space<vmem>> -> memref<128x8xf32, #tpu.memory_space<vmem>>
      %dma_wait3A_196 = arith.constant 0 : i32
      %dma_wait3A_197 = tpu.memref_slice %arg8[%dma_wait3A_189, %dma_wait3A_190, %dma_wait3A_196] : memref<2x4x128xi32, #tpu.memory_space<vmem>> -> memref<1x1x128xi32, #tpu.memory_space<vmem>>
      %dma_wait3A_198 = tpu.memref_squeeze %dma_wait3A_197 : memref<1x1x128xi32, #tpu.memory_space<vmem>> -> memref<128xi32, #tpu.memory_space<vmem>>
      %dma_wait3A_199 = arith.constant 0 : i32
      %dma_wait3A_200 = arith.constant 0 : i32
      %dma_wait3A_201 = tpu.memref_slice %arg2[%dma_wait3A_199, %dma_wait3A_200] : memref<100000x8xf32, #tpu.memory_space<hbm>> -> memref<100000x8xf32, #tpu.memory_space<hbm>>
      tpu.wait_indirect_dma semaphore(%arg11 : memref<!tpu.dma_semaphore, #tpu.memory_space<semaphore_mem>>) src(%dma_wait3A_201 : memref<100000x8xf32, #tpu.memory_space<hbm>>) dst(%dma_wait3A_195 : memref<128x8xf32, #tpu.memory_space<vmem>>)
      %run_scoped3A_202 = arith.constant 0 : i32
      %run_scoped3A_203 = arith.constant 0 : i32
      %run_scoped3A_204 = arith.constant 0 : i32
      "tpu.region"() ({
        %run_scoped3A_278 = tpu.sem_alloc : memref<!tpu.dma_semaphore, #tpu.memory_space<semaphore_mem>>
        %dma_start3A_279 = arith.constant 0 : i32
        %dma_start3A_280 = arith.constant 0 : i32
        %dma_start3A_281 = tpu.memref_slice %arg10[%run_scoped3A_202, %dma_start3A_279, %dma_start3A_280] : memref<2x512x8xf32, #tpu.memory_space<vmem>> -> memref<1x128x8xf32, #tpu.memory_space<vmem>>
        %dma_start3A_282 = tpu.memref_squeeze %dma_start3A_281 : memref<1x128x8xf32, #tpu.memory_space<vmem>> -> memref<128x8xf32, #tpu.memory_space<vmem>>
        %dma_start3A_283 = arith.constant 0 : i32
        %dma_start3A_284 = tpu.memref_slice %arg9[%run_scoped3A_203, %run_scoped3A_204, %dma_start3A_283] : memref<2x4x128xi32, #tpu.memory_space<vmem>> -> memref<1x1x128xi32, #tpu.memory_space<vmem>>
        %dma_start3A_285 = tpu.memref_squeeze %dma_start3A_284 : memref<1x1x128xi32, #tpu.memory_space<vmem>> -> memref<128xi32, #tpu.memory_space<vmem>>
        %dma_start3A_286 = arith.constant 0 : i32
        %dma_start3A_287 = arith.constant 0 : i32
        %dma_start3A_288 = tpu.memref_slice %arg7[%dma_start3A_286, %dma_start3A_287] : memref<100352x8xf32, #tpu.memory_space<vmem_shared>> -> memref<100352x8xf32, #tpu.memory_space<vmem_shared>>
        tpu.enqueue_indirect_dma source(%dma_start3A_282 : memref<128x8xf32, #tpu.memory_space<vmem>>) target(%dma_start3A_288 : memref<100352x8xf32, #tpu.memory_space<vmem_shared>>) offsets(%dma_start3A_285 : memref<128xi32, #tpu.memory_space<vmem>>) semaphore(%run_scoped3A_278 : memref<!tpu.dma_semaphore, #tpu.memory_space<semaphore_mem>>) {add = true}
        %dma_wait3A_289 = arith.constant 0 : i32
        %dma_wait3A_290 = arith.constant 0 : i32
        %dma_wait3A_291 = tpu.memref_slice %arg10[%run_scoped3A_202, %dma_wait3A_289, %dma_wait3A_290] : memref<2x512x8xf32, #tpu.memory_space<vmem>> -> memref<1x128x8xf32, #tpu.memory_space<vmem>>
        %dma_wait3A_292 = tpu.memref_squeeze %dma_wait3A_291 : memref<1x128x8xf32, #tpu.memory_space<vmem>> -> memref<128x8xf32, #tpu.memory_space<vmem>>
        %dma_wait3A_293 = arith.constant 0 : i32
        %dma_wait3A_294 = tpu.memref_slice %arg9[%run_scoped3A_203, %run_scoped3A_204, %dma_wait3A_293] : memref<2x4x128xi32, #tpu.memory_space<vmem>> -> memref<1x1x128xi32, #tpu.memory_space<vmem>>
        %dma_wait3A_295 = tpu.memref_squeeze %dma_wait3A_294 : memref<1x1x128xi32, #tpu.memory_space<vmem>> -> memref<128xi32, #tpu.memory_space<vmem>>
        %dma_wait3A_296 = arith.constant 0 : i32
        %dma_wait3A_297 = arith.constant 0 : i32
        %dma_wait3A_298 = tpu.memref_slice %arg7[%dma_wait3A_296, %dma_wait3A_297] : memref<100352x8xf32, #tpu.memory_space<vmem_shared>> -> memref<100352x8xf32, #tpu.memory_space<vmem_shared>>
        tpu.wait_indirect_dma semaphore(%run_scoped3A_278 : memref<!tpu.dma_semaphore, #tpu.memory_space<semaphore_mem>>) src(%dma_wait3A_292 : memref<128x8xf32, #tpu.memory_space<vmem>>) dst(%dma_wait3A_298 : memref<100352x8xf32, #tpu.memory_space<vmem_shared>>)
        tpu.yield
      }) : () -> ()
      %run_scoped3A_205 = arith.constant 0 : i32
      %run_scoped3A_206 = arith.constant 0 : i32
      %run_scoped3A_207 = arith.constant 1 : i32
      "tpu.region"() ({
        %run_scoped3A_278 = tpu.sem_alloc : memref<!tpu.dma_semaphore, #tpu.memory_space<semaphore_mem>>
        %dma_start3A_279 = arith.constant 128 : i32
        %dma_start3A_280 = arith.constant 0 : i32
        %dma_start3A_281 = tpu.memref_slice %arg10[%run_scoped3A_205, %dma_start3A_279, %dma_start3A_280] : memref<2x512x8xf32, #tpu.memory_space<vmem>> -> memref<1x128x8xf32, #tpu.memory_space<vmem>>
        %dma_start3A_282 = tpu.memref_squeeze %dma_start3A_281 : memref<1x128x8xf32, #tpu.memory_space<vmem>> -> memref<128x8xf32, #tpu.memory_space<vmem>>
        %dma_start3A_283 = arith.constant 0 : i32
        %dma_start3A_284 = tpu.memref_slice %arg9[%run_scoped3A_206, %run_scoped3A_207, %dma_start3A_283] : memref<2x4x128xi32, #tpu.memory_space<vmem>> -> memref<1x1x128xi32, #tpu.memory_space<vmem>>
        %dma_start3A_285 = tpu.memref_squeeze %dma_start3A_284 : memref<1x1x128xi32, #tpu.memory_space<vmem>> -> memref<128xi32, #tpu.memory_space<vmem>>
        %dma_start3A_286 = arith.constant 0 : i32
        %dma_start3A_287 = arith.constant 0 : i32
        %dma_start3A_288 = tpu.memref_slice %arg7[%dma_start3A_286, %dma_start3A_287] : memref<100352x8xf32, #tpu.memory_space<vmem_shared>> -> memref<100352x8xf32, #tpu.memory_space<vmem_shared>>
        tpu.enqueue_indirect_dma source(%dma_start3A_282 : memref<128x8xf32, #tpu.memory_space<vmem>>) target(%dma_start3A_288 : memref<100352x8xf32, #tpu.memory_space<vmem_shared>>) offsets(%dma_start3A_285 : memref<128xi32, #tpu.memory_space<vmem>>) semaphore(%run_scoped3A_278 : memref<!tpu.dma_semaphore, #tpu.memory_space<semaphore_mem>>) {add = true}
        %dma_wait3A_289 = arith.constant 128 : i32
        %dma_wait3A_290 = arith.constant 0 : i32
        %dma_wait3A_291 = tpu.memref_slice %arg10[%run_scoped3A_205, %dma_wait3A_289, %dma_wait3A_290] : memref<2x512x8xf32, #tpu.memory_space<vmem>> -> memref<1x128x8xf32, #tpu.memory_space<vmem>>
        %dma_wait3A_292 = tpu.memref_squeeze %dma_wait3A_291 : memref<1x128x8xf32, #tpu.memory_space<vmem>> -> memref<128x8xf32, #tpu.memory_space<vmem>>
        %dma_wait3A_293 = arith.constant 0 : i32
        %dma_wait3A_294 = tpu.memref_slice %arg9[%run_scoped3A_206, %run_scoped3A_207, %dma_wait3A_293] : memref<2x4x128xi32, #tpu.memory_space<vmem>> -> memref<1x1x128xi32, #tpu.memory_space<vmem>>
        %dma_wait3A_295 = tpu.memref_squeeze %dma_wait3A_294 : memref<1x1x128xi32, #tpu.memory_space<vmem>> -> memref<128xi32, #tpu.memory_space<vmem>>
        %dma_wait3A_296 = arith.constant 0 : i32
        %dma_wait3A_297 = arith.constant 0 : i32
        %dma_wait3A_298 = tpu.memref_slice %arg7[%dma_wait3A_296, %dma_wait3A_297] : memref<100352x8xf32, #tpu.memory_space<vmem_shared>> -> memref<100352x8xf32, #tpu.memory_space<vmem_shared>>
        tpu.wait_indirect_dma semaphore(%run_scoped3A_278 : memref<!tpu.dma_semaphore, #tpu.memory_space<semaphore_mem>>) src(%dma_wait3A_292 : memref<128x8xf32, #tpu.memory_space<vmem>>) dst(%dma_wait3A_298 : memref<100352x8xf32, #tpu.memory_space<vmem_shared>>)
        tpu.yield
      }) : () -> ()
      %run_scoped3A_208 = arith.constant 0 : i32
      %run_scoped3A_209 = arith.constant 0 : i32
      %run_scoped3A_210 = arith.constant 2 : i32
      "tpu.region"() ({
        %run_scoped3A_278 = tpu.sem_alloc : memref<!tpu.dma_semaphore, #tpu.memory_space<semaphore_mem>>
        %dma_start3A_279 = arith.constant 256 : i32
        %dma_start3A_280 = arith.constant 0 : i32
        %dma_start3A_281 = tpu.memref_slice %arg10[%run_scoped3A_208, %dma_start3A_279, %dma_start3A_280] : memref<2x512x8xf32, #tpu.memory_space<vmem>> -> memref<1x128x8xf32, #tpu.memory_space<vmem>>
        %dma_start3A_282 = tpu.memref_squeeze %dma_start3A_281 : memref<1x128x8xf32, #tpu.memory_space<vmem>> -> memref<128x8xf32, #tpu.memory_space<vmem>>
        %dma_start3A_283 = arith.constant 0 : i32
        %dma_start3A_284 = tpu.memref_slice %arg9[%run_scoped3A_209, %run_scoped3A_210, %dma_start3A_283] : memref<2x4x128xi32, #tpu.memory_space<vmem>> -> memref<1x1x128xi32, #tpu.memory_space<vmem>>
        %dma_start3A_285 = tpu.memref_squeeze %dma_start3A_284 : memref<1x1x128xi32, #tpu.memory_space<vmem>> -> memref<128xi32, #tpu.memory_space<vmem>>
        %dma_start3A_286 = arith.constant 0 : i32
        %dma_start3A_287 = arith.constant 0 : i32
        %dma_start3A_288 = tpu.memref_slice %arg7[%dma_start3A_286, %dma_start3A_287] : memref<100352x8xf32, #tpu.memory_space<vmem_shared>> -> memref<100352x8xf32, #tpu.memory_space<vmem_shared>>
        tpu.enqueue_indirect_dma source(%dma_start3A_282 : memref<128x8xf32, #tpu.memory_space<vmem>>) target(%dma_start3A_288 : memref<100352x8xf32, #tpu.memory_space<vmem_shared>>) offsets(%dma_start3A_285 : memref<128xi32, #tpu.memory_space<vmem>>) semaphore(%run_scoped3A_278 : memref<!tpu.dma_semaphore, #tpu.memory_space<semaphore_mem>>) {add = true}
        %dma_wait3A_289 = arith.constant 256 : i32
        %dma_wait3A_290 = arith.constant 0 : i32
        %dma_wait3A_291 = tpu.memref_slice %arg10[%run_scoped3A_208, %dma_wait3A_289, %dma_wait3A_290] : memref<2x512x8xf32, #tpu.memory_space<vmem>> -> memref<1x128x8xf32, #tpu.memory_space<vmem>>
        %dma_wait3A_292 = tpu.memref_squeeze %dma_wait3A_291 : memref<1x128x8xf32, #tpu.memory_space<vmem>> -> memref<128x8xf32, #tpu.memory_space<vmem>>
        %dma_wait3A_293 = arith.constant 0 : i32
        %dma_wait3A_294 = tpu.memref_slice %arg9[%run_scoped3A_209, %run_scoped3A_210, %dma_wait3A_293] : memref<2x4x128xi32, #tpu.memory_space<vmem>> -> memref<1x1x128xi32, #tpu.memory_space<vmem>>
        %dma_wait3A_295 = tpu.memref_squeeze %dma_wait3A_294 : memref<1x1x128xi32, #tpu.memory_space<vmem>> -> memref<128xi32, #tpu.memory_space<vmem>>
        %dma_wait3A_296 = arith.constant 0 : i32
        %dma_wait3A_297 = arith.constant 0 : i32
        %dma_wait3A_298 = tpu.memref_slice %arg7[%dma_wait3A_296, %dma_wait3A_297] : memref<100352x8xf32, #tpu.memory_space<vmem_shared>> -> memref<100352x8xf32, #tpu.memory_space<vmem_shared>>
        tpu.wait_indirect_dma semaphore(%run_scoped3A_278 : memref<!tpu.dma_semaphore, #tpu.memory_space<semaphore_mem>>) src(%dma_wait3A_292 : memref<128x8xf32, #tpu.memory_space<vmem>>) dst(%dma_wait3A_298 : memref<100352x8xf32, #tpu.memory_space<vmem_shared>>)
        tpu.yield
      }) : () -> ()
      %run_scoped3A_211 = arith.constant 0 : i32
      %run_scoped3A_212 = arith.constant 0 : i32
      %run_scoped3A_213 = arith.constant 3 : i32
      "tpu.region"() ({
        %run_scoped3A_278 = tpu.sem_alloc : memref<!tpu.dma_semaphore, #tpu.memory_space<semaphore_mem>>
        %dma_start3A_279 = arith.constant 384 : i32
        %dma_start3A_280 = arith.constant 0 : i32
        %dma_start3A_281 = tpu.memref_slice %arg10[%run_scoped3A_211, %dma_start3A_279, %dma_start3A_280] : memref<2x512x8xf32, #tpu.memory_space<vmem>> -> memref<1x128x8xf32, #tpu.memory_space<vmem>>
        %dma_start3A_282 = tpu.memref_squeeze %dma_start3A_281 : memref<1x128x8xf32, #tpu.memory_space<vmem>> -> memref<128x8xf32, #tpu.memory_space<vmem>>
        %dma_start3A_283 = arith.constant 0 : i32
        %dma_start3A_284 = tpu.memref_slice %arg9[%run_scoped3A_212, %run_scoped3A_213, %dma_start3A_283] : memref<2x4x128xi32, #tpu.memory_space<vmem>> -> memref<1x1x128xi32, #tpu.memory_space<vmem>>
        %dma_start3A_285 = tpu.memref_squeeze %dma_start3A_284 : memref<1x1x128xi32, #tpu.memory_space<vmem>> -> memref<128xi32, #tpu.memory_space<vmem>>
        %dma_start3A_286 = arith.constant 0 : i32
        %dma_start3A_287 = arith.constant 0 : i32
        %dma_start3A_288 = tpu.memref_slice %arg7[%dma_start3A_286, %dma_start3A_287] : memref<100352x8xf32, #tpu.memory_space<vmem_shared>> -> memref<100352x8xf32, #tpu.memory_space<vmem_shared>>
        tpu.enqueue_indirect_dma source(%dma_start3A_282 : memref<128x8xf32, #tpu.memory_space<vmem>>) target(%dma_start3A_288 : memref<100352x8xf32, #tpu.memory_space<vmem_shared>>) offsets(%dma_start3A_285 : memref<128xi32, #tpu.memory_space<vmem>>) semaphore(%run_scoped3A_278 : memref<!tpu.dma_semaphore, #tpu.memory_space<semaphore_mem>>) {add = true}
        %dma_wait3A_289 = arith.constant 384 : i32
        %dma_wait3A_290 = arith.constant 0 : i32
        %dma_wait3A_291 = tpu.memref_slice %arg10[%run_scoped3A_211, %dma_wait3A_289, %dma_wait3A_290] : memref<2x512x8xf32, #tpu.memory_space<vmem>> -> memref<1x128x8xf32, #tpu.memory_space<vmem>>
        %dma_wait3A_292 = tpu.memref_squeeze %dma_wait3A_291 : memref<1x128x8xf32, #tpu.memory_space<vmem>> -> memref<128x8xf32, #tpu.memory_space<vmem>>
        %dma_wait3A_293 = arith.constant 0 : i32
        %dma_wait3A_294 = tpu.memref_slice %arg9[%run_scoped3A_212, %run_scoped3A_213, %dma_wait3A_293] : memref<2x4x128xi32, #tpu.memory_space<vmem>> -> memref<1x1x128xi32, #tpu.memory_space<vmem>>
        %dma_wait3A_295 = tpu.memref_squeeze %dma_wait3A_294 : memref<1x1x128xi32, #tpu.memory_space<vmem>> -> memref<128xi32, #tpu.memory_space<vmem>>
        %dma_wait3A_296 = arith.constant 0 : i32
        %dma_wait3A_297 = arith.constant 0 : i32
        %dma_wait3A_298 = tpu.memref_slice %arg7[%dma_wait3A_296, %dma_wait3A_297] : memref<100352x8xf32, #tpu.memory_space<vmem_shared>> -> memref<100352x8xf32, #tpu.memory_space<vmem_shared>>
        tpu.wait_indirect_dma semaphore(%run_scoped3A_278 : memref<!tpu.dma_semaphore, #tpu.memory_space<semaphore_mem>>) src(%dma_wait3A_292 : memref<128x8xf32, #tpu.memory_space<vmem>>) dst(%dma_wait3A_298 : memref<100352x8xf32, #tpu.memory_space<vmem_shared>>)
        tpu.yield
      }) : () -> ()
      %dma_wait3A_214 = arith.constant 1 : i32
      %dma_wait3A_215 = arith.constant 0 : i32
      %dma_wait3A_216 = arith.constant 1 : i32
      %dma_wait3A_217 = arith.constant 0 : i32
      %dma_wait3A_218 = arith.constant 0 : i32
      %dma_wait3A_219 = tpu.memref_slice %arg10[%dma_wait3A_216, %dma_wait3A_217, %dma_wait3A_218] : memref<2x512x8xf32, #tpu.memory_space<vmem>> -> memref<1x128x8xf32, #tpu.memory_space<vmem>>
      %dma_wait3A_220 = tpu.memref_squeeze %dma_wait3A_219 : memref<1x128x8xf32, #tpu.memory_space<vmem>> -> memref<128x8xf32, #tpu.memory_space<vmem>>
      %dma_wait3A_221 = arith.constant 0 : i32
      %dma_wait3A_222 = tpu.memref_slice %arg8[%dma_wait3A_214, %dma_wait3A_215, %dma_wait3A_221] : memref<2x4x128xi32, #tpu.memory_space<vmem>> -> memref<1x1x128xi32, #tpu.memory_space<vmem>>
      %dma_wait3A_223 = tpu.memref_squeeze %dma_wait3A_222 : memref<1x1x128xi32, #tpu.memory_space<vmem>> -> memref<128xi32, #tpu.memory_space<vmem>>
      %dma_wait3A_224 = arith.constant 0 : i32
      %dma_wait3A_225 = arith.constant 0 : i32
      %dma_wait3A_226 = tpu.memref_slice %arg2[%dma_wait3A_224, %dma_wait3A_225] : memref<100000x8xf32, #tpu.memory_space<hbm>> -> memref<100000x8xf32, #tpu.memory_space<hbm>>
      tpu.wait_indirect_dma semaphore(%arg12 : memref<!tpu.dma_semaphore, #tpu.memory_space<semaphore_mem>>) src(%dma_wait3A_226 : memref<100000x8xf32, #tpu.memory_space<hbm>>) dst(%dma_wait3A_220 : memref<128x8xf32, #tpu.memory_space<vmem>>)
      %dma_wait3A_227 = arith.constant 1 : i32
      %dma_wait3A_228 = arith.constant 1 : i32
      %dma_wait3A_229 = arith.constant 1 : i32
      %dma_wait3A_230 = arith.constant 128 : i32
      %dma_wait3A_231 = arith.constant 0 : i32
      %dma_wait3A_232 = tpu.memref_slice %arg10[%dma_wait3A_229, %dma_wait3A_230, %dma_wait3A_231] : memref<2x512x8xf32, #tpu.memory_space<vmem>> -> memref<1x128x8xf32, #tpu.memory_space<vmem>>
      %dma_wait3A_233 = tpu.memref_squeeze %dma_wait3A_232 : memref<1x128x8xf32, #tpu.memory_space<vmem>> -> memref<128x8xf32, #tpu.memory_space<vmem>>
      %dma_wait3A_234 = arith.constant 0 : i32
      %dma_wait3A_235 = tpu.memref_slice %arg8[%dma_wait3A_227, %dma_wait3A_228, %dma_wait3A_234] : memref<2x4x128xi32, #tpu.memory_space<vmem>> -> memref<1x1x128xi32, #tpu.memory_space<vmem>>
      %dma_wait3A_236 = tpu.memref_squeeze %dma_wait3A_235 : memref<1x1x128xi32, #tpu.memory_space<vmem>> -> memref<128xi32, #tpu.memory_space<vmem>>
      %dma_wait3A_237 = arith.constant 0 : i32
      %dma_wait3A_238 = arith.constant 0 : i32
      %dma_wait3A_239 = tpu.memref_slice %arg2[%dma_wait3A_237, %dma_wait3A_238] : memref<100000x8xf32, #tpu.memory_space<hbm>> -> memref<100000x8xf32, #tpu.memory_space<hbm>>
      tpu.wait_indirect_dma semaphore(%arg12 : memref<!tpu.dma_semaphore, #tpu.memory_space<semaphore_mem>>) src(%dma_wait3A_239 : memref<100000x8xf32, #tpu.memory_space<hbm>>) dst(%dma_wait3A_233 : memref<128x8xf32, #tpu.memory_space<vmem>>)
      %dma_wait3A_240 = arith.constant 1 : i32
      %dma_wait3A_241 = arith.constant 2 : i32
      %dma_wait3A_242 = arith.constant 1 : i32
      %dma_wait3A_243 = arith.constant 256 : i32
      %dma_wait3A_244 = arith.constant 0 : i32
      %dma_wait3A_245 = tpu.memref_slice %arg10[%dma_wait3A_242, %dma_wait3A_243, %dma_wait3A_244] : memref<2x512x8xf32, #tpu.memory_space<vmem>> -> memref<1x128x8xf32, #tpu.memory_space<vmem>>
      %dma_wait3A_246 = tpu.memref_squeeze %dma_wait3A_245 : memref<1x128x8xf32, #tpu.memory_space<vmem>> -> memref<128x8xf32, #tpu.memory_space<vmem>>
      %dma_wait3A_247 = arith.constant 0 : i32
      %dma_wait3A_248 = tpu.memref_slice %arg8[%dma_wait3A_240, %dma_wait3A_241, %dma_wait3A_247] : memref<2x4x128xi32, #tpu.memory_space<vmem>> -> memref<1x1x128xi32, #tpu.memory_space<vmem>>
      %dma_wait3A_249 = tpu.memref_squeeze %dma_wait3A_248 : memref<1x1x128xi32, #tpu.memory_space<vmem>> -> memref<128xi32, #tpu.memory_space<vmem>>
      %dma_wait3A_250 = arith.constant 0 : i32
      %dma_wait3A_251 = arith.constant 0 : i32
      %dma_wait3A_252 = tpu.memref_slice %arg2[%dma_wait3A_250, %dma_wait3A_251] : memref<100000x8xf32, #tpu.memory_space<hbm>> -> memref<100000x8xf32, #tpu.memory_space<hbm>>
      tpu.wait_indirect_dma semaphore(%arg12 : memref<!tpu.dma_semaphore, #tpu.memory_space<semaphore_mem>>) src(%dma_wait3A_252 : memref<100000x8xf32, #tpu.memory_space<hbm>>) dst(%dma_wait3A_246 : memref<128x8xf32, #tpu.memory_space<vmem>>)
      %dma_wait3A_253 = arith.constant 1 : i32
      %dma_wait3A_254 = arith.constant 3 : i32
      %dma_wait3A_255 = arith.constant 1 : i32
      %dma_wait3A_256 = arith.constant 384 : i32
      %dma_wait3A_257 = arith.constant 0 : i32
      %dma_wait3A_258 = tpu.memref_slice %arg10[%dma_wait3A_255, %dma_wait3A_256, %dma_wait3A_257] : memref<2x512x8xf32, #tpu.memory_space<vmem>> -> memref<1x128x8xf32, #tpu.memory_space<vmem>>
      %dma_wait3A_259 = tpu.memref_squeeze %dma_wait3A_258 : memref<1x128x8xf32, #tpu.memory_space<vmem>> -> memref<128x8xf32, #tpu.memory_space<vmem>>
      %dma_wait3A_260 = arith.constant 0 : i32
      %dma_wait3A_261 = tpu.memref_slice %arg8[%dma_wait3A_253, %dma_wait3A_254, %dma_wait3A_260] : memref<2x4x128xi32, #tpu.memory_space<vmem>> -> memref<1x1x128xi32, #tpu.memory_space<vmem>>
      %dma_wait3A_262 = tpu.memref_squeeze %dma_wait3A_261 : memref<1x1x128xi32, #tpu.memory_space<vmem>> -> memref<128xi32, #tpu.memory_space<vmem>>
      %dma_wait3A_263 = arith.constant 0 : i32
      %dma_wait3A_264 = arith.constant 0 : i32
      %dma_wait3A_265 = tpu.memref_slice %arg2[%dma_wait3A_263, %dma_wait3A_264] : memref<100000x8xf32, #tpu.memory_space<hbm>> -> memref<100000x8xf32, #tpu.memory_space<hbm>>
      tpu.wait_indirect_dma semaphore(%arg12 : memref<!tpu.dma_semaphore, #tpu.memory_space<semaphore_mem>>) src(%dma_wait3A_265 : memref<100000x8xf32, #tpu.memory_space<hbm>>) dst(%dma_wait3A_259 : memref<128x8xf32, #tpu.memory_space<vmem>>)
      %run_scoped3A_266 = arith.constant 1 : i32
      %run_scoped3A_267 = arith.constant 1 : i32
      %run_scoped3A_268 = arith.constant 0 : i32
      "tpu.region"() ({
        %run_scoped3A_278 = tpu.sem_alloc : memref<!tpu.dma_semaphore, #tpu.memory_space<semaphore_mem>>
        %dma_start3A_279 = arith.constant 0 : i32
        %dma_start3A_280 = arith.constant 0 : i32
        %dma_start3A_281 = tpu.memref_slice %arg10[%run_scoped3A_266, %dma_start3A_279, %dma_start3A_280] : memref<2x512x8xf32, #tpu.memory_space<vmem>> -> memref<1x128x8xf32, #tpu.memory_space<vmem>>
        %dma_start3A_282 = tpu.memref_squeeze %dma_start3A_281 : memref<1x128x8xf32, #tpu.memory_space<vmem>> -> memref<128x8xf32, #tpu.memory_space<vmem>>
        %dma_start3A_283 = arith.constant 0 : i32
        %dma_start3A_284 = tpu.memref_slice %arg9[%run_scoped3A_267, %run_scoped3A_268, %dma_start3A_283] : memref<2x4x128xi32, #tpu.memory_space<vmem>> -> memref<1x1x128xi32, #tpu.memory_space<vmem>>
        %dma_start3A_285 = tpu.memref_squeeze %dma_start3A_284 : memref<1x1x128xi32, #tpu.memory_space<vmem>> -> memref<128xi32, #tpu.memory_space<vmem>>
        %dma_start3A_286 = arith.constant 0 : i32
        %dma_start3A_287 = arith.constant 0 : i32
        %dma_start3A_288 = tpu.memref_slice %arg7[%dma_start3A_286, %dma_start3A_287] : memref<100352x8xf32, #tpu.memory_space<vmem_shared>> -> memref<100352x8xf32, #tpu.memory_space<vmem_shared>>
        tpu.enqueue_indirect_dma source(%dma_start3A_282 : memref<128x8xf32, #tpu.memory_space<vmem>>) target(%dma_start3A_288 : memref<100352x8xf32, #tpu.memory_space<vmem_shared>>) offsets(%dma_start3A_285 : memref<128xi32, #tpu.memory_space<vmem>>) semaphore(%run_scoped3A_278 : memref<!tpu.dma_semaphore, #tpu.memory_space<semaphore_mem>>) {add = true}
        %dma_wait3A_289 = arith.constant 0 : i32
        %dma_wait3A_290 = arith.constant 0 : i32
        %dma_wait3A_291 = tpu.memref_slice %arg10[%run_scoped3A_266, %dma_wait3A_289, %dma_wait3A_290] : memref<2x512x8xf32, #tpu.memory_space<vmem>> -> memref<1x128x8xf32, #tpu.memory_space<vmem>>
        %dma_wait3A_292 = tpu.memref_squeeze %dma_wait3A_291 : memref<1x128x8xf32, #tpu.memory_space<vmem>> -> memref<128x8xf32, #tpu.memory_space<vmem>>
        %dma_wait3A_293 = arith.constant 0 : i32
        %dma_wait3A_294 = tpu.memref_slice %arg9[%run_scoped3A_267, %run_scoped3A_268, %dma_wait3A_293] : memref<2x4x128xi32, #tpu.memory_space<vmem>> -> memref<1x1x128xi32, #tpu.memory_space<vmem>>
        %dma_wait3A_295 = tpu.memref_squeeze %dma_wait3A_294 : memref<1x1x128xi32, #tpu.memory_space<vmem>> -> memref<128xi32, #tpu.memory_space<vmem>>
        %dma_wait3A_296 = arith.constant 0 : i32
        %dma_wait3A_297 = arith.constant 0 : i32
        %dma_wait3A_298 = tpu.memref_slice %arg7[%dma_wait3A_296, %dma_wait3A_297] : memref<100352x8xf32, #tpu.memory_space<vmem_shared>> -> memref<100352x8xf32, #tpu.memory_space<vmem_shared>>
        tpu.wait_indirect_dma semaphore(%run_scoped3A_278 : memref<!tpu.dma_semaphore, #tpu.memory_space<semaphore_mem>>) src(%dma_wait3A_292 : memref<128x8xf32, #tpu.memory_space<vmem>>) dst(%dma_wait3A_298 : memref<100352x8xf32, #tpu.memory_space<vmem_shared>>)
        tpu.yield
      }) : () -> ()
      %run_scoped3A_269 = arith.constant 1 : i32
      %run_scoped3A_270 = arith.constant 1 : i32
      %run_scoped3A_271 = arith.constant 1 : i32
      "tpu.region"() ({
        %run_scoped3A_278 = tpu.sem_alloc : memref<!tpu.dma_semaphore, #tpu.memory_space<semaphore_mem>>
        %dma_start3A_279 = arith.constant 128 : i32
        %dma_start3A_280 = arith.constant 0 : i32
        %dma_start3A_281 = tpu.memref_slice %arg10[%run_scoped3A_269, %dma_start3A_279, %dma_start3A_280] : memref<2x512x8xf32, #tpu.memory_space<vmem>> -> memref<1x128x8xf32, #tpu.memory_space<vmem>>
        %dma_start3A_282 = tpu.memref_squeeze %dma_start3A_281 : memref<1x128x8xf32, #tpu.memory_space<vmem>> -> memref<128x8xf32, #tpu.memory_space<vmem>>
        %dma_start3A_283 = arith.constant 0 : i32
        %dma_start3A_284 = tpu.memref_slice %arg9[%run_scoped3A_270, %run_scoped3A_271, %dma_start3A_283] : memref<2x4x128xi32, #tpu.memory_space<vmem>> -> memref<1x1x128xi32, #tpu.memory_space<vmem>>
        %dma_start3A_285 = tpu.memref_squeeze %dma_start3A_284 : memref<1x1x128xi32, #tpu.memory_space<vmem>> -> memref<128xi32, #tpu.memory_space<vmem>>
        %dma_start3A_286 = arith.constant 0 : i32
        %dma_start3A_287 = arith.constant 0 : i32
        %dma_start3A_288 = tpu.memref_slice %arg7[%dma_start3A_286, %dma_start3A_287] : memref<100352x8xf32, #tpu.memory_space<vmem_shared>> -> memref<100352x8xf32, #tpu.memory_space<vmem_shared>>
        tpu.enqueue_indirect_dma source(%dma_start3A_282 : memref<128x8xf32, #tpu.memory_space<vmem>>) target(%dma_start3A_288 : memref<100352x8xf32, #tpu.memory_space<vmem_shared>>) offsets(%dma_start3A_285 : memref<128xi32, #tpu.memory_space<vmem>>) semaphore(%run_scoped3A_278 : memref<!tpu.dma_semaphore, #tpu.memory_space<semaphore_mem>>) {add = true}
        %dma_wait3A_289 = arith.constant 128 : i32
        %dma_wait3A_290 = arith.constant 0 : i32
        %dma_wait3A_291 = tpu.memref_slice %arg10[%run_scoped3A_269, %dma_wait3A_289, %dma_wait3A_290] : memref<2x512x8xf32, #tpu.memory_space<vmem>> -> memref<1x128x8xf32, #tpu.memory_space<vmem>>
        %dma_wait3A_292 = tpu.memref_squeeze %dma_wait3A_291 : memref<1x128x8xf32, #tpu.memory_space<vmem>> -> memref<128x8xf32, #tpu.memory_space<vmem>>
        %dma_wait3A_293 = arith.constant 0 : i32
        %dma_wait3A_294 = tpu.memref_slice %arg9[%run_scoped3A_270, %run_scoped3A_271, %dma_wait3A_293] : memref<2x4x128xi32, #tpu.memory_space<vmem>> -> memref<1x1x128xi32, #tpu.memory_space<vmem>>
        %dma_wait3A_295 = tpu.memref_squeeze %dma_wait3A_294 : memref<1x1x128xi32, #tpu.memory_space<vmem>> -> memref<128xi32, #tpu.memory_space<vmem>>
        %dma_wait3A_296 = arith.constant 0 : i32
        %dma_wait3A_297 = arith.constant 0 : i32
        %dma_wait3A_298 = tpu.memref_slice %arg7[%dma_wait3A_296, %dma_wait3A_297] : memref<100352x8xf32, #tpu.memory_space<vmem_shared>> -> memref<100352x8xf32, #tpu.memory_space<vmem_shared>>
        tpu.wait_indirect_dma semaphore(%run_scoped3A_278 : memref<!tpu.dma_semaphore, #tpu.memory_space<semaphore_mem>>) src(%dma_wait3A_292 : memref<128x8xf32, #tpu.memory_space<vmem>>) dst(%dma_wait3A_298 : memref<100352x8xf32, #tpu.memory_space<vmem_shared>>)
        tpu.yield
      }) : () -> ()
      %run_scoped3A_272 = arith.constant 1 : i32
      %run_scoped3A_273 = arith.constant 1 : i32
      %run_scoped3A_274 = arith.constant 2 : i32
      "tpu.region"() ({
        %run_scoped3A_278 = tpu.sem_alloc : memref<!tpu.dma_semaphore, #tpu.memory_space<semaphore_mem>>
        %dma_start3A_279 = arith.constant 256 : i32
        %dma_start3A_280 = arith.constant 0 : i32
        %dma_start3A_281 = tpu.memref_slice %arg10[%run_scoped3A_272, %dma_start3A_279, %dma_start3A_280] : memref<2x512x8xf32, #tpu.memory_space<vmem>> -> memref<1x128x8xf32, #tpu.memory_space<vmem>>
        %dma_start3A_282 = tpu.memref_squeeze %dma_start3A_281 : memref<1x128x8xf32, #tpu.memory_space<vmem>> -> memref<128x8xf32, #tpu.memory_space<vmem>>
        %dma_start3A_283 = arith.constant 0 : i32
        %dma_start3A_284 = tpu.memref_slice %arg9[%run_scoped3A_273, %run_scoped3A_274, %dma_start3A_283] : memref<2x4x128xi32, #tpu.memory_space<vmem>> -> memref<1x1x128xi32, #tpu.memory_space<vmem>>
        %dma_start3A_285 = tpu.memref_squeeze %dma_start3A_284 : memref<1x1x128xi32, #tpu.memory_space<vmem>> -> memref<128xi32, #tpu.memory_space<vmem>>
        %dma_start3A_286 = arith.constant 0 : i32
        %dma_start3A_287 = arith.constant 0 : i32
        %dma_start3A_288 = tpu.memref_slice %arg7[%dma_start3A_286, %dma_start3A_287] : memref<100352x8xf32, #tpu.memory_space<vmem_shared>> -> memref<100352x8xf32, #tpu.memory_space<vmem_shared>>
        tpu.enqueue_indirect_dma source(%dma_start3A_282 : memref<128x8xf32, #tpu.memory_space<vmem>>) target(%dma_start3A_288 : memref<100352x8xf32, #tpu.memory_space<vmem_shared>>) offsets(%dma_start3A_285 : memref<128xi32, #tpu.memory_space<vmem>>) semaphore(%run_scoped3A_278 : memref<!tpu.dma_semaphore, #tpu.memory_space<semaphore_mem>>) {add = true}
        %dma_wait3A_289 = arith.constant 256 : i32
        %dma_wait3A_290 = arith.constant 0 : i32
        %dma_wait3A_291 = tpu.memref_slice %arg10[%run_scoped3A_272, %dma_wait3A_289, %dma_wait3A_290] : memref<2x512x8xf32, #tpu.memory_space<vmem>> -> memref<1x128x8xf32, #tpu.memory_space<vmem>>
        %dma_wait3A_292 = tpu.memref_squeeze %dma_wait3A_291 : memref<1x128x8xf32, #tpu.memory_space<vmem>> -> memref<128x8xf32, #tpu.memory_space<vmem>>
        %dma_wait3A_293 = arith.constant 0 : i32
        %dma_wait3A_294 = tpu.memref_slice %arg9[%run_scoped3A_273, %run_scoped3A_274, %dma_wait3A_293] : memref<2x4x128xi32, #tpu.memory_space<vmem>> -> memref<1x1x128xi32, #tpu.memory_space<vmem>>
        %dma_wait3A_295 = tpu.memref_squeeze %dma_wait3A_294 : memref<1x1x128xi32, #tpu.memory_space<vmem>> -> memref<128xi32, #tpu.memory_space<vmem>>
        %dma_wait3A_296 = arith.constant 0 : i32
        %dma_wait3A_297 = arith.constant 0 : i32
        %dma_wait3A_298 = tpu.memref_slice %arg7[%dma_wait3A_296, %dma_wait3A_297] : memref<100352x8xf32, #tpu.memory_space<vmem_shared>> -> memref<100352x8xf32, #tpu.memory_space<vmem_shared>>
        tpu.wait_indirect_dma semaphore(%run_scoped3A_278 : memref<!tpu.dma_semaphore, #tpu.memory_space<semaphore_mem>>) src(%dma_wait3A_292 : memref<128x8xf32, #tpu.memory_space<vmem>>) dst(%dma_wait3A_298 : memref<100352x8xf32, #tpu.memory_space<vmem_shared>>)
        tpu.yield
      }) : () -> ()
      %run_scoped3A_275 = arith.constant 1 : i32
      %run_scoped3A_276 = arith.constant 1 : i32
      %run_scoped3A_277 = arith.constant 3 : i32
      "tpu.region"() ({
        %run_scoped3A_278 = tpu.sem_alloc : memref<!tpu.dma_semaphore, #tpu.memory_space<semaphore_mem>>
        %dma_start3A_279 = arith.constant 384 : i32
        %dma_start3A_280 = arith.constant 0 : i32
        %dma_start3A_281 = tpu.memref_slice %arg10[%run_scoped3A_275, %dma_start3A_279, %dma_start3A_280] : memref<2x512x8xf32, #tpu.memory_space<vmem>> -> memref<1x128x8xf32, #tpu.memory_space<vmem>>
        %dma_start3A_282 = tpu.memref_squeeze %dma_start3A_281 : memref<1x128x8xf32, #tpu.memory_space<vmem>> -> memref<128x8xf32, #tpu.memory_space<vmem>>
        %dma_start3A_283 = arith.constant 0 : i32
        %dma_start3A_284 = tpu.memref_slice %arg9[%run_scoped3A_276, %run_scoped3A_277, %dma_start3A_283] : memref<2x4x128xi32, #tpu.memory_space<vmem>> -> memref<1x1x128xi32, #tpu.memory_space<vmem>>
        %dma_start3A_285 = tpu.memref_squeeze %dma_start3A_284 : memref<1x1x128xi32, #tpu.memory_space<vmem>> -> memref<128xi32, #tpu.memory_space<vmem>>
        %dma_start3A_286 = arith.constant 0 : i32
        %dma_start3A_287 = arith.constant 0 : i32
        %dma_start3A_288 = tpu.memref_slice %arg7[%dma_start3A_286, %dma_start3A_287] : memref<100352x8xf32, #tpu.memory_space<vmem_shared>> -> memref<100352x8xf32, #tpu.memory_space<vmem_shared>>
        tpu.enqueue_indirect_dma source(%dma_start3A_282 : memref<128x8xf32, #tpu.memory_space<vmem>>) target(%dma_start3A_288 : memref<100352x8xf32, #tpu.memory_space<vmem_shared>>) offsets(%dma_start3A_285 : memref<128xi32, #tpu.memory_space<vmem>>) semaphore(%run_scoped3A_278 : memref<!tpu.dma_semaphore, #tpu.memory_space<semaphore_mem>>) {add = true}
        %dma_wait3A_289 = arith.constant 384 : i32
        %dma_wait3A_290 = arith.constant 0 : i32
        %dma_wait3A_291 = tpu.memref_slice %arg10[%run_scoped3A_275, %dma_wait3A_289, %dma_wait3A_290] : memref<2x512x8xf32, #tpu.memory_space<vmem>> -> memref<1x128x8xf32, #tpu.memory_space<vmem>>
        %dma_wait3A_292 = tpu.memref_squeeze %dma_wait3A_291 : memref<1x128x8xf32, #tpu.memory_space<vmem>> -> memref<128x8xf32, #tpu.memory_space<vmem>>
        %dma_wait3A_293 = arith.constant 0 : i32
        %dma_wait3A_294 = tpu.memref_slice %arg9[%run_scoped3A_276, %run_scoped3A_277, %dma_wait3A_293] : memref<2x4x128xi32, #tpu.memory_space<vmem>> -> memref<1x1x128xi32, #tpu.memory_space<vmem>>
        %dma_wait3A_295 = tpu.memref_squeeze %dma_wait3A_294 : memref<1x1x128xi32, #tpu.memory_space<vmem>> -> memref<128xi32, #tpu.memory_space<vmem>>
        %dma_wait3A_296 = arith.constant 0 : i32
        %dma_wait3A_297 = arith.constant 0 : i32
        %dma_wait3A_298 = tpu.memref_slice %arg7[%dma_wait3A_296, %dma_wait3A_297] : memref<100352x8xf32, #tpu.memory_space<vmem_shared>> -> memref<100352x8xf32, #tpu.memory_space<vmem_shared>>
        tpu.wait_indirect_dma semaphore(%run_scoped3A_278 : memref<!tpu.dma_semaphore, #tpu.memory_space<semaphore_mem>>) src(%dma_wait3A_292 : memref<128x8xf32, #tpu.memory_space<vmem>>) dst(%dma_wait3A_298 : memref<100352x8xf32, #tpu.memory_space<vmem_shared>>)
        tpu.yield
      }) : () -> ()
    }
    %eq3A_16 = arith.constant 31 : i32
    %eq3A_17 = arith.cmpi eq, %add3A, %eq3A_16 : i32
    %convert_element_type3A = arith.extui %eq3A_17 : i1 to i32
    %cond3A = arith.constant 0 : i32
    %cond3A_18 = arith.cmpi ne, %convert_element_type3A, %cond3A : i32
    scf.if %cond3A_18 {
      %add3A_30 = arith.constant 344 : i32
      %add3A_31 = arith.addi %mul3A_4, %add3A_30 : i32
      %run_scoped3A = arith.constant 0 : i32
      %run_scoped3A_32 = arith.constant 0 : i32
      "tpu.region"() ({
        %run_scoped3A_149 = tpu.sem_alloc : memref<!tpu.dma_semaphore, #tpu.memory_space<semaphore_mem>>
        %dma_start3A_150 = arith.constant 0 : i32
        %dma_start3A_151 = arith.constant 0 : i32
        %dma_start3A_152 = tpu.memref_slice %arg8[%run_scoped3A_32, %dma_start3A_150, %dma_start3A_151] : memref<2x4x128xi32, #tpu.memory_space<vmem>> -> memref<1x4x128xi32, #tpu.memory_space<vmem>>
        %dma_start3A_153 = tpu.memref_squeeze %dma_start3A_152 : memref<1x4x128xi32, #tpu.memory_space<vmem>> -> memref<4x128xi32, #tpu.memory_space<vmem>>
        %dma_start3A_154 = arith.constant 0 : i32
        %dma_start3A_155 = tpu.memref_slice %arg3[%run_scoped3A, %add3A_31, %dma_start3A_154] : memref<2x12500x128xi32, #tpu.memory_space<hbm>> -> memref<1x4x128xi32, #tpu.memory_space<hbm>>
        %dma_start3A_156 = tpu.memref_squeeze %dma_start3A_155 : memref<1x4x128xi32, #tpu.memory_space<hbm>> -> memref<4x128xi32, #tpu.memory_space<hbm>>
        %dma_start3A_157 = arith.constant 0 : i32
        %dma_start3A_158 = arith.constant 0 : i32
        %dma_start3A_159 = tpu.memref_slice %arg8[%run_scoped3A_32, %dma_start3A_157, %dma_start3A_158] : memref<2x4x128xi32, #tpu.memory_space<vmem>> -> memref<1x4x128xi32, #tpu.memory_space<vmem>>
        %dma_start3A_160 = tpu.memref_squeeze %dma_start3A_159 : memref<1x4x128xi32, #tpu.memory_space<vmem>> -> memref<4x128xi32, #tpu.memory_space<vmem>>
        %dma_start3A_161 = arith.constant 0 : i32
        %dma_start3A_162 = tpu.memref_slice %arg3[%run_scoped3A, %add3A_31, %dma_start3A_161] : memref<2x12500x128xi32, #tpu.memory_space<hbm>> -> memref<1x4x128xi32, #tpu.memory_space<hbm>>
        %dma_start3A_163 = tpu.memref_squeeze %dma_start3A_162 : memref<1x4x128xi32, #tpu.memory_space<hbm>> -> memref<4x128xi32, #tpu.memory_space<hbm>>
        tpu.enqueue_dma source(%dma_start3A_163 : memref<4x128xi32, #tpu.memory_space<hbm>>) target(%dma_start3A_160 : memref<4x128xi32, #tpu.memory_space<vmem>>) target_semaphore(%run_scoped3A_149 : memref<!tpu.dma_semaphore, #tpu.memory_space<semaphore_mem>>)
        %dma_wait3A_164 = arith.constant 0 : i32
        %dma_wait3A_165 = arith.constant 0 : i32
        %dma_wait3A_166 = tpu.memref_slice %arg8[%run_scoped3A_32, %dma_wait3A_164, %dma_wait3A_165] : memref<2x4x128xi32, #tpu.memory_space<vmem>> -> memref<1x4x128xi32, #tpu.memory_space<vmem>>
        %dma_wait3A_167 = tpu.memref_squeeze %dma_wait3A_166 : memref<1x4x128xi32, #tpu.memory_space<vmem>> -> memref<4x128xi32, #tpu.memory_space<vmem>>
        %dma_wait3A_168 = arith.constant 0 : i32
        %dma_wait3A_169 = tpu.memref_slice %arg3[%run_scoped3A, %add3A_31, %dma_wait3A_168] : memref<2x12500x128xi32, #tpu.memory_space<hbm>> -> memref<1x4x128xi32, #tpu.memory_space<hbm>>
        %dma_wait3A_170 = tpu.memref_squeeze %dma_wait3A_169 : memref<1x4x128xi32, #tpu.memory_space<hbm>> -> memref<4x128xi32, #tpu.memory_space<hbm>>
        %dma_wait3A_171 = arith.constant 0 : i32
        %dma_wait3A_172 = arith.constant 0 : i32
        %dma_wait3A_173 = tpu.memref_slice %arg8[%run_scoped3A_32, %dma_wait3A_171, %dma_wait3A_172] : memref<2x4x128xi32, #tpu.memory_space<vmem>> -> memref<1x4x128xi32, #tpu.memory_space<vmem>>
        %dma_wait3A_174 = tpu.memref_squeeze %dma_wait3A_173 : memref<1x4x128xi32, #tpu.memory_space<vmem>> -> memref<4x128xi32, #tpu.memory_space<vmem>>
        %dma_wait3A_175 = arith.constant 0 : i32
        %dma_wait3A_176 = tpu.memref_slice %arg3[%run_scoped3A, %add3A_31, %dma_wait3A_175] : memref<2x12500x128xi32, #tpu.memory_space<hbm>> -> memref<1x4x128xi32, #tpu.memory_space<hbm>>
        %dma_wait3A_177 = tpu.memref_squeeze %dma_wait3A_176 : memref<1x4x128xi32, #tpu.memory_space<hbm>> -> memref<4x128xi32, #tpu.memory_space<hbm>>
        tpu.wait_dma2 semaphore(%run_scoped3A_149 : memref<!tpu.dma_semaphore, #tpu.memory_space<semaphore_mem>>) src(%dma_wait3A_177 : memref<4x128xi32, #tpu.memory_space<hbm>>) dst(%dma_wait3A_174 : memref<4x128xi32, #tpu.memory_space<vmem>>)
        tpu.yield
      }) : () -> ()
      %run_scoped3A_33 = arith.constant 1 : i32
      %run_scoped3A_34 = arith.constant 0 : i32
      "tpu.region"() ({
        %run_scoped3A_149 = tpu.sem_alloc : memref<!tpu.dma_semaphore, #tpu.memory_space<semaphore_mem>>
        %dma_start3A_150 = arith.constant 0 : i32
        %dma_start3A_151 = arith.constant 0 : i32
        %dma_start3A_152 = tpu.memref_slice %arg9[%run_scoped3A_34, %dma_start3A_150, %dma_start3A_151] : memref<2x4x128xi32, #tpu.memory_space<vmem>> -> memref<1x4x128xi32, #tpu.memory_space<vmem>>
        %dma_start3A_153 = tpu.memref_squeeze %dma_start3A_152 : memref<1x4x128xi32, #tpu.memory_space<vmem>> -> memref<4x128xi32, #tpu.memory_space<vmem>>
        %dma_start3A_154 = arith.constant 0 : i32
        %dma_start3A_155 = tpu.memref_slice %arg3[%run_scoped3A_33, %add3A_31, %dma_start3A_154] : memref<2x12500x128xi32, #tpu.memory_space<hbm>> -> memref<1x4x128xi32, #tpu.memory_space<hbm>>
        %dma_start3A_156 = tpu.memref_squeeze %dma_start3A_155 : memref<1x4x128xi32, #tpu.memory_space<hbm>> -> memref<4x128xi32, #tpu.memory_space<hbm>>
        %dma_start3A_157 = arith.constant 0 : i32
        %dma_start3A_158 = arith.constant 0 : i32
        %dma_start3A_159 = tpu.memref_slice %arg9[%run_scoped3A_34, %dma_start3A_157, %dma_start3A_158] : memref<2x4x128xi32, #tpu.memory_space<vmem>> -> memref<1x4x128xi32, #tpu.memory_space<vmem>>
        %dma_start3A_160 = tpu.memref_squeeze %dma_start3A_159 : memref<1x4x128xi32, #tpu.memory_space<vmem>> -> memref<4x128xi32, #tpu.memory_space<vmem>>
        %dma_start3A_161 = arith.constant 0 : i32
        %dma_start3A_162 = tpu.memref_slice %arg3[%run_scoped3A_33, %add3A_31, %dma_start3A_161] : memref<2x12500x128xi32, #tpu.memory_space<hbm>> -> memref<1x4x128xi32, #tpu.memory_space<hbm>>
        %dma_start3A_163 = tpu.memref_squeeze %dma_start3A_162 : memref<1x4x128xi32, #tpu.memory_space<hbm>> -> memref<4x128xi32, #tpu.memory_space<hbm>>
        tpu.enqueue_dma source(%dma_start3A_163 : memref<4x128xi32, #tpu.memory_space<hbm>>) target(%dma_start3A_160 : memref<4x128xi32, #tpu.memory_space<vmem>>) target_semaphore(%run_scoped3A_149 : memref<!tpu.dma_semaphore, #tpu.memory_space<semaphore_mem>>)
        %dma_wait3A_164 = arith.constant 0 : i32
        %dma_wait3A_165 = arith.constant 0 : i32
        %dma_wait3A_166 = tpu.memref_slice %arg9[%run_scoped3A_34, %dma_wait3A_164, %dma_wait3A_165] : memref<2x4x128xi32, #tpu.memory_space<vmem>> -> memref<1x4x128xi32, #tpu.memory_space<vmem>>
        %dma_wait3A_167 = tpu.memref_squeeze %dma_wait3A_166 : memref<1x4x128xi32, #tpu.memory_space<vmem>> -> memref<4x128xi32, #tpu.memory_space<vmem>>
        %dma_wait3A_168 = arith.constant 0 : i32
        %dma_wait3A_169 = tpu.memref_slice %arg3[%run_scoped3A_33, %add3A_31, %dma_wait3A_168] : memref<2x12500x128xi32, #tpu.memory_space<hbm>> -> memref<1x4x128xi32, #tpu.memory_space<hbm>>
        %dma_wait3A_170 = tpu.memref_squeeze %dma_wait3A_169 : memref<1x4x128xi32, #tpu.memory_space<hbm>> -> memref<4x128xi32, #tpu.memory_space<hbm>>
        %dma_wait3A_171 = arith.constant 0 : i32
        %dma_wait3A_172 = arith.constant 0 : i32
        %dma_wait3A_173 = tpu.memref_slice %arg9[%run_scoped3A_34, %dma_wait3A_171, %dma_wait3A_172] : memref<2x4x128xi32, #tpu.memory_space<vmem>> -> memref<1x4x128xi32, #tpu.memory_space<vmem>>
        %dma_wait3A_174 = tpu.memref_squeeze %dma_wait3A_173 : memref<1x4x128xi32, #tpu.memory_space<vmem>> -> memref<4x128xi32, #tpu.memory_space<vmem>>
        %dma_wait3A_175 = arith.constant 0 : i32
        %dma_wait3A_176 = tpu.memref_slice %arg3[%run_scoped3A_33, %add3A_31, %dma_wait3A_175] : memref<2x12500x128xi32, #tpu.memory_space<hbm>> -> memref<1x4x128xi32, #tpu.memory_space<hbm>>
        %dma_wait3A_177 = tpu.memref_squeeze %dma_wait3A_176 : memref<1x4x128xi32, #tpu.memory_space<hbm>> -> memref<4x128xi32, #tpu.memory_space<hbm>>
        tpu.wait_dma2 semaphore(%run_scoped3A_149 : memref<!tpu.dma_semaphore, #tpu.memory_space<semaphore_mem>>) src(%dma_wait3A_177 : memref<4x128xi32, #tpu.memory_space<hbm>>) dst(%dma_wait3A_174 : memref<4x128xi32, #tpu.memory_space<vmem>>)
        tpu.yield
      }) : () -> ()
      %dma_start3A = arith.constant 0 : i32
      %dma_start3A_35 = arith.constant 0 : i32
      %dma_start3A_36 = arith.constant 0 : i32
      %dma_start3A_37 = arith.constant 0 : i32
      %dma_start3A_38 = arith.constant 0 : i32
      %dma_start3A_39 = tpu.memref_slice %arg10[%dma_start3A_36, %dma_start3A_37, %dma_start3A_38] : memref<2x512x8xf32, #tpu.memory_space<vmem>> -> memref<1x128x8xf32, #tpu.memory_space<vmem>>
      %dma_start3A_40 = tpu.memref_squeeze %dma_start3A_39 : memref<1x128x8xf32, #tpu.memory_space<vmem>> -> memref<128x8xf32, #tpu.memory_space<vmem>>
      %dma_start3A_41 = arith.constant 0 : i32
      %dma_start3A_42 = tpu.memref_slice %arg8[%dma_start3A, %dma_start3A_35, %dma_start3A_41] : memref<2x4x128xi32, #tpu.memory_space<vmem>> -> memref<1x1x128xi32, #tpu.memory_space<vmem>>
      %dma_start3A_43 = tpu.memref_squeeze %dma_start3A_42 : memref<1x1x128xi32, #tpu.memory_space<vmem>> -> memref<128xi32, #tpu.memory_space<vmem>>
      %dma_start3A_44 = arith.constant 0 : i32
      %dma_start3A_45 = arith.constant 0 : i32
      %dma_start3A_46 = tpu.memref_slice %arg2[%dma_start3A_44, %dma_start3A_45] : memref<100000x8xf32, #tpu.memory_space<hbm>> -> memref<100000x8xf32, #tpu.memory_space<hbm>>
      tpu.enqueue_indirect_dma source(%dma_start3A_46 : memref<100000x8xf32, #tpu.memory_space<hbm>>) target(%dma_start3A_40 : memref<128x8xf32, #tpu.memory_space<vmem>>) offsets(%dma_start3A_43 : memref<128xi32, #tpu.memory_space<vmem>>) semaphore(%arg11 : memref<!tpu.dma_semaphore, #tpu.memory_space<semaphore_mem>>)
      %dma_start3A_47 = arith.constant 0 : i32
      %dma_start3A_48 = arith.constant 1 : i32
      %dma_start3A_49 = arith.constant 0 : i32
      %dma_start3A_50 = arith.constant 128 : i32
      %dma_start3A_51 = arith.constant 0 : i32
      %dma_start3A_52 = tpu.memref_slice %arg10[%dma_start3A_49, %dma_start3A_50, %dma_start3A_51] : memref<2x512x8xf32, #tpu.memory_space<vmem>> -> memref<1x128x8xf32, #tpu.memory_space<vmem>>
      %dma_start3A_53 = tpu.memref_squeeze %dma_start3A_52 : memref<1x128x8xf32, #tpu.memory_space<vmem>> -> memref<128x8xf32, #tpu.memory_space<vmem>>
      %dma_start3A_54 = arith.constant 0 : i32
      %dma_start3A_55 = tpu.memref_slice %arg8[%dma_start3A_47, %dma_start3A_48, %dma_start3A_54] : memref<2x4x128xi32, #tpu.memory_space<vmem>> -> memref<1x1x128xi32, #tpu.memory_space<vmem>>
      %dma_start3A_56 = tpu.memref_squeeze %dma_start3A_55 : memref<1x1x128xi32, #tpu.memory_space<vmem>> -> memref<128xi32, #tpu.memory_space<vmem>>
      %dma_start3A_57 = arith.constant 0 : i32
      %dma_start3A_58 = arith.constant 0 : i32
      %dma_start3A_59 = tpu.memref_slice %arg2[%dma_start3A_57, %dma_start3A_58] : memref<100000x8xf32, #tpu.memory_space<hbm>> -> memref<100000x8xf32, #tpu.memory_space<hbm>>
      tpu.enqueue_indirect_dma source(%dma_start3A_59 : memref<100000x8xf32, #tpu.memory_space<hbm>>) target(%dma_start3A_53 : memref<128x8xf32, #tpu.memory_space<vmem>>) offsets(%dma_start3A_56 : memref<128xi32, #tpu.memory_space<vmem>>) semaphore(%arg11 : memref<!tpu.dma_semaphore, #tpu.memory_space<semaphore_mem>>)
      %dma_start3A_60 = arith.constant 0 : i32
      %dma_start3A_61 = arith.constant 2 : i32
      %dma_start3A_62 = arith.constant 0 : i32
      %dma_start3A_63 = arith.constant 256 : i32
      %dma_start3A_64 = arith.constant 0 : i32
      %dma_start3A_65 = tpu.memref_slice %arg10[%dma_start3A_62, %dma_start3A_63, %dma_start3A_64] : memref<2x512x8xf32, #tpu.memory_space<vmem>> -> memref<1x128x8xf32, #tpu.memory_space<vmem>>
      %dma_start3A_66 = tpu.memref_squeeze %dma_start3A_65 : memref<1x128x8xf32, #tpu.memory_space<vmem>> -> memref<128x8xf32, #tpu.memory_space<vmem>>
      %dma_start3A_67 = arith.constant 0 : i32
      %dma_start3A_68 = tpu.memref_slice %arg8[%dma_start3A_60, %dma_start3A_61, %dma_start3A_67] : memref<2x4x128xi32, #tpu.memory_space<vmem>> -> memref<1x1x128xi32, #tpu.memory_space<vmem>>
      %dma_start3A_69 = tpu.memref_squeeze %dma_start3A_68 : memref<1x1x128xi32, #tpu.memory_space<vmem>> -> memref<128xi32, #tpu.memory_space<vmem>>
      %dma_start3A_70 = arith.constant 0 : i32
      %dma_start3A_71 = arith.constant 0 : i32
      %dma_start3A_72 = tpu.memref_slice %arg2[%dma_start3A_70, %dma_start3A_71] : memref<100000x8xf32, #tpu.memory_space<hbm>> -> memref<100000x8xf32, #tpu.memory_space<hbm>>
      tpu.enqueue_indirect_dma source(%dma_start3A_72 : memref<100000x8xf32, #tpu.memory_space<hbm>>) target(%dma_start3A_66 : memref<128x8xf32, #tpu.memory_space<vmem>>) offsets(%dma_start3A_69 : memref<128xi32, #tpu.memory_space<vmem>>) semaphore(%arg11 : memref<!tpu.dma_semaphore, #tpu.memory_space<semaphore_mem>>)
      %dma_start3A_73 = arith.constant 0 : i32
      %dma_start3A_74 = arith.constant 3 : i32
      %dma_start3A_75 = arith.constant 0 : i32
      %dma_start3A_76 = arith.constant 384 : i32
      %dma_start3A_77 = arith.constant 0 : i32
      %dma_start3A_78 = tpu.memref_slice %arg10[%dma_start3A_75, %dma_start3A_76, %dma_start3A_77] : memref<2x512x8xf32, #tpu.memory_space<vmem>> -> memref<1x128x8xf32, #tpu.memory_space<vmem>>
      %dma_start3A_79 = tpu.memref_squeeze %dma_start3A_78 : memref<1x128x8xf32, #tpu.memory_space<vmem>> -> memref<128x8xf32, #tpu.memory_space<vmem>>
      %dma_start3A_80 = arith.constant 0 : i32
      %dma_start3A_81 = tpu.memref_slice %arg8[%dma_start3A_73, %dma_start3A_74, %dma_start3A_80] : memref<2x4x128xi32, #tpu.memory_space<vmem>> -> memref<1x1x128xi32, #tpu.memory_space<vmem>>
      %dma_start3A_82 = tpu.memref_squeeze %dma_start3A_81 : memref<1x1x128xi32, #tpu.memory_space<vmem>> -> memref<128xi32, #tpu.memory_space<vmem>>
      %dma_start3A_83 = arith.constant 0 : i32
      %dma_start3A_84 = arith.constant 0 : i32
      %dma_start3A_85 = tpu.memref_slice %arg2[%dma_start3A_83, %dma_start3A_84] : memref<100000x8xf32, #tpu.memory_space<hbm>> -> memref<100000x8xf32, #tpu.memory_space<hbm>>
      tpu.enqueue_indirect_dma source(%dma_start3A_85 : memref<100000x8xf32, #tpu.memory_space<hbm>>) target(%dma_start3A_79 : memref<128x8xf32, #tpu.memory_space<vmem>>) offsets(%dma_start3A_82 : memref<128xi32, #tpu.memory_space<vmem>>) semaphore(%arg11 : memref<!tpu.dma_semaphore, #tpu.memory_space<semaphore_mem>>)
      %dma_wait3A = arith.constant 0 : i32
      %dma_wait3A_86 = arith.constant 0 : i32
      %dma_wait3A_87 = arith.constant 0 : i32
      %dma_wait3A_88 = arith.constant 0 : i32
      %dma_wait3A_89 = arith.constant 0 : i32
      %dma_wait3A_90 = tpu.memref_slice %arg10[%dma_wait3A_87, %dma_wait3A_88, %dma_wait3A_89] : memref<2x512x8xf32, #tpu.memory_space<vmem>> -> memref<1x128x8xf32, #tpu.memory_space<vmem>>
      %dma_wait3A_91 = tpu.memref_squeeze %dma_wait3A_90 : memref<1x128x8xf32, #tpu.memory_space<vmem>> -> memref<128x8xf32, #tpu.memory_space<vmem>>
      %dma_wait3A_92 = arith.constant 0 : i32
      %dma_wait3A_93 = tpu.memref_slice %arg8[%dma_wait3A, %dma_wait3A_86, %dma_wait3A_92] : memref<2x4x128xi32, #tpu.memory_space<vmem>> -> memref<1x1x128xi32, #tpu.memory_space<vmem>>
      %dma_wait3A_94 = tpu.memref_squeeze %dma_wait3A_93 : memref<1x1x128xi32, #tpu.memory_space<vmem>> -> memref<128xi32, #tpu.memory_space<vmem>>
      %dma_wait3A_95 = arith.constant 0 : i32
      %dma_wait3A_96 = arith.constant 0 : i32
      %dma_wait3A_97 = tpu.memref_slice %arg2[%dma_wait3A_95, %dma_wait3A_96] : memref<100000x8xf32, #tpu.memory_space<hbm>> -> memref<100000x8xf32, #tpu.memory_space<hbm>>
      tpu.wait_indirect_dma semaphore(%arg11 : memref<!tpu.dma_semaphore, #tpu.memory_space<semaphore_mem>>) src(%dma_wait3A_97 : memref<100000x8xf32, #tpu.memory_space<hbm>>) dst(%dma_wait3A_91 : memref<128x8xf32, #tpu.memory_space<vmem>>)
      %dma_wait3A_98 = arith.constant 0 : i32
      %dma_wait3A_99 = arith.constant 1 : i32
      %dma_wait3A_100 = arith.constant 0 : i32
      %dma_wait3A_101 = arith.constant 128 : i32
      %dma_wait3A_102 = arith.constant 0 : i32
      %dma_wait3A_103 = tpu.memref_slice %arg10[%dma_wait3A_100, %dma_wait3A_101, %dma_wait3A_102] : memref<2x512x8xf32, #tpu.memory_space<vmem>> -> memref<1x128x8xf32, #tpu.memory_space<vmem>>
      %dma_wait3A_104 = tpu.memref_squeeze %dma_wait3A_103 : memref<1x128x8xf32, #tpu.memory_space<vmem>> -> memref<128x8xf32, #tpu.memory_space<vmem>>
      %dma_wait3A_105 = arith.constant 0 : i32
      %dma_wait3A_106 = tpu.memref_slice %arg8[%dma_wait3A_98, %dma_wait3A_99, %dma_wait3A_105] : memref<2x4x128xi32, #tpu.memory_space<vmem>> -> memref<1x1x128xi32, #tpu.memory_space<vmem>>
      %dma_wait3A_107 = tpu.memref_squeeze %dma_wait3A_106 : memref<1x1x128xi32, #tpu.memory_space<vmem>> -> memref<128xi32, #tpu.memory_space<vmem>>
      %dma_wait3A_108 = arith.constant 0 : i32
      %dma_wait3A_109 = arith.constant 0 : i32
      %dma_wait3A_110 = tpu.memref_slice %arg2[%dma_wait3A_108, %dma_wait3A_109] : memref<100000x8xf32, #tpu.memory_space<hbm>> -> memref<100000x8xf32, #tpu.memory_space<hbm>>
      tpu.wait_indirect_dma semaphore(%arg11 : memref<!tpu.dma_semaphore, #tpu.memory_space<semaphore_mem>>) src(%dma_wait3A_110 : memref<100000x8xf32, #tpu.memory_space<hbm>>) dst(%dma_wait3A_104 : memref<128x8xf32, #tpu.memory_space<vmem>>)
      %dma_wait3A_111 = arith.constant 0 : i32
      %dma_wait3A_112 = arith.constant 2 : i32
      %dma_wait3A_113 = arith.constant 0 : i32
      %dma_wait3A_114 = arith.constant 256 : i32
      %dma_wait3A_115 = arith.constant 0 : i32
      %dma_wait3A_116 = tpu.memref_slice %arg10[%dma_wait3A_113, %dma_wait3A_114, %dma_wait3A_115] : memref<2x512x8xf32, #tpu.memory_space<vmem>> -> memref<1x128x8xf32, #tpu.memory_space<vmem>>
      %dma_wait3A_117 = tpu.memref_squeeze %dma_wait3A_116 : memref<1x128x8xf32, #tpu.memory_space<vmem>> -> memref<128x8xf32, #tpu.memory_space<vmem>>
      %dma_wait3A_118 = arith.constant 0 : i32
      %dma_wait3A_119 = tpu.memref_slice %arg8[%dma_wait3A_111, %dma_wait3A_112, %dma_wait3A_118] : memref<2x4x128xi32, #tpu.memory_space<vmem>> -> memref<1x1x128xi32, #tpu.memory_space<vmem>>
      %dma_wait3A_120 = tpu.memref_squeeze %dma_wait3A_119 : memref<1x1x128xi32, #tpu.memory_space<vmem>> -> memref<128xi32, #tpu.memory_space<vmem>>
      %dma_wait3A_121 = arith.constant 0 : i32
      %dma_wait3A_122 = arith.constant 0 : i32
      %dma_wait3A_123 = tpu.memref_slice %arg2[%dma_wait3A_121, %dma_wait3A_122] : memref<100000x8xf32, #tpu.memory_space<hbm>> -> memref<100000x8xf32, #tpu.memory_space<hbm>>
      tpu.wait_indirect_dma semaphore(%arg11 : memref<!tpu.dma_semaphore, #tpu.memory_space<semaphore_mem>>) src(%dma_wait3A_123 : memref<100000x8xf32, #tpu.memory_space<hbm>>) dst(%dma_wait3A_117 : memref<128x8xf32, #tpu.memory_space<vmem>>)
      %dma_wait3A_124 = arith.constant 0 : i32
      %dma_wait3A_125 = arith.constant 3 : i32
      %dma_wait3A_126 = arith.constant 0 : i32
      %dma_wait3A_127 = arith.constant 384 : i32
      %dma_wait3A_128 = arith.constant 0 : i32
      %dma_wait3A_129 = tpu.memref_slice %arg10[%dma_wait3A_126, %dma_wait3A_127, %dma_wait3A_128] : memref<2x512x8xf32, #tpu.memory_space<vmem>> -> memref<1x128x8xf32, #tpu.memory_space<vmem>>
      %dma_wait3A_130 = tpu.memref_squeeze %dma_wait3A_129 : memref<1x128x8xf32, #tpu.memory_space<vmem>> -> memref<128x8xf32, #tpu.memory_space<vmem>>
      %dma_wait3A_131 = arith.constant 0 : i32
      %dma_wait3A_132 = tpu.memref_slice %arg8[%dma_wait3A_124, %dma_wait3A_125, %dma_wait3A_131] : memref<2x4x128xi32, #tpu.memory_space<vmem>> -> memref<1x1x128xi32, #tpu.memory_space<vmem>>
      %dma_wait3A_133 = tpu.memref_squeeze %dma_wait3A_132 : memref<1x1x128xi32, #tpu.memory_space<vmem>> -> memref<128xi32, #tpu.memory_space<vmem>>
      %dma_wait3A_134 = arith.constant 0 : i32
      %dma_wait3A_135 = arith.constant 0 : i32
      %dma_wait3A_136 = tpu.memref_slice %arg2[%dma_wait3A_134, %dma_wait3A_135] : memref<100000x8xf32, #tpu.memory_space<hbm>> -> memref<100000x8xf32, #tpu.memory_space<hbm>>
      tpu.wait_indirect_dma semaphore(%arg11 : memref<!tpu.dma_semaphore, #tpu.memory_space<semaphore_mem>>) src(%dma_wait3A_136 : memref<100000x8xf32, #tpu.memory_space<hbm>>) dst(%dma_wait3A_130 : memref<128x8xf32, #tpu.memory_space<vmem>>)
      %run_scoped3A_137 = arith.constant 0 : i32
      %run_scoped3A_138 = arith.constant 0 : i32
      %run_scoped3A_139 = arith.constant 0 : i32
      "tpu.region"() ({
        %run_scoped3A_149 = tpu.sem_alloc : memref<!tpu.dma_semaphore, #tpu.memory_space<semaphore_mem>>
        %dma_start3A_150 = arith.constant 0 : i32
        %dma_start3A_151 = arith.constant 0 : i32
        %dma_start3A_152 = tpu.memref_slice %arg10[%run_scoped3A_137, %dma_start3A_150, %dma_start3A_151] : memref<2x512x8xf32, #tpu.memory_space<vmem>> -> memref<1x128x8xf32, #tpu.memory_space<vmem>>
        %dma_start3A_153 = tpu.memref_squeeze %dma_start3A_152 : memref<1x128x8xf32, #tpu.memory_space<vmem>> -> memref<128x8xf32, #tpu.memory_space<vmem>>
        %dma_start3A_154 = arith.constant 0 : i32
        %dma_start3A_155 = tpu.memref_slice %arg9[%run_scoped3A_138, %run_scoped3A_139, %dma_start3A_154] : memref<2x4x128xi32, #tpu.memory_space<vmem>> -> memref<1x1x128xi32, #tpu.memory_space<vmem>>
        %dma_start3A_156 = tpu.memref_squeeze %dma_start3A_155 : memref<1x1x128xi32, #tpu.memory_space<vmem>> -> memref<128xi32, #tpu.memory_space<vmem>>
        %dma_start3A_157 = arith.constant 0 : i32
        %dma_start3A_158 = arith.constant 0 : i32
        %dma_start3A_159 = tpu.memref_slice %arg7[%dma_start3A_157, %dma_start3A_158] : memref<100352x8xf32, #tpu.memory_space<vmem_shared>> -> memref<100352x8xf32, #tpu.memory_space<vmem_shared>>
        tpu.enqueue_indirect_dma source(%dma_start3A_153 : memref<128x8xf32, #tpu.memory_space<vmem>>) target(%dma_start3A_159 : memref<100352x8xf32, #tpu.memory_space<vmem_shared>>) offsets(%dma_start3A_156 : memref<128xi32, #tpu.memory_space<vmem>>) semaphore(%run_scoped3A_149 : memref<!tpu.dma_semaphore, #tpu.memory_space<semaphore_mem>>) {add = true}
        %dma_wait3A_160 = arith.constant 0 : i32
        %dma_wait3A_161 = arith.constant 0 : i32
        %dma_wait3A_162 = tpu.memref_slice %arg10[%run_scoped3A_137, %dma_wait3A_160, %dma_wait3A_161] : memref<2x512x8xf32, #tpu.memory_space<vmem>> -> memref<1x128x8xf32, #tpu.memory_space<vmem>>
        %dma_wait3A_163 = tpu.memref_squeeze %dma_wait3A_162 : memref<1x128x8xf32, #tpu.memory_space<vmem>> -> memref<128x8xf32, #tpu.memory_space<vmem>>
        %dma_wait3A_164 = arith.constant 0 : i32
        %dma_wait3A_165 = tpu.memref_slice %arg9[%run_scoped3A_138, %run_scoped3A_139, %dma_wait3A_164] : memref<2x4x128xi32, #tpu.memory_space<vmem>> -> memref<1x1x128xi32, #tpu.memory_space<vmem>>
        %dma_wait3A_166 = tpu.memref_squeeze %dma_wait3A_165 : memref<1x1x128xi32, #tpu.memory_space<vmem>> -> memref<128xi32, #tpu.memory_space<vmem>>
        %dma_wait3A_167 = arith.constant 0 : i32
        %dma_wait3A_168 = arith.constant 0 : i32
        %dma_wait3A_169 = tpu.memref_slice %arg7[%dma_wait3A_167, %dma_wait3A_168] : memref<100352x8xf32, #tpu.memory_space<vmem_shared>> -> memref<100352x8xf32, #tpu.memory_space<vmem_shared>>
        tpu.wait_indirect_dma semaphore(%run_scoped3A_149 : memref<!tpu.dma_semaphore, #tpu.memory_space<semaphore_mem>>) src(%dma_wait3A_163 : memref<128x8xf32, #tpu.memory_space<vmem>>) dst(%dma_wait3A_169 : memref<100352x8xf32, #tpu.memory_space<vmem_shared>>)
        tpu.yield
      }) : () -> ()
      %run_scoped3A_140 = arith.constant 0 : i32
      %run_scoped3A_141 = arith.constant 0 : i32
      %run_scoped3A_142 = arith.constant 1 : i32
      "tpu.region"() ({
        %run_scoped3A_149 = tpu.sem_alloc : memref<!tpu.dma_semaphore, #tpu.memory_space<semaphore_mem>>
        %dma_start3A_150 = arith.constant 128 : i32
        %dma_start3A_151 = arith.constant 0 : i32
        %dma_start3A_152 = tpu.memref_slice %arg10[%run_scoped3A_140, %dma_start3A_150, %dma_start3A_151] : memref<2x512x8xf32, #tpu.memory_space<vmem>> -> memref<1x128x8xf32, #tpu.memory_space<vmem>>
        %dma_start3A_153 = tpu.memref_squeeze %dma_start3A_152 : memref<1x128x8xf32, #tpu.memory_space<vmem>> -> memref<128x8xf32, #tpu.memory_space<vmem>>
        %dma_start3A_154 = arith.constant 0 : i32
        %dma_start3A_155 = tpu.memref_slice %arg9[%run_scoped3A_141, %run_scoped3A_142, %dma_start3A_154] : memref<2x4x128xi32, #tpu.memory_space<vmem>> -> memref<1x1x128xi32, #tpu.memory_space<vmem>>
        %dma_start3A_156 = tpu.memref_squeeze %dma_start3A_155 : memref<1x1x128xi32, #tpu.memory_space<vmem>> -> memref<128xi32, #tpu.memory_space<vmem>>
        %dma_start3A_157 = arith.constant 0 : i32
        %dma_start3A_158 = arith.constant 0 : i32
        %dma_start3A_159 = tpu.memref_slice %arg7[%dma_start3A_157, %dma_start3A_158] : memref<100352x8xf32, #tpu.memory_space<vmem_shared>> -> memref<100352x8xf32, #tpu.memory_space<vmem_shared>>
        tpu.enqueue_indirect_dma source(%dma_start3A_153 : memref<128x8xf32, #tpu.memory_space<vmem>>) target(%dma_start3A_159 : memref<100352x8xf32, #tpu.memory_space<vmem_shared>>) offsets(%dma_start3A_156 : memref<128xi32, #tpu.memory_space<vmem>>) semaphore(%run_scoped3A_149 : memref<!tpu.dma_semaphore, #tpu.memory_space<semaphore_mem>>) {add = true}
        %dma_wait3A_160 = arith.constant 128 : i32
        %dma_wait3A_161 = arith.constant 0 : i32
        %dma_wait3A_162 = tpu.memref_slice %arg10[%run_scoped3A_140, %dma_wait3A_160, %dma_wait3A_161] : memref<2x512x8xf32, #tpu.memory_space<vmem>> -> memref<1x128x8xf32, #tpu.memory_space<vmem>>
        %dma_wait3A_163 = tpu.memref_squeeze %dma_wait3A_162 : memref<1x128x8xf32, #tpu.memory_space<vmem>> -> memref<128x8xf32, #tpu.memory_space<vmem>>
        %dma_wait3A_164 = arith.constant 0 : i32
        %dma_wait3A_165 = tpu.memref_slice %arg9[%run_scoped3A_141, %run_scoped3A_142, %dma_wait3A_164] : memref<2x4x128xi32, #tpu.memory_space<vmem>> -> memref<1x1x128xi32, #tpu.memory_space<vmem>>
        %dma_wait3A_166 = tpu.memref_squeeze %dma_wait3A_165 : memref<1x1x128xi32, #tpu.memory_space<vmem>> -> memref<128xi32, #tpu.memory_space<vmem>>
        %dma_wait3A_167 = arith.constant 0 : i32
        %dma_wait3A_168 = arith.constant 0 : i32
        %dma_wait3A_169 = tpu.memref_slice %arg7[%dma_wait3A_167, %dma_wait3A_168] : memref<100352x8xf32, #tpu.memory_space<vmem_shared>> -> memref<100352x8xf32, #tpu.memory_space<vmem_shared>>
        tpu.wait_indirect_dma semaphore(%run_scoped3A_149 : memref<!tpu.dma_semaphore, #tpu.memory_space<semaphore_mem>>) src(%dma_wait3A_163 : memref<128x8xf32, #tpu.memory_space<vmem>>) dst(%dma_wait3A_169 : memref<100352x8xf32, #tpu.memory_space<vmem_shared>>)
        tpu.yield
      }) : () -> ()
      %run_scoped3A_143 = arith.constant 0 : i32
      %run_scoped3A_144 = arith.constant 0 : i32
      %run_scoped3A_145 = arith.constant 2 : i32
      "tpu.region"() ({
        %run_scoped3A_149 = tpu.sem_alloc : memref<!tpu.dma_semaphore, #tpu.memory_space<semaphore_mem>>
        %dma_start3A_150 = arith.constant 256 : i32
        %dma_start3A_151 = arith.constant 0 : i32
        %dma_start3A_152 = tpu.memref_slice %arg10[%run_scoped3A_143, %dma_start3A_150, %dma_start3A_151] : memref<2x512x8xf32, #tpu.memory_space<vmem>> -> memref<1x128x8xf32, #tpu.memory_space<vmem>>
        %dma_start3A_153 = tpu.memref_squeeze %dma_start3A_152 : memref<1x128x8xf32, #tpu.memory_space<vmem>> -> memref<128x8xf32, #tpu.memory_space<vmem>>
        %dma_start3A_154 = arith.constant 0 : i32
        %dma_start3A_155 = tpu.memref_slice %arg9[%run_scoped3A_144, %run_scoped3A_145, %dma_start3A_154] : memref<2x4x128xi32, #tpu.memory_space<vmem>> -> memref<1x1x128xi32, #tpu.memory_space<vmem>>
        %dma_start3A_156 = tpu.memref_squeeze %dma_start3A_155 : memref<1x1x128xi32, #tpu.memory_space<vmem>> -> memref<128xi32, #tpu.memory_space<vmem>>
        %dma_start3A_157 = arith.constant 0 : i32
        %dma_start3A_158 = arith.constant 0 : i32
        %dma_start3A_159 = tpu.memref_slice %arg7[%dma_start3A_157, %dma_start3A_158] : memref<100352x8xf32, #tpu.memory_space<vmem_shared>> -> memref<100352x8xf32, #tpu.memory_space<vmem_shared>>
        tpu.enqueue_indirect_dma source(%dma_start3A_153 : memref<128x8xf32, #tpu.memory_space<vmem>>) target(%dma_start3A_159 : memref<100352x8xf32, #tpu.memory_space<vmem_shared>>) offsets(%dma_start3A_156 : memref<128xi32, #tpu.memory_space<vmem>>) semaphore(%run_scoped3A_149 : memref<!tpu.dma_semaphore, #tpu.memory_space<semaphore_mem>>) {add = true}
        %dma_wait3A_160 = arith.constant 256 : i32
        %dma_wait3A_161 = arith.constant 0 : i32
        %dma_wait3A_162 = tpu.memref_slice %arg10[%run_scoped3A_143, %dma_wait3A_160, %dma_wait3A_161] : memref<2x512x8xf32, #tpu.memory_space<vmem>> -> memref<1x128x8xf32, #tpu.memory_space<vmem>>
        %dma_wait3A_163 = tpu.memref_squeeze %dma_wait3A_162 : memref<1x128x8xf32, #tpu.memory_space<vmem>> -> memref<128x8xf32, #tpu.memory_space<vmem>>
        %dma_wait3A_164 = arith.constant 0 : i32
        %dma_wait3A_165 = tpu.memref_slice %arg9[%run_scoped3A_144, %run_scoped3A_145, %dma_wait3A_164] : memref<2x4x128xi32, #tpu.memory_space<vmem>> -> memref<1x1x128xi32, #tpu.memory_space<vmem>>
        %dma_wait3A_166 = tpu.memref_squeeze %dma_wait3A_165 : memref<1x1x128xi32, #tpu.memory_space<vmem>> -> memref<128xi32, #tpu.memory_space<vmem>>
        %dma_wait3A_167 = arith.constant 0 : i32
        %dma_wait3A_168 = arith.constant 0 : i32
        %dma_wait3A_169 = tpu.memref_slice %arg7[%dma_wait3A_167, %dma_wait3A_168] : memref<100352x8xf32, #tpu.memory_space<vmem_shared>> -> memref<100352x8xf32, #tpu.memory_space<vmem_shared>>
        tpu.wait_indirect_dma semaphore(%run_scoped3A_149 : memref<!tpu.dma_semaphore, #tpu.memory_space<semaphore_mem>>) src(%dma_wait3A_163 : memref<128x8xf32, #tpu.memory_space<vmem>>) dst(%dma_wait3A_169 : memref<100352x8xf32, #tpu.memory_space<vmem_shared>>)
        tpu.yield
      }) : () -> ()
      %run_scoped3A_146 = arith.constant 0 : i32
      %run_scoped3A_147 = arith.constant 0 : i32
      %run_scoped3A_148 = arith.constant 3 : i32
      "tpu.region"() ({
        %run_scoped3A_149 = tpu.sem_alloc : memref<!tpu.dma_semaphore, #tpu.memory_space<semaphore_mem>>
        %dma_start3A_150 = arith.constant 384 : i32
        %dma_start3A_151 = arith.constant 0 : i32
        %dma_start3A_152 = tpu.memref_slice %arg10[%run_scoped3A_146, %dma_start3A_150, %dma_start3A_151] : memref<2x512x8xf32, #tpu.memory_space<vmem>> -> memref<1x128x8xf32, #tpu.memory_space<vmem>>
        %dma_start3A_153 = tpu.memref_squeeze %dma_start3A_152 : memref<1x128x8xf32, #tpu.memory_space<vmem>> -> memref<128x8xf32, #tpu.memory_space<vmem>>
        %dma_start3A_154 = arith.constant 0 : i32
        %dma_start3A_155 = tpu.memref_slice %arg9[%run_scoped3A_147, %run_scoped3A_148, %dma_start3A_154] : memref<2x4x128xi32, #tpu.memory_space<vmem>> -> memref<1x1x128xi32, #tpu.memory_space<vmem>>
        %dma_start3A_156 = tpu.memref_squeeze %dma_start3A_155 : memref<1x1x128xi32, #tpu.memory_space<vmem>> -> memref<128xi32, #tpu.memory_space<vmem>>
        %dma_start3A_157 = arith.constant 0 : i32
        %dma_start3A_158 = arith.constant 0 : i32
        %dma_start3A_159 = tpu.memref_slice %arg7[%dma_start3A_157, %dma_start3A_158] : memref<100352x8xf32, #tpu.memory_space<vmem_shared>> -> memref<100352x8xf32, #tpu.memory_space<vmem_shared>>
        tpu.enqueue_indirect_dma source(%dma_start3A_153 : memref<128x8xf32, #tpu.memory_space<vmem>>) target(%dma_start3A_159 : memref<100352x8xf32, #tpu.memory_space<vmem_shared>>) offsets(%dma_start3A_156 : memref<128xi32, #tpu.memory_space<vmem>>) semaphore(%run_scoped3A_149 : memref<!tpu.dma_semaphore, #tpu.memory_space<semaphore_mem>>) {add = true}
        %dma_wait3A_160 = arith.constant 384 : i32
        %dma_wait3A_161 = arith.constant 0 : i32
        %dma_wait3A_162 = tpu.memref_slice %arg10[%run_scoped3A_146, %dma_wait3A_160, %dma_wait3A_161] : memref<2x512x8xf32, #tpu.memory_space<vmem>> -> memref<1x128x8xf32, #tpu.memory_space<vmem>>
        %dma_wait3A_163 = tpu.memref_squeeze %dma_wait3A_162 : memref<1x128x8xf32, #tpu.memory_space<vmem>> -> memref<128x8xf32, #tpu.memory_space<vmem>>
        %dma_wait3A_164 = arith.constant 0 : i32
        %dma_wait3A_165 = tpu.memref_slice %arg9[%run_scoped3A_147, %run_scoped3A_148, %dma_wait3A_164] : memref<2x4x128xi32, #tpu.memory_space<vmem>> -> memref<1x1x128xi32, #tpu.memory_space<vmem>>
        %dma_wait3A_166 = tpu.memref_squeeze %dma_wait3A_165 : memref<1x1x128xi32, #tpu.memory_space<vmem>> -> memref<128xi32, #tpu.memory_space<vmem>>
        %dma_wait3A_167 = arith.constant 0 : i32
        %dma_wait3A_168 = arith.constant 0 : i32
        %dma_wait3A_169 = tpu.memref_slice %arg7[%dma_wait3A_167, %dma_wait3A_168] : memref<100352x8xf32, #tpu.memory_space<vmem_shared>> -> memref<100352x8xf32, #tpu.memory_space<vmem_shared>>
        tpu.wait_indirect_dma semaphore(%run_scoped3A_149 : memref<!tpu.dma_semaphore, #tpu.memory_space<semaphore_mem>>) src(%dma_wait3A_163 : memref<128x8xf32, #tpu.memory_space<vmem>>) dst(%dma_wait3A_169 : memref<100352x8xf32, #tpu.memory_space<vmem_shared>>)
        tpu.yield
      }) : () -> ()
    } else {
    }
    %barrier3A_19 = arith.constant 0 : index
    tpu.barrier barrier_id(%barrier3A_19)
    %eq3A_20 = arith.constant 0 : i32
    %eq3A_21 = arith.cmpi eq, %arg0, %eq3A_20 : i32
    %convert_element_type3A_22 = arith.extui %eq3A_21 : i1 to i32
    %cond3A_23 = arith.constant 0 : i32
    %cond3A_24 = arith.cmpi ne, %convert_element_type3A_22, %cond3A_23 : i32
    scf.if %cond3A_24 {
      %mul3A_30 = arith.constant 6272 : i32
      %mul3A_31 = arith.muli %arg1, %mul3A_30 : i32
      %mul3A_32 = arith.constant 6272 : i32
      %mul3A_33 = arith.muli %arg1, %mul3A_32 : i32
      "tpu.region"() ({
        %run_scoped3A = tpu.sem_alloc : memref<!tpu.dma_semaphore, #tpu.memory_space<semaphore_mem>>
        %dma_start3A = arith.constant 0 : i32
        %dma_start3A_34 = tpu.memref_slice %arg5[%mul3A_33, %dma_start3A] : memref<100352x8xf32, #tpu.memory_space<hbm>> -> memref<6272x8xf32, #tpu.memory_space<hbm>>
        %dma_start3A_35 = arith.constant 0 : i32
        %dma_start3A_36 = tpu.memref_slice %arg7[%mul3A_31, %dma_start3A_35] : memref<100352x8xf32, #tpu.memory_space<vmem_shared>> -> memref<6272x8xf32, #tpu.memory_space<vmem_shared>>
        tpu.enqueue_dma source(%dma_start3A_36 : memref<6272x8xf32, #tpu.memory_space<vmem_shared>>) target(%dma_start3A_34 : memref<6272x8xf32, #tpu.memory_space<hbm>>) target_semaphore(%run_scoped3A : memref<!tpu.dma_semaphore, #tpu.memory_space<semaphore_mem>>)
        %dma_wait3A = arith.constant 0 : i32
        %dma_wait3A_37 = tpu.memref_slice %arg5[%mul3A_33, %dma_wait3A] : memref<100352x8xf32, #tpu.memory_space<hbm>> -> memref<6272x8xf32, #tpu.memory_space<hbm>>
        %dma_wait3A_38 = arith.constant 0 : i32
        %dma_wait3A_39 = tpu.memref_slice %arg7[%mul3A_31, %dma_wait3A_38] : memref<100352x8xf32, #tpu.memory_space<vmem_shared>> -> memref<6272x8xf32, #tpu.memory_space<vmem_shared>>
        tpu.wait_dma2 semaphore(%run_scoped3A : memref<!tpu.dma_semaphore, #tpu.memory_space<semaphore_mem>>) src(%dma_wait3A_39 : memref<6272x8xf32, #tpu.memory_space<vmem_shared>>) dst(%dma_wait3A_37 : memref<6272x8xf32, #tpu.memory_space<hbm>>)
        tpu.yield
      }) : () -> ()
    } else {
    }
    %eq3A_25 = arith.constant 1 : i32
    %eq3A_26 = arith.cmpi eq, %arg0, %eq3A_25 : i32
    %convert_element_type3A_27 = arith.extui %eq3A_26 : i1 to i32
    %cond3A_28 = arith.constant 0 : i32
    %cond3A_29 = arith.cmpi ne, %convert_element_type3A_27, %cond3A_28 : i32
    scf.if %cond3A_29 {
      %mul3A_30 = arith.constant 6272 : i32
      %mul3A_31 = arith.muli %arg1, %mul3A_30 : i32
      %mul3A_32 = arith.constant 6272 : i32
      %mul3A_33 = arith.muli %arg1, %mul3A_32 : i32
      "tpu.region"() ({
        %run_scoped3A = tpu.sem_alloc : memref<!tpu.dma_semaphore, #tpu.memory_space<semaphore_mem>>
        %dma_start3A = arith.constant 0 : i32
        %dma_start3A_34 = tpu.memref_slice %arg6[%mul3A_33, %dma_start3A] : memref<100352x8xf32, #tpu.memory_space<hbm>> -> memref<6272x8xf32, #tpu.memory_space<hbm>>
        %dma_start3A_35 = arith.constant 0 : i32
        %dma_start3A_36 = tpu.memref_slice %arg7[%mul3A_31, %dma_start3A_35] : memref<100352x8xf32, #tpu.memory_space<vmem_shared>> -> memref<6272x8xf32, #tpu.memory_space<vmem_shared>>
        tpu.enqueue_dma source(%dma_start3A_36 : memref<6272x8xf32, #tpu.memory_space<vmem_shared>>) target(%dma_start3A_34 : memref<6272x8xf32, #tpu.memory_space<hbm>>) target_semaphore(%run_scoped3A : memref<!tpu.dma_semaphore, #tpu.memory_space<semaphore_mem>>)
        %dma_wait3A = arith.constant 0 : i32
        %dma_wait3A_37 = tpu.memref_slice %arg6[%mul3A_33, %dma_wait3A] : memref<100352x8xf32, #tpu.memory_space<hbm>> -> memref<6272x8xf32, #tpu.memory_space<hbm>>
        %dma_wait3A_38 = arith.constant 0 : i32
        %dma_wait3A_39 = tpu.memref_slice %arg7[%mul3A_31, %dma_wait3A_38] : memref<100352x8xf32, #tpu.memory_space<vmem_shared>> -> memref<6272x8xf32, #tpu.memory_space<vmem_shared>>
        tpu.wait_dma2 semaphore(%run_scoped3A : memref<!tpu.dma_semaphore, #tpu.memory_space<semaphore_mem>>) src(%dma_wait3A_39 : memref<6272x8xf32, #tpu.memory_space<vmem_shared>>) dst(%dma_wait3A_37 : memref<6272x8xf32, #tpu.memory_space<hbm>>)
        tpu.yield
      }) : () -> ()
    } else {
    }
    return
  }
}

module attributes {stable_mosaic.version = 14 : i64} {
  func.func @_tc_body(%arg0: i32, %arg1: memref<2x8x2048xf32, #tpu.memory_space<vmem>>, %arg2: memref<2x64xi32, #tpu.memory_space<vmem>>, %arg3: memref<64x2xi32, #tpu.memory_space<vmem>>, %arg4: memref<3x32xf32, #tpu.memory_space<vmem>>, %arg5: memref<16x3xf32, #tpu.memory_space<vmem>>, %arg6: memref<3x16xf32, #tpu.memory_space<vmem>>, %arg7: memref<32x4xf32, #tpu.memory_space<vmem>>, %arg8: memref<128x4xf32, #tpu.memory_space<vmem>>, %arg9: memref<96x128xf32, #tpu.memory_space<vmem>>, %arg10: memref<32x64xf32, #tpu.memory_space<vmem>>, %arg11: memref<32x1xf32, #tpu.memory_space<vmem>>, %arg12: memref<36x1xf32, #tpu.memory_space<vmem>>, %arg13: memref<1xf32, #tpu.memory_space<smem>>, %arg14: memref<1xi32, #tpu.memory_space<smem>>, %arg15: memref<1x128xf32, #tpu.memory_space<vmem>>, %arg16: memref<8x128xf32, #tpu.memory_space<vmem>>, %arg17: memref<32x128xf32, #tpu.memory_space<vmem>>, %arg18: memref<32x128xf32, #tpu.memory_space<vmem>>) attributes {dimension_semantics = [#tpu.dimension_semantics<arbitrary>], iteration_bounds = array<i64: 49>, scalar_prefetch = 0 : i64, scratch_operands = 3 : i64, tpu.core_type = #tpu.core_type<tc>, window_params = [{transform_indices = @transform_0, window_bounds = array<i64: 2, 8, 2048>}, {pipeline_mode = #tpu.pipeline_mode<synchronous>, transform_indices = @transform_1, window_bounds = array<i64: 2, 64>}, {pipeline_mode = #tpu.pipeline_mode<synchronous>, transform_indices = @transform_2, window_bounds = array<i64: 64, 2>}, {pipeline_mode = #tpu.pipeline_mode<synchronous>, transform_indices = @transform_3, window_bounds = array<i64: 3, 32>}, {pipeline_mode = #tpu.pipeline_mode<synchronous>, transform_indices = @transform_4, window_bounds = array<i64: 16, 3>}, {pipeline_mode = #tpu.pipeline_mode<synchronous>, transform_indices = @transform_5, window_bounds = array<i64: 3, 16>}, {pipeline_mode = #tpu.pipeline_mode<synchronous>, transform_indices = @transform_6, window_bounds = array<i64: 32, 4>}, {pipeline_mode = #tpu.pipeline_mode<synchronous>, transform_indices = @transform_7, window_bounds = array<i64: 128, 4>}, {pipeline_mode = #tpu.pipeline_mode<synchronous>, transform_indices = @transform_8, window_bounds = array<i64: 96, 128>}, {pipeline_mode = #tpu.pipeline_mode<synchronous>, transform_indices = @transform_9, window_bounds = array<i64: 32, 64>}, {pipeline_mode = #tpu.pipeline_mode<synchronous>, transform_indices = @transform_10, window_bounds = array<i64: 32, 1>}, {pipeline_mode = #tpu.pipeline_mode<synchronous>, transform_indices = @transform_11, window_bounds = array<i64: 36, 1>}, {transform_indices = @transform_12, window_bounds = array<i64: 1>}, {transform_indices = @transform_13, window_bounds = array<i64: 1>}, {pipeline_mode = #tpu.pipeline_mode<synchronous>, transform_indices = @transform_14, window_bounds = array<i64: 1, 128>}]} {
    %eq3A = arith.constant 0 : i32
    %eq3A_0 = arith.cmpi eq, %arg0, %eq3A : i32
    %convert_element_type3A = arith.extui %eq3A_0 : i1 to i32
    %cond3A = arith.constant 0 : i32
    %cond3A_1 = arith.cmpi ne, %convert_element_type3A, %cond3A : i32
    scf.if %cond3A_1 {
      %get3A_132 = arith.constant 0 : index
      %get3A_133 = arith.constant 0 : index
      %get3A_134 = vector.load %arg2[%get3A_132, %get3A_133] : memref<2x64xi32, #tpu.memory_space<vmem>>, vector<1x64xi32>
      %get3A_135 = arith.constant 0 : index
      %get3A_136 = arith.constant 1 : index
      %get3A_137 = vector.load %arg3[%get3A_135, %get3A_136] : memref<64x2xi32, #tpu.memory_space<vmem>>, vector<64x1xi32>
      %iota3A_138 = tpu.iota {dimensions = array<i32: 0>} : vector<32x64xi32>
      %eq3A_139 = vector.broadcast %get3A_134 : vector<1x64xi32> to vector<32x64xi32>
      %eq3A_140 = arith.cmpi eq, %iota3A_138, %eq3A_139 : vector<32x64xi32>
      %convert_element_type3A_141 = arith.extui %eq3A_140 : vector<32x64xi1> to vector<32x64xi32>
      %convert_element_type3A_142 = arith.sitofp %convert_element_type3A_141 : vector<32x64xi32> to vector<32x64xf32>
      %iota3A_143 = tpu.iota {dimensions = array<i32: 1>} : vector<64x32xi32>
      %eq3A_144 = vector.broadcast %get3A_137 : vector<64x1xi32> to vector<64x32xi32>
      %eq3A_145 = arith.cmpi eq, %iota3A_143, %eq3A_144 : vector<64x32xi32>
      %convert_element_type3A_146 = arith.extui %eq3A_145 : vector<64x32xi1> to vector<64x32xi32>
      %convert_element_type3A_147 = arith.sitofp %convert_element_type3A_146 : vector<64x32xi32> to vector<64x32xf32>
      %reduce_sum3A_148 = arith.constant dense<0.000000e+00> : vector<32xf32>
      %reduce_sum3A_149 = vector.multi_reduction <add>, %convert_element_type3A_147, %reduce_sum3A_148 [0] : vector<64x32xf32> to vector<32xf32>
      %broadcast_in_dim3A_150 = vector.shape_cast %reduce_sum3A_149 : vector<32xf32> to vector<1x32xf32>
      %max3A_151 = arith.constant 1.000000e+00 : f32
      %max3A_152 = vector.broadcast %max3A_151 : f32 to vector<1x32xf32>
      %max3A_153 = arith.maximumf %broadcast_in_dim3A_150, %max3A_152 : vector<1x32xf32>
      %get3A_154 = arith.constant 0 : index
      %get3A_155 = arith.constant 0 : index
      %get3A_156 = vector.load %arg4[%get3A_154, %get3A_155] : memref<3x32xf32, #tpu.memory_space<vmem>>, vector<3x32xf32>
      %dot_general3A_157 = arith.constant dense<0.000000e+00> : vector<3x64xf32>
      %dot_general3A_158 = tpu.matmul %get3A_156, %convert_element_type3A_142, %dot_general3A_157 {dimension_numbers = #tpu.dot_dimension_numbers<[1], [0], [0], [1], [0, 0, 1, 1], [], []>, transpose_lhs_hint = false} : vector<3x32xf32>, vector<32x64xf32>, vector<3x64xf32> -> vector<3x64xf32>
      %dot_general3A_159 = arith.constant dense<0.000000e+00> : vector<3x32xf32>
      %dot_general3A_160 = tpu.matmul %dot_general3A_158, %convert_element_type3A_147, %dot_general3A_159 {dimension_numbers = #tpu.dot_dimension_numbers<[1], [0], [0], [1], [0, 0, 1, 1], [], []>, transpose_lhs_hint = false} : vector<3x64xf32>, vector<64x32xf32>, vector<3x32xf32> -> vector<3x32xf32>
      %div3A_161 = vector.broadcast %max3A_153 : vector<1x32xf32> to vector<3x32xf32>
      %div3A_162 = arith.divf %dot_general3A_160, %div3A_161 : vector<3x32xf32>
      %get3A_163 = arith.constant 0 : index
      %get3A_164 = arith.constant 0 : index
      %get3A_165 = vector.load %arg5[%get3A_163, %get3A_164] : memref<16x3xf32, #tpu.memory_space<vmem>>, vector<16x3xf32>
      %dot_general3A_166 = arith.constant dense<0.000000e+00> : vector<16x32xf32>
      %dot_general3A_167 = tpu.matmul %get3A_165, %div3A_162, %dot_general3A_166 {dimension_numbers = #tpu.dot_dimension_numbers<[1], [0], [0], [1], [0, 0, 1, 1], [], []>, transpose_lhs_hint = false} : vector<16x3xf32>, vector<3x32xf32>, vector<16x32xf32> -> vector<16x32xf32>
      %max3A_168 = arith.constant 0.000000e+00 : f32
      %max3A_169 = vector.broadcast %max3A_168 : f32 to vector<16x32xf32>
      %max3A_170 = arith.maximumf %dot_general3A_167, %max3A_169 : vector<16x32xf32>
      %dot_general3A_171 = arith.constant dense<0.000000e+00> : vector<16x64xf32>
      %dot_general3A_172 = tpu.matmul %max3A_170, %convert_element_type3A_142, %dot_general3A_171 {dimension_numbers = #tpu.dot_dimension_numbers<[1], [0], [0], [1], [0, 0, 1, 1], [], []>, transpose_lhs_hint = false} : vector<16x32xf32>, vector<32x64xf32>, vector<16x64xf32> -> vector<16x64xf32>
      %dot_general3A_173 = arith.constant dense<0.000000e+00> : vector<16x32xf32>
      %dot_general3A_174 = tpu.matmul %dot_general3A_172, %convert_element_type3A_147, %dot_general3A_173 {dimension_numbers = #tpu.dot_dimension_numbers<[1], [0], [0], [1], [0, 0, 1, 1], [], []>, transpose_lhs_hint = false} : vector<16x64xf32>, vector<64x32xf32>, vector<16x32xf32> -> vector<16x32xf32>
      %div3A_175 = vector.broadcast %max3A_153 : vector<1x32xf32> to vector<16x32xf32>
      %div3A_176 = arith.divf %dot_general3A_174, %div3A_175 : vector<16x32xf32>
      %get3A_177 = arith.constant 0 : index
      %get3A_178 = arith.constant 0 : index
      %get3A_179 = vector.load %arg6[%get3A_177, %get3A_178] : memref<3x16xf32, #tpu.memory_space<vmem>>, vector<3x16xf32>
      %dot_general3A_180 = arith.constant dense<0.000000e+00> : vector<3x32xf32>
      %dot_general3A_181 = tpu.matmul %get3A_179, %div3A_176, %dot_general3A_180 {dimension_numbers = #tpu.dot_dimension_numbers<[1], [0], [0], [1], [0, 0, 1, 1], [], []>, transpose_lhs_hint = false} : vector<3x16xf32>, vector<16x32xf32>, vector<3x32xf32> -> vector<3x32xf32>
      %reduce_sum3A_182 = arith.constant dense<0.000000e+00> : vector<3xf32>
      %reduce_sum3A_183 = vector.multi_reduction <add>, %dot_general3A_181, %reduce_sum3A_182 [1] : vector<3x32xf32> to vector<3xf32>
      %broadcast_in_dim3A_184 = vector.shape_cast %reduce_sum3A_183 : vector<3xf32> to vector<3x1xf32>
      %div3A_185 = arith.constant 3.200000e+01 : f32
      %div3A_186 = vector.broadcast %div3A_185 : f32 to vector<3x1xf32>
      %div3A_187 = arith.divf %broadcast_in_dim3A_184, %div3A_186 : vector<3x1xf32>
      %get3A_188 = arith.constant 0 : index
      %get3A_189 = memref.load %arg13[%get3A_188] : memref<1xf32, #tpu.memory_space<smem>>
      %broadcast_in_dim3A_190 = vector.broadcast %get3A_189 : f32 to vector<1x1xf32>
      %concatenate3A = tpu.concatenate %div3A_187, %broadcast_in_dim3A_190 in 0 : vector<3x1xf32>, vector<1x1xf32> -> vector<4x1xf32>
      %get3A_191 = arith.constant 0 : index
      %get3A_192 = arith.constant 0 : index
      %get3A_193 = vector.load %arg7[%get3A_191, %get3A_192] : memref<32x4xf32, #tpu.memory_space<vmem>>, vector<32x4xf32>
      %dot_general3A_194 = arith.constant dense<0.000000e+00> : vector<32x1xf32>
      %dot_general3A_195 = tpu.matmul %get3A_193, %concatenate3A, %dot_general3A_194 {dimension_numbers = #tpu.dot_dimension_numbers<[1], [0], [0], [1], [0, 0, 1, 1], [], []>, transpose_lhs_hint = false} : vector<32x4xf32>, vector<4x1xf32>, vector<32x1xf32> -> vector<32x1xf32>
      %broadcast_in_dim3A_196 = vector.shape_cast %dot_general3A_195 : vector<32x1xf32> to vector<32x1xf32>
      %broadcast_in_dim3A_197 = vector.broadcast %broadcast_in_dim3A_196 : vector<32x1xf32> to vector<32x128xf32>
      %swap3A_198 = arith.constant 0 : index
      %swap3A_199 = arith.constant 0 : index
      %swap3A_200 = vector.load %arg17[%swap3A_198, %swap3A_199] : memref<32x128xf32, #tpu.memory_space<vmem>>, vector<32x128xf32>
      tpu.vector_store %arg17[%swap3A_198, %swap3A_199], %broadcast_in_dim3A_197 {strides = array<i32>} : memref<32x128xf32, #tpu.memory_space<vmem>>, vector<32x128xf32>,
      %get3A_201 = arith.constant 32 : index
      %get3A_202 = arith.constant 0 : index
      %get3A_203 = vector.load %arg12[%get3A_201, %get3A_202] : memref<36x1xf32, #tpu.memory_space<vmem>>, vector<4x1xf32>
      %mul3A_204 = arith.mulf %concatenate3A, %get3A_203 : vector<4x1xf32>
      %reduce_sum3A_205 = arith.constant dense<0.000000e+00> : vector<1xf32>
      %reduce_sum3A_206 = vector.multi_reduction <add>, %mul3A_204, %reduce_sum3A_205 [0] : vector<4x1xf32> to vector<1xf32>
      %broadcast_in_dim3A_207 = vector.shape_cast %reduce_sum3A_206 : vector<1xf32> to vector<1x1xf32>
      %broadcast_in_dim3A_208 = arith.constant -3.000000e+38 : f32
      %broadcast_in_dim3A_209 = vector.broadcast %broadcast_in_dim3A_208 : f32 to vector<1x128xf32>
      %swap3A_210 = arith.constant 0 : index
      %swap3A_211 = arith.constant 0 : index
      %swap3A_212 = vector.load %arg16[%swap3A_210, %swap3A_211] : memref<8x128xf32, #tpu.memory_space<vmem>>, vector<1x128xf32>
      tpu.vector_store %arg16[%swap3A_210, %swap3A_211], %broadcast_in_dim3A_209 {strides = array<i32>} : memref<8x128xf32, #tpu.memory_space<vmem>>, vector<1x128xf32>,
      %broadcast_in_dim3A_213 = arith.constant 0.000000e+00 : f32
      %broadcast_in_dim3A_214 = vector.broadcast %broadcast_in_dim3A_213 : f32 to vector<1x128xf32>
      %swap3A_215 = arith.constant 1 : index
      %swap3A_216 = arith.constant 0 : index
      %swap3A_217 = vector.load %arg16[%swap3A_215, %swap3A_216] : memref<8x128xf32, #tpu.memory_space<vmem>>, vector<1x128xf32>
      tpu.vector_store %arg16[%swap3A_215, %swap3A_216], %broadcast_in_dim3A_214 {strides = array<i32>} : memref<8x128xf32, #tpu.memory_space<vmem>>, vector<1x128xf32>,
      %broadcast_in_dim3A_218 = arith.constant 0.000000e+00 : f32
      %broadcast_in_dim3A_219 = vector.broadcast %broadcast_in_dim3A_218 : f32 to vector<1x128xf32>
      %swap3A_220 = arith.constant 2 : index
      %swap3A_221 = arith.constant 0 : index
      %swap3A_222 = vector.load %arg16[%swap3A_220, %swap3A_221] : memref<8x128xf32, #tpu.memory_space<vmem>>, vector<1x128xf32>
      tpu.vector_store %arg16[%swap3A_220, %swap3A_221], %broadcast_in_dim3A_219 {strides = array<i32>} : memref<8x128xf32, #tpu.memory_space<vmem>>, vector<1x128xf32>,
      %broadcast_in_dim3A_223 = arith.constant 0.000000e+00 : f32
      %broadcast_in_dim3A_224 = vector.broadcast %broadcast_in_dim3A_223 : f32 to vector<1x128xf32>
      %swap3A_225 = arith.constant 3 : index
      %swap3A_226 = arith.constant 0 : index
      %swap3A_227 = vector.load %arg16[%swap3A_225, %swap3A_226] : memref<8x128xf32, #tpu.memory_space<vmem>>, vector<1x128xf32>
      tpu.vector_store %arg16[%swap3A_225, %swap3A_226], %broadcast_in_dim3A_224 {strides = array<i32>} : memref<8x128xf32, #tpu.memory_space<vmem>>, vector<1x128xf32>,
      %broadcast_in_dim3A_228 = vector.shape_cast %broadcast_in_dim3A_207 : vector<1x1xf32> to vector<1x1xf32>
      %broadcast_in_dim3A_229 = vector.broadcast %broadcast_in_dim3A_228 : vector<1x1xf32> to vector<1x128xf32>
      %swap3A_230 = arith.constant 4 : index
      %swap3A_231 = arith.constant 0 : index
      %swap3A_232 = vector.load %arg16[%swap3A_230, %swap3A_231] : memref<8x128xf32, #tpu.memory_space<vmem>>, vector<1x128xf32>
      tpu.vector_store %arg16[%swap3A_230, %swap3A_231], %broadcast_in_dim3A_229 {strides = array<i32>} : memref<8x128xf32, #tpu.memory_space<vmem>>, vector<1x128xf32>,
      %broadcast_in_dim3A_233 = arith.constant 0.000000e+00 : f32
      %broadcast_in_dim3A_234 = vector.broadcast %broadcast_in_dim3A_233 : f32 to vector<32x128xf32>
      %swap3A_235 = arith.constant 0 : index
      %swap3A_236 = arith.constant 0 : index
      %swap3A_237 = vector.load %arg18[%swap3A_235, %swap3A_236] : memref<32x128xf32, #tpu.memory_space<vmem>>, vector<32x128xf32>
      tpu.vector_store %arg18[%swap3A_235, %swap3A_236], %broadcast_in_dim3A_234 {strides = array<i32>} : memref<32x128xf32, #tpu.memory_space<vmem>>, vector<32x128xf32>,
    } else {
    }
    %get3A = arith.constant 0 : index
    %get3A_2 = arith.constant 0 : index
    %get3A_3 = arith.constant 0 : index
    %get3A_4 = vector.load %arg1[%get3A, %get3A_2, %get3A_3] : memref<2x8x2048xf32, #tpu.memory_space<vmem>>, vector<2x8x2048xf32>
    %slice3A = vector.extract_strided_slice %get3A_4 {offsets = [0, 0, 0], sizes = [1, 8, 2048], strides = [1, 1, 1]} : vector<2x8x2048xf32> to vector<1x8x2048xf32>
    %squeeze3A = vector.shape_cast %slice3A : vector<1x8x2048xf32> to vector<8x2048xf32>
    %slice3A_5 = vector.extract_strided_slice %get3A_4 {offsets = [1, 0, 0], sizes = [1, 8, 2048], strides = [1, 1, 1]} : vector<2x8x2048xf32> to vector<1x8x2048xf32>
    %squeeze3A_6 = vector.shape_cast %slice3A_5 : vector<1x8x2048xf32> to vector<8x2048xf32>
    %add3A = arith.addf %squeeze3A, %squeeze3A_6 : vector<8x2048xf32>
    %slice3A_7 = vector.extract_strided_slice %add3A {offsets = [4, 0], sizes = [1, 2048], strides = [1, 1]} : vector<8x2048xf32> to vector<1x2048xf32>
    %max3A = arith.constant 1.000000e+00 : f32
    %max3A_8 = vector.broadcast %max3A : f32 to vector<1x2048xf32>
    %max3A_9 = arith.maximumf %slice3A_7, %max3A_8 : vector<1x2048xf32>
    %slice3A_10 = vector.extract_strided_slice %add3A {offsets = [0, 0], sizes = [4, 2048], strides = [1, 1]} : vector<8x2048xf32> to vector<4x2048xf32>
    %div3A = vector.broadcast %max3A_9 : vector<1x2048xf32> to vector<4x2048xf32>
    %div3A_11 = arith.divf %slice3A_10, %div3A : vector<4x2048xf32>
    %get3A_12 = arith.constant 0 : index
    %get3A_13 = arith.constant 0 : index
    %get3A_14 = vector.load %arg8[%get3A_12, %get3A_13] : memref<128x4xf32, #tpu.memory_space<vmem>>, vector<128x4xf32>
    %dot_general3A = arith.constant dense<0.000000e+00> : vector<128x2048xf32>
    %dot_general3A_15 = tpu.matmul %get3A_14, %div3A_11, %dot_general3A {dimension_numbers = #tpu.dot_dimension_numbers<[1], [0], [0], [1], [0, 0, 1, 1], [], []>, transpose_lhs_hint = false} : vector<128x4xf32>, vector<4x2048xf32>, vector<128x2048xf32> -> vector<128x2048xf32>
    %max3A_16 = arith.constant 0.000000e+00 : f32
    %max3A_17 = vector.broadcast %max3A_16 : f32 to vector<128x2048xf32>
    %max3A_18 = arith.maximumf %dot_general3A_15, %max3A_17 : vector<128x2048xf32>
    %get3A_19 = arith.constant 0 : index
    %get3A_20 = arith.constant 0 : index
    %get3A_21 = vector.load %arg9[%get3A_19, %get3A_20] : memref<96x128xf32, #tpu.memory_space<vmem>>, vector<96x128xf32>
    %dot_general3A_22 = arith.constant dense<0.000000e+00> : vector<96x2048xf32>
    %dot_general3A_23 = tpu.matmul %get3A_21, %max3A_18, %dot_general3A_22 {dimension_numbers = #tpu.dot_dimension_numbers<[1], [0], [0], [1], [0, 0, 1, 1], [], []>, transpose_lhs_hint = false} : vector<96x128xf32>, vector<128x2048xf32>, vector<96x2048xf32> -> vector<96x2048xf32>
    %max3A_24 = arith.constant 0.000000e+00 : f32
    %max3A_25 = vector.broadcast %max3A_24 : f32 to vector<96x2048xf32>
    %max3A_26 = arith.maximumf %dot_general3A_23, %max3A_25 : vector<96x2048xf32>
    %slice3A_27 = vector.extract_strided_slice %max3A_26 {offsets = [0, 0], sizes = [64, 2048], strides = [1, 1]} : vector<96x2048xf32> to vector<64x2048xf32>
    %slice3A_28 = vector.extract_strided_slice %max3A_26 {offsets = [64, 0], sizes = [32, 2048], strides = [1, 1]} : vector<96x2048xf32> to vector<32x2048xf32>
    %get3A_29 = arith.constant 0 : index
    %get3A_30 = arith.constant 0 : index
    %get3A_31 = vector.load %arg10[%get3A_29, %get3A_30] : memref<32x64xf32, #tpu.memory_space<vmem>>, vector<32x64xf32>
    %dot_general3A_32 = arith.constant dense<0.000000e+00> : vector<32x2048xf32>
    %dot_general3A_33 = tpu.matmul %get3A_31, %slice3A_27, %dot_general3A_32 {dimension_numbers = #tpu.dot_dimension_numbers<[1], [0], [0], [1], [0, 0, 1, 1], [], []>, transpose_lhs_hint = false} : vector<32x64xf32>, vector<64x2048xf32>, vector<32x2048xf32> -> vector<32x2048xf32>
    %get3A_34 = arith.constant 0 : index
    %get3A_35 = arith.constant 0 : index
    %get3A_36 = vector.load %arg17[%get3A_34, %get3A_35] : memref<32x128xf32, #tpu.memory_space<vmem>>, vector<32x1xf32>
    %add3A_37 = vector.broadcast %get3A_36 : vector<32x1xf32> to vector<32x2048xf32>
    %add3A_38 = arith.addf %dot_general3A_33, %add3A_37 : vector<32x2048xf32>
    %tanh3A = math.tanh %add3A_38 : vector<32x2048xf32>
    %get3A_39 = arith.constant 0 : index
    %get3A_40 = arith.constant 0 : index
    %get3A_41 = vector.load %arg11[%get3A_39, %get3A_40] : memref<32x1xf32, #tpu.memory_space<vmem>>, vector<32x1xf32>
    %mul3A = vector.broadcast %get3A_41 : vector<32x1xf32> to vector<32x2048xf32>
    %mul3A_42 = arith.mulf %tanh3A, %mul3A : vector<32x2048xf32>
    %reduce_sum3A = arith.constant dense<0.000000e+00> : vector<2048xf32>
    %reduce_sum3A_43 = vector.multi_reduction <add>, %mul3A_42, %reduce_sum3A [0] : vector<32x2048xf32> to vector<2048xf32>
    %broadcast_in_dim3A = vector.shape_cast %reduce_sum3A_43 : vector<2048xf32> to vector<1x2048xf32>
    %mul3A_44 = arith.constant 2048 : i32
    %mul3A_45 = arith.muli %arg0, %mul3A_44 : i32
    %iota3A = tpu.iota {dimensions = array<i32: 1>} : vector<1x2048xi32>
    %add3A_46 = vector.broadcast %mul3A_45 : i32 to vector<1x2048xi32>
    %add3A_47 = arith.addi %add3A_46, %iota3A : vector<1x2048xi32>
    %lt3A = arith.constant 100000 : i32
    %lt3A_48 = vector.broadcast %lt3A : i32 to vector<1x2048xi32>
    %lt3A_49 = arith.cmpi slt, %add3A_47, %lt3A_48 : vector<1x2048xi32>
    %jit3A = arith.constant -1.000000e+30 : f32
    %broadcast_in_dim3A_50 = vector.broadcast %jit3A : f32 to vector<1x2048xf32>
    %select_n3A = arith.select %lt3A_49, %broadcast_in_dim3A, %broadcast_in_dim3A_50 : vector<1x2048xi1>, vector<1x2048xf32>
    %get3A_51 = arith.constant 0 : index
    %get3A_52 = arith.constant 0 : index
    %get3A_53 = vector.load %arg16[%get3A_51, %get3A_52] : memref<8x128xf32, #tpu.memory_space<vmem>>, vector<1x1xf32>
    %reduce_max3A = arith.constant dense<0xFF800000> : vector<1xf32>
    %reduce_max3A_54 = vector.multi_reduction <maximumf>, %select_n3A, %reduce_max3A [1] : vector<1x2048xf32> to vector<1xf32>
    %broadcast_in_dim3A_55 = vector.shape_cast %reduce_max3A_54 : vector<1xf32> to vector<1x1xf32>
    %max3A_56 = arith.maximumf %get3A_53, %broadcast_in_dim3A_55 : vector<1x1xf32>
    %sub3A = arith.subf %get3A_53, %max3A_56 : vector<1x1xf32>
    %exp3A = math.exp %sub3A : vector<1x1xf32>
    %sub3A_57 = vector.broadcast %max3A_56 : vector<1x1xf32> to vector<1x2048xf32>
    %sub3A_58 = arith.subf %select_n3A, %sub3A_57 : vector<1x2048xf32>
    %exp3A_59 = math.exp %sub3A_58 : vector<1x2048xf32>
    %get3A_60 = arith.constant 1 : index
    %get3A_61 = arith.constant 0 : index
    %get3A_62 = vector.load %arg16[%get3A_60, %get3A_61] : memref<8x128xf32, #tpu.memory_space<vmem>>, vector<1x1xf32>
    %mul3A_63 = arith.mulf %get3A_62, %exp3A : vector<1x1xf32>
    %reduce_sum3A_64 = arith.constant dense<0.000000e+00> : vector<1xf32>
    %reduce_sum3A_65 = vector.multi_reduction <add>, %exp3A_59, %reduce_sum3A_64 [1] : vector<1x2048xf32> to vector<1xf32>
    %broadcast_in_dim3A_66 = vector.shape_cast %reduce_sum3A_65 : vector<1xf32> to vector<1x1xf32>
    %add3A_67 = arith.addf %mul3A_63, %broadcast_in_dim3A_66 : vector<1x1xf32>
    %get3A_68 = arith.constant 2 : index
    %get3A_69 = arith.constant 0 : index
    %get3A_70 = vector.load %arg16[%get3A_68, %get3A_69] : memref<8x128xf32, #tpu.memory_space<vmem>>, vector<1x1xf32>
    %mul3A_71 = arith.mulf %get3A_70, %exp3A : vector<1x1xf32>
    %mul3A_72 = arith.mulf %select_n3A, %exp3A_59 : vector<1x2048xf32>
    %reduce_sum3A_73 = arith.constant dense<0.000000e+00> : vector<1xf32>
    %reduce_sum3A_74 = vector.multi_reduction <add>, %mul3A_72, %reduce_sum3A_73 [1] : vector<1x2048xf32> to vector<1xf32>
    %broadcast_in_dim3A_75 = vector.shape_cast %reduce_sum3A_74 : vector<1xf32> to vector<1x1xf32>
    %add3A_76 = arith.addf %mul3A_71, %broadcast_in_dim3A_75 : vector<1x1xf32>
    %get3A_77 = arith.constant 0 : index
    %get3A_78 = memref.load %arg14[%get3A_77] : memref<1xi32, #tpu.memory_space<smem>>
    %eq3A_79 = vector.broadcast %get3A_78 : i32 to vector<1x2048xi32>
    %eq3A_80 = arith.cmpi eq, %add3A_47, %eq3A_79 : vector<1x2048xi32>
    %jit3A_81 = arith.constant 0.000000e+00 : f32
    %broadcast_in_dim3A_82 = vector.broadcast %jit3A_81 : f32 to vector<1x2048xf32>
    %select_n3A_83 = arith.select %eq3A_80, %broadcast_in_dim3A, %broadcast_in_dim3A_82 : vector<1x2048xi1>, vector<1x2048xf32>
    %reduce_sum3A_84 = arith.constant dense<0.000000e+00> : vector<1xf32>
    %reduce_sum3A_85 = vector.multi_reduction <add>, %select_n3A_83, %reduce_sum3A_84 [1] : vector<1x2048xf32> to vector<1xf32>
    %broadcast_in_dim3A_86 = vector.shape_cast %reduce_sum3A_85 : vector<1xf32> to vector<1x1xf32>
    %get3A_87 = arith.constant 3 : index
    %get3A_88 = arith.constant 0 : index
    %get3A_89 = vector.load %arg16[%get3A_87, %get3A_88] : memref<8x128xf32, #tpu.memory_space<vmem>>, vector<1x1xf32>
    %add3A_90 = arith.addf %get3A_89, %broadcast_in_dim3A_86 : vector<1x1xf32>
    %broadcast_in_dim3A_91 = vector.shape_cast %max3A_56 : vector<1x1xf32> to vector<1x1xf32>
    %broadcast_in_dim3A_92 = vector.broadcast %broadcast_in_dim3A_91 : vector<1x1xf32> to vector<1x128xf32>
    %swap3A = arith.constant 0 : index
    %swap3A_93 = arith.constant 0 : index
    %swap3A_94 = vector.load %arg16[%swap3A, %swap3A_93] : memref<8x128xf32, #tpu.memory_space<vmem>>, vector<1x128xf32>
    tpu.vector_store %arg16[%swap3A, %swap3A_93], %broadcast_in_dim3A_92 {strides = array<i32>} : memref<8x128xf32, #tpu.memory_space<vmem>>, vector<1x128xf32>,
    %broadcast_in_dim3A_95 = vector.shape_cast %add3A_67 : vector<1x1xf32> to vector<1x1xf32>
    %broadcast_in_dim3A_96 = vector.broadcast %broadcast_in_dim3A_95 : vector<1x1xf32> to vector<1x128xf32>
    %swap3A_97 = arith.constant 1 : index
    %swap3A_98 = arith.constant 0 : index
    %swap3A_99 = vector.load %arg16[%swap3A_97, %swap3A_98] : memref<8x128xf32, #tpu.memory_space<vmem>>, vector<1x128xf32>
    tpu.vector_store %arg16[%swap3A_97, %swap3A_98], %broadcast_in_dim3A_96 {strides = array<i32>} : memref<8x128xf32, #tpu.memory_space<vmem>>, vector<1x128xf32>,
    %broadcast_in_dim3A_100 = vector.shape_cast %add3A_76 : vector<1x1xf32> to vector<1x1xf32>
    %broadcast_in_dim3A_101 = vector.broadcast %broadcast_in_dim3A_100 : vector<1x1xf32> to vector<1x128xf32>
    %swap3A_102 = arith.constant 2 : index
    %swap3A_103 = arith.constant 0 : index
    %swap3A_104 = vector.load %arg16[%swap3A_102, %swap3A_103] : memref<8x128xf32, #tpu.memory_space<vmem>>, vector<1x128xf32>
    tpu.vector_store %arg16[%swap3A_102, %swap3A_103], %broadcast_in_dim3A_101 {strides = array<i32>} : memref<8x128xf32, #tpu.memory_space<vmem>>, vector<1x128xf32>,
    %broadcast_in_dim3A_105 = vector.shape_cast %add3A_90 : vector<1x1xf32> to vector<1x1xf32>
    %broadcast_in_dim3A_106 = vector.broadcast %broadcast_in_dim3A_105 : vector<1x1xf32> to vector<1x128xf32>
    %swap3A_107 = arith.constant 3 : index
    %swap3A_108 = arith.constant 0 : index
    %swap3A_109 = vector.load %arg16[%swap3A_107, %swap3A_108] : memref<8x128xf32, #tpu.memory_space<vmem>>, vector<1x128xf32>
    tpu.vector_store %arg16[%swap3A_107, %swap3A_108], %broadcast_in_dim3A_106 {strides = array<i32>} : memref<8x128xf32, #tpu.memory_space<vmem>>, vector<1x128xf32>,
    %jit3A_110 = arith.constant 0.000000e+00 : f32
    %broadcast_in_dim3A_111 = vector.shape_cast %lt3A_49 : vector<1x2048xi1> to vector<1x2048xi1>
    %broadcast_in_dim3A_112 = vector.broadcast %broadcast_in_dim3A_111 : vector<1x2048xi1> to vector<32x2048xi1>
    %broadcast_in_dim3A_113 = vector.broadcast %jit3A_110 : f32 to vector<32x2048xf32>
    %select_n3A_114 = arith.select %broadcast_in_dim3A_112, %slice3A_28, %broadcast_in_dim3A_113 : vector<32x2048xi1>, vector<32x2048xf32>
    %get3A_115 = arith.constant 0 : index
    %get3A_116 = arith.constant 0 : index
    %get3A_117 = vector.load %arg18[%get3A_115, %get3A_116] : memref<32x128xf32, #tpu.memory_space<vmem>>, vector<32x128xf32>
    %reduce_sum3A_118 = arith.constant dense<0.000000e+00> : vector<32xf32>
    %reduce_sum3A_119 = vector.multi_reduction <add>, %select_n3A_114, %reduce_sum3A_118 [1] : vector<32x2048xf32> to vector<32xf32>
    %broadcast_in_dim3A_120 = vector.shape_cast %reduce_sum3A_119 : vector<32xf32> to vector<32x1xf32>
    %broadcast_in_dim3A_121 = vector.shape_cast %broadcast_in_dim3A_120 : vector<32x1xf32> to vector<32x1xf32>
    %broadcast_in_dim3A_122 = vector.broadcast %broadcast_in_dim3A_121 : vector<32x1xf32> to vector<32x128xf32>
    %add3A_123 = arith.addf %get3A_117, %broadcast_in_dim3A_122 : vector<32x128xf32>
    %swap3A_124 = arith.constant 0 : index
    %swap3A_125 = arith.constant 0 : index
    %swap3A_126 = vector.load %arg18[%swap3A_124, %swap3A_125] : memref<32x128xf32, #tpu.memory_space<vmem>>, vector<32x128xf32>
    tpu.vector_store %arg18[%swap3A_124, %swap3A_125], %add3A_123 {strides = array<i32>} : memref<32x128xf32, #tpu.memory_space<vmem>>, vector<32x128xf32>,
    %eq3A_127 = arith.constant 48 : i32
    %eq3A_128 = arith.cmpi eq, %arg0, %eq3A_127 : i32
    %convert_element_type3A_129 = arith.extui %eq3A_128 : i1 to i32
    %cond3A_130 = arith.constant 0 : i32
    %cond3A_131 = arith.cmpi ne, %convert_element_type3A_129, %cond3A_130 : i32
    scf.if %cond3A_131 {
      %get3A_132 = arith.constant 0 : index
      %get3A_133 = arith.constant 0 : index
      %get3A_134 = vector.load %arg16[%get3A_132, %get3A_133] : memref<8x128xf32, #tpu.memory_space<vmem>>, vector<1x1xf32>
      %get3A_135 = arith.constant 1 : index
      %get3A_136 = arith.constant 0 : index
      %get3A_137 = vector.load %arg16[%get3A_135, %get3A_136] : memref<8x128xf32, #tpu.memory_space<vmem>>, vector<1x1xf32>
      %get3A_138 = arith.constant 2 : index
      %get3A_139 = arith.constant 0 : index
      %get3A_140 = vector.load %arg16[%get3A_138, %get3A_139] : memref<8x128xf32, #tpu.memory_space<vmem>>, vector<1x1xf32>
      %get3A_141 = arith.constant 3 : index
      %get3A_142 = arith.constant 0 : index
      %get3A_143 = vector.load %arg16[%get3A_141, %get3A_142] : memref<8x128xf32, #tpu.memory_space<vmem>>, vector<1x1xf32>
      %log3A = math.log %get3A_137 : vector<1x1xf32>
      %add3A_144 = arith.addf %get3A_134, %log3A : vector<1x1xf32>
      %div3A_145 = arith.divf %get3A_140, %get3A_137 : vector<1x1xf32>
      %sub3A_146 = arith.subf %add3A_144, %div3A_145 : vector<1x1xf32>
      %sub3A_147 = arith.subf %get3A_143, %add3A_144 : vector<1x1xf32>
      %get3A_148 = arith.constant 0 : index
      %get3A_149 = arith.constant 0 : index
      %get3A_150 = vector.load %arg18[%get3A_148, %get3A_149] : memref<32x128xf32, #tpu.memory_space<vmem>>, vector<32x1xf32>
      %div3A_151 = arith.constant 1.000000e+05 : f32
      %div3A_152 = vector.broadcast %div3A_151 : f32 to vector<32x1xf32>
      %div3A_153 = arith.divf %get3A_150, %div3A_152 : vector<32x1xf32>
      %get3A_154 = arith.constant 0 : index
      %get3A_155 = arith.constant 0 : index
      %get3A_156 = vector.load %arg12[%get3A_154, %get3A_155] : memref<36x1xf32, #tpu.memory_space<vmem>>, vector<32x1xf32>
      %mul3A_157 = arith.mulf %div3A_153, %get3A_156 : vector<32x1xf32>
      %reduce_sum3A_158 = arith.constant dense<0.000000e+00> : vector<1xf32>
      %reduce_sum3A_159 = vector.multi_reduction <add>, %mul3A_157, %reduce_sum3A_158 [0] : vector<32x1xf32> to vector<1xf32>
      %broadcast_in_dim3A_160 = vector.shape_cast %reduce_sum3A_159 : vector<1xf32> to vector<1x1xf32>
      %get3A_161 = arith.constant 4 : index
      %get3A_162 = arith.constant 0 : index
      %get3A_163 = vector.load %arg16[%get3A_161, %get3A_162] : memref<8x128xf32, #tpu.memory_space<vmem>>, vector<1x1xf32>
      %add3A_164 = arith.addf %broadcast_in_dim3A_160, %get3A_163 : vector<1x1xf32>
      %iota3A_165 = tpu.iota {dimensions = array<i32: 1>} : vector<1x128xi32>
      %eq3A_166 = arith.constant 0 : i32
      %eq3A_167 = vector.broadcast %eq3A_166 : i32 to vector<1x128xi32>
      %eq3A_168 = arith.cmpi eq, %iota3A_165, %eq3A_167 : vector<1x128xi32>
      %broadcast_in_dim3A_169 = vector.shape_cast %sub3A_147 : vector<1x1xf32> to vector<1x1xf32>
      %broadcast_in_dim3A_170 = vector.broadcast %broadcast_in_dim3A_169 : vector<1x1xf32> to vector<1x128xf32>
      %jit3A_171 = arith.constant 0.000000e+00 : f32
      %broadcast_in_dim3A_172 = vector.broadcast %jit3A_171 : f32 to vector<1x128xf32>
      %select_n3A_173 = arith.select %eq3A_168, %broadcast_in_dim3A_170, %broadcast_in_dim3A_172 : vector<1x128xi1>, vector<1x128xf32>
      %eq3A_174 = arith.constant 1 : i32
      %eq3A_175 = vector.broadcast %eq3A_174 : i32 to vector<1x128xi32>
      %eq3A_176 = arith.cmpi eq, %iota3A_165, %eq3A_175 : vector<1x128xi32>
      %broadcast_in_dim3A_177 = vector.shape_cast %add3A_164 : vector<1x1xf32> to vector<1x1xf32>
      %broadcast_in_dim3A_178 = vector.broadcast %broadcast_in_dim3A_177 : vector<1x1xf32> to vector<1x128xf32>
      %jit3A_179 = arith.constant 0.000000e+00 : f32
      %broadcast_in_dim3A_180 = vector.broadcast %jit3A_179 : f32 to vector<1x128xf32>
      %select_n3A_181 = arith.select %eq3A_176, %broadcast_in_dim3A_178, %broadcast_in_dim3A_180 : vector<1x128xi1>, vector<1x128xf32>
      %add3A_182 = arith.addf %select_n3A_173, %select_n3A_181 : vector<1x128xf32>
      %eq3A_183 = arith.constant 2 : i32
      %eq3A_184 = vector.broadcast %eq3A_183 : i32 to vector<1x128xi32>
      %eq3A_185 = arith.cmpi eq, %iota3A_165, %eq3A_184 : vector<1x128xi32>
      %broadcast_in_dim3A_186 = vector.shape_cast %sub3A_146 : vector<1x1xf32> to vector<1x1xf32>
      %broadcast_in_dim3A_187 = vector.broadcast %broadcast_in_dim3A_186 : vector<1x1xf32> to vector<1x128xf32>
      %jit3A_188 = arith.constant 0.000000e+00 : f32
      %broadcast_in_dim3A_189 = vector.broadcast %jit3A_188 : f32 to vector<1x128xf32>
      %select_n3A_190 = arith.select %eq3A_185, %broadcast_in_dim3A_187, %broadcast_in_dim3A_189 : vector<1x128xi1>, vector<1x128xf32>
      %add3A_191 = arith.addf %add3A_182, %select_n3A_190 : vector<1x128xf32>
      %swap3A_192 = arith.constant 0 : index
      %swap3A_193 = arith.constant 0 : index
      %swap3A_194 = vector.load %arg15[%swap3A_192, %swap3A_193] : memref<1x128xf32, #tpu.memory_space<vmem>>, vector<1x128xf32>
      tpu.vector_store %arg15[%swap3A_192, %swap3A_193], %add3A_191 {strides = array<i32>} : memref<1x128xf32, #tpu.memory_space<vmem>>, vector<1x128xf32>,
    } else {
    }
    return
  }
  func.func @transform_0(%arg0: i32) -> (i32, i32, i32) {
    %c0_i32 = arith.constant 0 : i32
    %c0_i32_0 = arith.constant 0 : i32
    %c0_i32_1 = arith.constant 0 : i32
    return %c0_i32, %c0_i32_0, %arg0 : i32, i32, i32
  }
  func.func @transform_1(%arg0: i32) -> (i32, i32) {
    %c0_i32 = arith.constant 0 : i32
    %c0_i32_0 = arith.constant 0 : i32
    %c0_i32_1 = arith.constant 0 : i32
    return %c0_i32, %c0_i32_0 : i32, i32
  }
  func.func @transform_2(%arg0: i32) -> (i32, i32) {
    %c0_i32 = arith.constant 0 : i32
    %c0_i32_0 = arith.constant 0 : i32
    %c0_i32_1 = arith.constant 0 : i32
    return %c0_i32, %c0_i32_0 : i32, i32
  }
  func.func @transform_3(%arg0: i32) -> (i32, i32) {
    %c0_i32 = arith.constant 0 : i32
    %c0_i32_0 = arith.constant 0 : i32
    %c0_i32_1 = arith.constant 0 : i32
    return %c0_i32, %c0_i32_0 : i32, i32
  }
  func.func @transform_4(%arg0: i32) -> (i32, i32) {
    %c0_i32 = arith.constant 0 : i32
    %c0_i32_0 = arith.constant 0 : i32
    %c0_i32_1 = arith.constant 0 : i32
    return %c0_i32, %c0_i32_0 : i32, i32
  }
  func.func @transform_5(%arg0: i32) -> (i32, i32) {
    %c0_i32 = arith.constant 0 : i32
    %c0_i32_0 = arith.constant 0 : i32
    %c0_i32_1 = arith.constant 0 : i32
    return %c0_i32, %c0_i32_0 : i32, i32
  }
  func.func @transform_6(%arg0: i32) -> (i32, i32) {
    %c0_i32 = arith.constant 0 : i32
    %c0_i32_0 = arith.constant 0 : i32
    %c0_i32_1 = arith.constant 0 : i32
    return %c0_i32, %c0_i32_0 : i32, i32
  }
  func.func @transform_7(%arg0: i32) -> (i32, i32) {
    %c0_i32 = arith.constant 0 : i32
    %c0_i32_0 = arith.constant 0 : i32
    %c0_i32_1 = arith.constant 0 : i32
    return %c0_i32, %c0_i32_0 : i32, i32
  }
  func.func @transform_8(%arg0: i32) -> (i32, i32) {
    %c0_i32 = arith.constant 0 : i32
    %c0_i32_0 = arith.constant 0 : i32
    %c0_i32_1 = arith.constant 0 : i32
    return %c0_i32, %c0_i32_0 : i32, i32
  }
  func.func @transform_9(%arg0: i32) -> (i32, i32) {
    %c0_i32 = arith.constant 0 : i32
    %c0_i32_0 = arith.constant 0 : i32
    %c0_i32_1 = arith.constant 0 : i32
    return %c0_i32, %c0_i32_0 : i32, i32
  }
  func.func @transform_10(%arg0: i32) -> (i32, i32) {
    %c0_i32 = arith.constant 0 : i32
    %c0_i32_0 = arith.constant 0 : i32
    %c0_i32_1 = arith.constant 0 : i32
    return %c0_i32, %c0_i32_0 : i32, i32
  }
  func.func @transform_11(%arg0: i32) -> (i32, i32) {
    %c0_i32 = arith.constant 0 : i32
    %c0_i32_0 = arith.constant 0 : i32
    %c0_i32_1 = arith.constant 0 : i32
    return %c0_i32, %c0_i32_0 : i32, i32
  }
  func.func @transform_12(%arg0: i32) -> i32 {
    %c0_i32 = arith.constant 0 : i32
    %c0_i32_0 = arith.constant 0 : i32
    return %c0_i32 : i32
  }
  func.func @transform_13(%arg0: i32) -> i32 {
    %c0_i32 = arith.constant 0 : i32
    %c0_i32_0 = arith.constant 0 : i32
    return %c0_i32 : i32
  }
  func.func @transform_14(%arg0: i32) -> (i32, i32) {
    %c0_i32 = arith.constant 0 : i32
    %c0_i32_0 = arith.constant 0 : i32
    %c0_i32_1 = arith.constant 0 : i32
    return %c0_i32, %c0_i32_0 : i32, i32
  }
}

</mosaic_0001>

<sc_bundles>
// kernel: kernel.4.cloned.1.call-start
scs
__scs_entry_jumppad:
0x0: {  	(pc) =	sbr.rel $0x88, $3  }
0x1: {  	(tag) =	ssettag $0x0;
	lr =	simm.s32 $0x1  }
0x2: {  	[smem:$0x3F91] =	sst lr;
	_ =	strace $0xD0000000  }
0x3: {  	_ = 	snop  }
0x4: {  	_ = 	snop  }
0x5: {  	_ = 	snop  }
0x6: {  	_ = 	snop  }
0x7: {  	_ = 	snop  }
__scs_overlays_trampoline_lowered:
0x8: {  	[smem:$0x3FA0] =	sst s0  }
0x9: {  	[smem:$0x3FA1] =	sst s1  }
0xa: {  	[smem:$0x3FA2] =	sst s2  }
0xb: {  	[smem:$0x3FA3] =	sst s3  }
0xc: {  	[smem:$0x3FA4] =	sst s4  }
0xd: {  	[smem:$0x3FA5] =	sst s5  }
0xe: {  	[smem:$0x3FA6] =	sst s6  }
0xf: {  	[smem:$0x3FA7] =	sst s7  }
0x10: {  	[smem:$0x3FA8] =	sst s8  }
0x11: {  	[smem:$0x3FA9] =	sst s9;
	s0 =	simm.s32 @!p0 $0x0  }
0x12: {  	s1 =	sld [smem:$0x3F8F];
	s0 =	simm.s32 @p0 $0x1  }
0x13: {  	[smem:$0x3FAA] =	sst s0;
	s0 =	simm.s32 @!p1 $0x0  }
0x14: {  	s2 =	sld [smem:$0x3F8E];
	s0 =	simm.s32 @p1 $0x1  }
0x15: {  	[smem:$0x3FAB] =	sst s0;
	s0 =	simm.s32 @!p2 $0x0  }
0x16: {  	s3 =	sld [smem:$0x3FDB];
	s0 =	simm.s32 @p2 $0x1  }
0x17: {  	s4 =	simm.s32 $0x1BF5;
	[smem:$0x3FAD] =	sst s0  }
0x18: {  	s0 =	sld [smem:$0x3F90];
	_ =	swait.ge [sflag:s4], $0x0  }
0x19: {  	s7 =	sld [smem:$0x3F91]  }
0x1a: {  	s8 =	sadd.s32 $0xFFFFE003, lr  }
0x1b: {  	s9 =	sadd.s32 $0xFFFFFEF7, lr;
	s5 =	simm.s32 $0xFFFFFFFF;
	p2 =	slt.u32 s8, $0xFFFFF086  }
0x1c: {  	p1 =	slt.u32 s9, $0xF7A;
	s5 =	simm.s32 @!p2 $0x0  }
0x1d: {  	s5 =	simm.s32 @p1 $0x1;
	p0 =	seq.s32 s7, s2  }
0x1e: {  	s7 =	smul.u32 @!p0 $0xF7A, s2;
	p2 =	seq.s32 @!p0 s5, $0x0  }
0x1f: {  	s9 =	smul.u32 $0xF7A, s1;
	s8 =	simm.s32 @!p0 $0x1BF5;
	p2 =	por !p2, p0  }
0x20: {  	[sflag:s8] =	ssyncset.s32 @!p0 $0xFFFFF086;
	s6 =	sadd.s32 @!p0 s3, s7;
	s7 =	simm.s32 @!p0 $0x108  }
0x21: {  	s3 =	sadd.s32 s3, s9;
	s6 =	sadd.s32 @!p0 $0x88, s6;
	s7 =	simm.s32 @p2 $0x1082  }
0x22: {  	[simem:s7], [sflag:s8] =	dma.local @!p0 [hbm:s6], $0xF7A  }
0x23: {  	s9 =	sor.u32 $0xD0000000, s2;
	s6 =	simm.s32 $0x108;
	_ =	swait.ge @!p0 [sflag:s8], $0x0  }
0x24: {  	s3 =	sadd.s32 $0x88, s3;
	s6 =	simm.s32 @!p1 $0x1082;
	[sflag:s4] =	ssyncset.s32 $0xFFFFF086  }
0x25: {  	[simem:s6], [sflag:s4] =	dma.local [hbm:s3], $0xF7A  }
0x26: {  	[smem:$0x3F91] =	sst s1;
	(tag) =	ssettag s2;
	_ =	strace s9  }
0x27: {  	s1 =	sld [smem:$0x3FA1]  }
0x28: {  	s2 =	sld [smem:$0x3FA2]  }
0x29: {  	s4 =	sld [smem:$0x3FA4]  }
0x2a: {  	p0 =	seq.s32 s5, $0x0;
	s5 =	sld [smem:$0x3FA5]  }
0x2b: {  	s6 =	sld [smem:$0x3FA6]  }
0x2c: {  	s7 =	sld [smem:$0x3FA7]  }
0x2d: {  	s3 =	simm.s32 $0x108;
	s8 =	sld [smem:$0x3FA8]  }
0x2e: {  	s3 =	simm.s32 @!p0 $0x1082;
	s9 =	sld [smem:$0x3FA9]  }
0x2f: {  	lr =	sadd.s32 s0, s3;
	s0 =	sld [smem:$0x3FA0]  }
0x30: {  	s3 =	sld [smem:$0x3FA3]  }
0x31: {  	[smem:$0x3FAC] =	sst s10  }
0x32: {  	s10 =	sld [smem:$0x3FAA];
	_ =	sdelay $0x3  }
0x33: {  	p0 =	seq.s32 s10, $0x1;
	s10 =	sld [smem:$0x3FAC];
	_ =	sdelay $0x3  }
0x34: {  	[smem:$0x3FAC] =	sst s10  }
0x35: {  	s10 =	sld [smem:$0x3FAB];
	_ =	sdelay $0x3  }
0x36: {  	p1 =	seq.s32 s10, $0x1;
	s10 =	sld [smem:$0x3FAC];
	_ =	sdelay $0x3  }
0x37: {  	[smem:$0x3FAC] =	sst s10  }
0x38: {  	s10 =	sld [smem:$0x3FAD]  }
0x39: {  	_ = 	snop;
	(pc) =	sbr.ind lr, $3  }
0x3a: {  	_ = 	snop  }
0x3b: {  	_ = 	snop  }
0x3c: {  	p2 =	seq.s32 s10, $0x1;
	s10 =	sld [smem:$0x3FAC]  }
0x3d: {  	_ =	shalt  }
0x3e: {  	_ =	shalt  }
0x3f: {  	_ =	shalt  }
0x40: {  	_ =	shalt  }
0x41: {  	_ =	shalt  }
0x42: {  	_ =	shalt  }
0x43: {  	_ =	shalt  }
0x44: {  	_ =	shalt  }
0x45: {  	_ =	shalt  }
0x46: {  	_ =	shalt  }
0x47: {  	_ =	shalt  }
0x48: {  	_ =	shalt  }
0x49: {  	_ =	shalt  }
0x4a: {  	_ =	shalt  }
0x4b: {  	_ =	shalt  }
0x4c: {  	_ =	shalt  }
0x4d: {  	_ =	shalt  }
0x4e: {  	_ =	shalt  }
0x4f: {  	_ =	shalt  }
0x50: {  	_ =	shalt  }
0x51: {  	_ =	shalt  }
0x52: {  	_ =	shalt  }
0x53: {  	_ =	shalt  }
0x54: {  	_ =	shalt  }
0x55: {  	_ =	shalt  }
0x56: {  	_ =	shalt  }
0x57: {  	_ =	shalt  }
0x58: {  	_ =	shalt  }
0x59: {  	_ =	shalt  }
0x5a: {  	_ =	shalt  }
0x5b: {  	_ =	shalt  }
0x5c: {  	_ =	shalt  }
0x5d: {  	_ =	shalt  }
0x5e: {  	_ =	shalt  }
0x5f: {  	_ =	shalt  }
0x60: {  	_ =	shalt  }
0x61: {  	_ =	shalt  }
0x62: {  	_ =	shalt  }
0x63: {  	_ =	shalt  }
0x64: {  	_ =	shalt  }
0x65: {  	_ =	shalt  }
0x66: {  	_ =	shalt  }
0x67: {  	_ =	shalt  }
0x68: {  	_ =	shalt  }
0x69: {  	_ =	shalt  }
0x6a: {  	_ =	shalt  }
0x6b: {  	_ =	shalt  }
0x6c: {  	_ =	shalt  }
0x6d: {  	_ =	shalt  }
0x6e: {  	_ =	shalt  }
0x6f: {  	_ =	shalt  }
0x70: {  	_ =	shalt  }
0x71: {  	_ =	shalt  }
0x72: {  	_ =	shalt  }
0x73: {  	_ =	shalt  }
0x74: {  	_ =	shalt  }
0x75: {  	_ =	shalt  }
0x76: {  	_ =	shalt  }
0x77: {  	_ =	shalt  }
0x78: {  	_ =	shalt  }
0x79: {  	_ =	shalt  }
0x7a: {  	_ =	shalt  }
0x7b: {  	_ =	shalt  }
0x7c: {  	_ =	shalt  }
0x7d: {  	_ =	shalt  }
0x7e: {  	_ =	shalt  }
0x7f: {  	_ =	shalt  }
0x80: {  	_ =	shalt  }
0x81: {  	_ =	shalt  }
0x82: {  	_ =	shalt  }
0x83: {  	_ =	shalt  }
0x84: {  	_ =	shalt  }
0x85: {  	_ =	shalt  }
0x86: {  	_ =	shalt  }
0x87: {  	_ =	shalt  }
.Lfunc_end0:
.L_simem_size_0:
called_computation_lowered:
.L_overlay_start_0:
0x88: {  	s2 =	sld [smem:$0x3FD9]  }
0x89: {  	s3 =	sld [smem:$0x3FFE];
	_ =	sdelay $0x1  }
0x8a: {  	s1 =	srdreg.scid  }
0x8b: {  	s0 =	sand.u32 $0x1, s1  }
0x8c: {  	s16 =	sshll.u32 s0, $0xA;
	s2 =	sadd.s32 s3, s2  }
0x8d: {  	s2 =	sadd.s32 s2, s16  }
0x8e: {  	[smem:$0x3FB8] =	sst s2  }
0x8f: {  	_ = 	snop  }
0x90: {  	(tm) =	ssettm $0x1  }
0x91: {  	s17 =	sld [smem:$0x3FFB];
	_ =	sdelay $0x3  }
0x92: {  	_ =	strace s17  }
0x93: {  	s2 =	sld [smem:$0x3FFC];
	_ =	sdelay $0x3  }
0x94: {  	_ =	strace s2  }
0x95: {  	s2 =	sld [smem:$0x3FFD];
	_ =	sdelay $0x3  }
0x96: {  	_ =	strace s2  }
0x97: {  	_ =	strace $0x8FFFFFFF  }
0x98: {  	s18 =	sld [smem:$0x3FDB];
	_ =	sdelay $0x1  }
0x99: {  	s19 =	simm.s32 $_scs_section_size  }
0x9a: {  	s4 =	simm.s32 $_size__tile_overlayer_lowered;
	s5 =	simm.s32 $_tile_overlayer_lowered  }
0x9b: {  	s22 =	simm.s32 $0x1BFF;
	s21 =	sshll.u32 s5, $0x1;
	s2 =	sadd.s32 s19, s18  }
0x9c: {  	s6 =	simm.s32 $0x0;
	s20 =	sshll.u32 s4, $0x1;
	s4 =	sadd.s32 s21, s2  }
0x9d: {  	[timem:s6], [sflag:s22] =	dma.local [hbm:s4], s20  }
0x9e: {  	_ =	swait.ge [sflag:s22], s20  }
0x9f: {  	s3 =	ssub.s32 $0x0, s20;
	[sflag:s22] =	ssyncset.done $0x0  }
0xa0: {  	[sflag:s22] =	ssyncadd.s32 s3;
	_ =	sdelay $0x1  }
0xa1: {  	s23 =	simm.s32 $0x1B8B  }
0xa2: {  	_ =	swait.ge [sflag:s23], $0x1  }
0xa3: {  	[sflag:s23] =	ssyncset.done $0x0  }
0xa4: {  	s25 =	simm.s32 $0x1B8E;
	s24 =	sld [smem:$0x3FFE];
	[sflag:s23] =	ssyncadd.s32 $0xFFFFFFFF  }
0xa5: {  	s26 =	simm.s32 $execute0_lowered;
	[smem:$0x3FD2] =	sst s25  }
0xa6: {  	s4 =	sshll.u32 s26, $0x1;
	_ =	strace $0x80000046;
	[dreg:$0x1] =	wrdreg $0xFFFFFFFF  }
0xa7: {  	s28 =	simm.s32 $_size_execute0_lowered;
	s2 =	sadd.s32 s2, s4;
	[dreg:$0x0] =	wrdreg $0x0  }
0xa8: {  	s4 =	sshll.u32 s28, $0x1;
	[dreg:$0x2] =	wrdreg s2  }
0xa9: {  	[dreg:$0x3] =	wrdreg s4  }
0xaa: {  	[dreg:$0x4] =	wrdreg $0xC0  }
0xab: {  	_ =	task [dreg:s6], $0x5FFFF  }
0xac: {  	[dreg:$0x1] =	wrdreg $0xFFFFFFFF  }
0xad: {  	[dreg:$0x0] =	wrdreg $0x60  }
0xae: {  	[dreg:$0x2] =	wrdreg s24  }
0xaf: {  	[dreg:$0x3] =	wrdreg $0x0  }
0xb0: {  	[dreg:$0x4] =	wrdreg $0x9  }
0xb1: {  	_ =	task.clear_ibuf [dreg:s6], $0x5FFFF;
	_ =	strace $0x90000046  }
0xb2: {  	s29 =	simm.s32 $0x9;
	_ =	strace $0x80000048  }
0xb3: {  	_ =	swait.ge [sflag:s29], $0x1  }
0xb4: {  	[sflag:s29] =	ssyncadd.s32 $0xFFFFFFFF  }
0xb5: {  	_ =	strace $0x90000048  }
0xb6: {  	_ =	sfence  }
0xb7: {  	s30 =	sld [smem:$0x0];
	_ =	sdelay $0x2  }
0xb8: {  	s31 =	sshll.u32 s1, $0xD;
	s1 =	sshrl.u32 s1, $0x2  }
0xb9: {  	s3 =	sand.u32 $0x4000, s31;
	s1 =	sadd.s32 s1, s30  }
0xba: {  	s0 =	sor.u32 s3, s0;
	s1 =	sshll.u32 s1, $0x11  }
0xbb: {  	s0 =	sor.u32 s1, s0  }
0xbc: {  	s0 =	sadd.s32 $0x8F2B, s0  }
0xbd: {  	[sflag:s0] =	ssyncadd.remote.s32 $0x1  }
0xbe: {  	_ =	sfence.sel $0xFFFF  }
0xbf: {  	[dreg:$0x0] =	wrdreg $0xFFFFFFFF;
	(pc) =	sbr.abs _section_cstart, $3  }
0xc0: {  	[dreg:$0x1] =	wrdreg $0xFFFFFFFF  }
0xc1: {  	_ =	task.clear_ibuf [dreg:s6], $0x2FFFF;
	_ =	strace $0x9FFFFFFF  }
0xc2: {  	(tm) =	ssettm $0x7FFFFFFF  }
0xc3: {  	_ =	shalt  }
tec
execute0_lowered:
.L_overlay_start_1:
0x0: {  	(tag) =	ssettag $0x1  }
0x1: {  	s0 =	rddreg [dreg:$0x0]  }
0x2: {  	s1 =	rddreg [dreg:$0x1];
	s2 =	simm.s32 $0x0;
	s4 =	srdreg.scid  }
0x3: {  	s9 =	stileid.u32;
	s11 =	simm.s32 $0x2B;
	s17 =	simm.s32 $0xC480  }
0x4: {  	s18 =	simm.s32 $0xC500;
	s19 =	simm.s32 $0xC580;
	s20 =	simm.s32 $0xC680  }
0x5: {  	s21 =	simm.s32 $0xC700;
	[smem:$0x7FF] =	sst s2;
	s6 =	sadd.s32 $0x64E00, s0  }
0x6: {  	s24 =	sadd.s32 $0x33F00, s0;
	_ =	strace $0x80000047;
	[dreg:$0xd] =	wrdreg s6  }
0x7: {  	s28 =	simm.s32 $0xDC00;
	s25 =	sadd.s32 $0x64C40, s0;
	[dreg:$0xf] =	wrdreg s24  }
0x8: {  	s29 =	simm.s32 $0xE000;
	s30 =	simm.s32 $0xE400;
	[dreg:$0x10] =	wrdreg s25  }
0x9: {  	s31 =	simm.s32 $0xE800;
	s3 =	sadd.s32 $0x189C00, s0;
	[dreg:$0x3] =	wrdreg s17  }
0xa: {  	s4 =	sand.u32 $0x1, s4;
	s5 =	sadd.s32 $0x3200, s0;
	[dreg:$0x4] =	wrdreg s18  }
0xb: {  	s23 =	smul.u32 $0xC400, s9;
	s22 =	ssub.s32 $0x2, s4;
	[dreg:$0x5] =	wrdreg s19  }
0xc: {  	s8 =	sshll.u32 s4, $0x4;
	s17 =	simm.s32 $0x3;
	[dreg:$0x6] =	wrdreg s20  }
0xd: {  	s18 =	simm.s32 $0xC400;
	[dreg:$0x7] =	wrdreg s21;
	s19 =	simm.s32 $0xC800  }
0xe: {  	s20 =	simm.s32 $0x80;
	s24 =	simm.s32 $0xC900;
	s21 =	simm.s32 $0xCC00  }
0xf: {  	s25 =	simm.s32 $0xC980;
	s7 =	sshrl.u32 s22, $0x1;
	[dreg:$0xa] =	wrdreg s24  }
0x10: {  	s10 =	sadd.s32 s23, s1;
	s26 =	sshrl.u32 s23, $0x3;
	[dreg:$0xb] =	wrdreg s25  }
0x11: {  	s24 =	simm.s32 $0xD800;
	s25 =	simm.s32 $0xC600;
	s6 =	ssub.s32 s22, s7  }
0x12: {  	s7 =	sor.u32 s9, s8;
	s9 =	sshll.u32 s9, $0x6;
	s10 =	sshrl.u32 s10, $0x3  }
0x13: {  	s22 =	simm.s32 $0xC780;
	p0 =	seq.s32 s7, $0x1F;
	s12 =	sor.u32 $0x1C03, s9  }
0x14: {  	s9 =	simm.s32 $0x7F000;
	s6 =	smax.u32 s6, $0x1;
	[dreg:$0x8] =	wrdreg s22  }
0x15: {  	s22 =	simm.s32 $0xD000;
	[dreg:$0x17] =	wrdreg s10;
	s11 =	simm.s32 @!p0 $0x31  }
0x16: {  	p0 =	seq.s32 s4, $0x1;
	s4 =	smul.u32 $0xC4000, s4;
	[dreg:$0x11] =	wrdreg s6  }
0x17: {  	[dreg:$0xe] =	wrdreg s11;
	s9 =	simm.s32 @!p0 $0x66800;
	p0 =	sne.s32 s7, $0x1F  }
0x18: {  	s0 =	sadd.s32 s9, s0;
	s4 =	sadd.s32 s23, s4;
	s23 =	simm.s32 $0xC880  }
0x19: {  	s9 =	simm.s32 $0x0;
	s0 =	sadd.s32 s0, s26;
	s11 =	sadd.s32 $0x186C00, s4  }
0x1a: {  	s8 =	sor.u32 $0x200, s4;
	s13 =	sadd.s32 $0x186A00, s4;
	s4 =	sshrl.u32 s4, $0x3  }
0x1b: {  	[dreg:$0x9] =	wrdreg s23;
	s26 =	simm.s32 $0xCA80;
	s23 =	simm.s32 $0xD400  }
0x1c: {  	[dreg:$0x12] =	wrdreg s0;
	s0 =	sshrl.u32 s11, $0x3;
	s14 =	sshrl.u32 s8, $0x3  }
0x1d: {  	s15 =	sshrl.u32 s13, $0x3;
	s4 =	sadd.s32 s4, s5;
	[dreg:$0xc] =	wrdreg s26  }
0x1e: {  	s26 =	simm.s32 $0xCA00;
	s0 =	sadd.s32 s0, s5;
	[dreg:$0x16] =	wrdreg s4  }
0x1f: {  	s8 =	simm.s32 $0xCB80;
	s16 =	sadd.s32 s15, s5;
	[dreg:$0x13] =	wrdreg s0  }
0x20: {  	s4 =	simm.s32 $0x2;
	s0 =	sadd.s32 s14, s5;
	[dreg:$0x15] =	wrdreg s16  }
0x21: {  	s5 =	simm.s32 $0xCB00;
	[dreg:$0x14] =	wrdreg s0;
	s0 =	simm.s32 $0x1  }
.LBB2_1:
0x22: {  	s6 =	rddreg [dreg:$0xd]  }
0x23: {  	[spmem:s10], [sflag:s12] =	dma.local [hbm:s6], $0x1880  }
0x24: {  	_ =	swait.ge [sflag:s17], $0x1880  }
0x25: {  	[sflag:s17] =	ssyncset.done $0x0  }
0x26: {  	[sflag:s17] =	ssyncadd.s32 $0xFFFFE780  }
0x27: {  	[bflag:$0x0] =	sbarrier.arrive $0xFFFF  }
0x28: {  	s14 =	rddreg [dreg:$0x16]  }
0x29: {  	[tilespmem:s18], [sflag:$0x3] =	stream.linear.gather [hbm4b:s14+s2], $0x200, $0x38;
	[tilespmem:$0xEC00] =	vst v63  }
0x2a: {  	_ =	swait.ge [sflag:s17], $0x200  }
0x2b: {  	[sflag:s17] =	ssyncset.done $0x0  }
0x2c: {  	s11 =	rddreg [dreg:$0x15];
	[sflag:s17] =	ssyncadd.s32 $0xFFFFFE00  }
0x2d: {  	[tilespmem:s19], [sflag:$0x3] =	stream.linear.gather [hbm4b:s11+s2], $0x200, $0x38;
	[tilespmem:$0xEC00] =	vst v63  }
0x2e: {  	_ =	swait.ge [sflag:s17], $0x200  }
0x2f: {  	[sflag:s17] =	ssyncset.done $0x0  }
0x30: {  	[sflag:s17] =	ssyncadd.s32 $0xFFFFFE00  }
0x31: {  	[tilespmem:s21], [sflag:$0x1] =	stream.indirect.gather [hbm4b:s3+s20], $0x8, s18, s20, $0xb8;
	[tilespmem:$0xEC00] =	vst v63  }
0x32: {  	s7 =	rddreg [dreg:$0x3]  }
0x33: {  	[tilespmem:s22], [sflag:$0x1] =	stream.indirect.gather [hbm4b:s3+s20], $0x8, s7, s20, $0xb8;
	[tilespmem:$0xEC00] =	vst v63  }
0x34: {  	s15 =	rddreg [dreg:$0x4]  }
0x35: {  	[tilespmem:s23], [sflag:$0x1] =	stream.indirect.gather [hbm4b:s3+s20], $0x8, s15, s20, $0xb8;
	[tilespmem:$0xEC00] =	vst v63  }
0x36: {  	s6 =	rddreg [dreg:$0x5]  }
0x37: {  	[tilespmem:s24], [sflag:$0x1] =	stream.indirect.gather [hbm4b:s3+s20], $0x8, s6, s20, $0xb8;
	[tilespmem:$0xEC00] =	vst v63  }
0x38: {  	s13 =	rddreg [dreg:$0x14]  }
0x39: {  	[tilespmem:s25], [sflag:$0x3] =	stream.linear.gather [hbm4b:s13+s2], $0x200, $0x38;
	[tilespmem:$0xEC00] =	vst v63  }
0x3a: {  	_ =	swait.ge [sflag:s17], $0x200  }
0x3b: {  	[sflag:s17] =	ssyncset.done $0x0  }
0x3c: {  	s16 =	smov.u32 s12;
	s12 =	rddreg [dreg:$0x13];
	[sflag:s17] =	ssyncadd.s32 $0xFFFFFE00  }
0x3d: {  	[tilespmem:s26], [sflag:$0x3] =	stream.linear.gather [hbm4b:s12+s2], $0x200, $0x38;
	[tilespmem:$0xEC00] =	vst v63  }
0x3e: {  	_ =	swait.ge [sflag:s17], $0x200  }
0x3f: {  	[sflag:s17] =	ssyncset.done $0x0  }
0x40: {  	[sflag:s17] =	ssyncadd.s32 $0xFFFFFE00  }
0x41: {  	[tilespmem:s28], [sflag:$0x2] =	stream.indirect.gather [hbm4b:s3+s20], $0x8, s25, s20, $0xb8;
	[tilespmem:$0xEC00] =	vst v63  }
0x42: {  	s10 =	rddreg [dreg:$0x6]  }
0x43: {  	[tilespmem:s29], [sflag:$0x2] =	stream.indirect.gather [hbm4b:s3+s20], $0x8, s10, s20, $0xb8;
	[tilespmem:$0xEC00] =	vst v63  }
0x44: {  	s15 =	rddreg [dreg:$0x7]  }
0x45: {  	[tilespmem:s30], [sflag:$0x2] =	stream.indirect.gather [hbm4b:s3+s20], $0x8, s15, s20, $0xb8;
	[tilespmem:$0xEC00] =	vst v63  }
0x46: {  	s6 =	rddreg [dreg:$0x8]  }
0x47: {  	[tilespmem:s31], [sflag:$0x2] =	stream.indirect.gather [hbm4b:s3+s20], $0x8, s6, s20, $0xb8;
	[tilespmem:$0xEC00] =	vst v63  }
0x48: {  	_ =	swait.ge [sflag:s0], $0x400  }
0x49: {  	[sflag:s0] =	ssyncset.done $0x0  }
0x4a: {  	[sflag:s0] =	ssyncadd.s32 $0xFFFFFC00  }
0x4b: {  	_ =	swait.ge [sflag:s0], $0x400  }
0x4c: {  	[sflag:s0] =	ssyncset.done $0x0  }
0x4d: {  	[sflag:s0] =	ssyncadd.s32 $0xFFFFFC00  }
0x4e: {  	_ =	swait.ge [sflag:s0], $0x400  }
0x4f: {  	[sflag:s0] =	ssyncset.done $0x0  }
0x50: {  	[sflag:s0] =	ssyncadd.s32 $0xFFFFFC00  }
0x51: {  	_ =	swait.ge [sflag:s0], $0x400  }
0x52: {  	[sflag:s0] =	ssyncset.done $0x0  }
0x53: {  	[sflag:s0] =	ssyncadd.s32 $0xFFFFFC00  }
0x54: {  	[spmem:s1] =	stream.indirect.scatter.add.f32 [tilespmem:s21], [sflag:$0x3], $0x8, s19, s20, $0xb8;
	[tilespmem:$0xEC00] =	vst v63  }
0x55: {  	_ =	swait.ge [sflag:s17], $0x400  }
0x56: {  	[sflag:s17] =	ssyncset.done $0x0  }
0x57: {  	s10 =	rddreg [dreg:$0x9];
	[sflag:s17] =	ssyncadd.s32 $0xFFFFFC00  }
0x58: {  	[spmem:s1] =	stream.indirect.scatter.add.f32 [tilespmem:s22], [sflag:$0x3], $0x8, s10, s20, $0xb8;
	[tilespmem:$0xEC00] =	vst v63  }
0x59: {  	_ =	swait.ge [sflag:s17], $0x400  }
0x5a: {  	[sflag:s17] =	ssyncset.done $0x0  }
0x5b: {  	s15 =	rddreg [dreg:$0xa];
	[sflag:s17] =	ssyncadd.s32 $0xFFFFFC00  }
0x5c: {  	[spmem:s1] =	stream.indirect.scatter.add.f32 [tilespmem:s23], [sflag:$0x3], $0x8, s15, s20, $0xb8;
	[tilespmem:$0xEC00] =	vst v63  }
0x5d: {  	_ =	swait.ge [sflag:s17], $0x400  }
0x5e: {  	[sflag:s17] =	ssyncset.done $0x0  }
0x5f: {  	s6 =	rddreg [dreg:$0xb];
	[sflag:s17] =	ssyncadd.s32 $0xFFFFFC00  }
0x60: {  	[spmem:s1] =	stream.indirect.scatter.add.f32 [tilespmem:s24], [sflag:$0x3], $0x8, s6, s20, $0xb8;
	[tilespmem:$0xEC00] =	vst v63  }
0x61: {  	_ =	swait.ge [sflag:s17], $0x400  }
0x62: {  	[sflag:s17] =	ssyncset.done $0x0  }
0x63: {  	[sflag:s17] =	ssyncadd.s32 $0xFFFFFC00  }
0x64: {  	_ =	swait.ge [sflag:s4], $0x400  }
0x65: {  	[sflag:s4] =	ssyncset.done $0x0  }
0x66: {  	[sflag:s4] =	ssyncadd.s32 $0xFFFFFC00  }
0x67: {  	_ =	swait.ge [sflag:s4], $0x400  }
0x68: {  	[sflag:s4] =	ssyncset.done $0x0  }
0x69: {  	[sflag:s4] =	ssyncadd.s32 $0xFFFFFC00  }
0x6a: {  	_ =	swait.ge [sflag:s4], $0x400  }
0x6b: {  	[sflag:s4] =	ssyncset.done $0x0  }
0x6c: {  	[sflag:s4] =	ssyncadd.s32 $0xFFFFFC00  }
0x6d: {  	_ =	swait.ge [sflag:s4], $0x400  }
0x6e: {  	[sflag:s4] =	ssyncset.done $0x0  }
0x6f: {  	[sflag:s4] =	ssyncadd.s32 $0xFFFFFC00  }
0x70: {  	[spmem:s1] =	stream.indirect.scatter.add.f32 [tilespmem:s28], [sflag:$0x3], $0x8, s26, s20, $0xb8;
	[tilespmem:$0xEC00] =	vst v63  }
0x71: {  	_ =	swait.ge [sflag:s17], $0x400  }
0x72: {  	[sflag:s17] =	ssyncset.done $0x0  }
0x73: {  	s10 =	rddreg [dreg:$0xc];
	[sflag:s17] =	ssyncadd.s32 $0xFFFFFC00  }
0x74: {  	[spmem:s1] =	stream.indirect.scatter.add.f32 [tilespmem:s29], [sflag:$0x3], $0x8, s10, s20, $0xb8;
	[tilespmem:$0xEC00] =	vst v63  }
0x75: {  	_ =	swait.ge [sflag:s17], $0x400  }
0x76: {  	[sflag:s17] =	ssyncset.done $0x0  }
0x77: {  	[sflag:s17] =	ssyncadd.s32 $0xFFFFFC00  }
0x78: {  	[spmem:s1] =	stream.indirect.scatter.add.f32 [tilespmem:s30], [sflag:$0x3], $0x8, s5, s20, $0xb8;
	[tilespmem:$0xEC00] =	vst v63  }
0x79: {  	_ =	swait.ge [sflag:s17], $0x400  }
0x7a: {  	s15 =	rddreg [dreg:$0xe]  }
0x7b: {  	p1 =	sne.s32 s15, $0x1  }
.Ltmp0:
0x7c: {  	[sflag:s17] =	ssyncset.done $0x0;
	(pc) =	sbr.rel @!p1 .LBB2_3-.Ltmp0, $4  }
0x7d: {  	[sflag:s17] =	ssyncadd.s32 $0xFFFFFC00  }
0x7e: {  	[spmem:s1] =	stream.indirect.scatter.add.f32 [tilespmem:s31], [sflag:$0x3], $0x8, s8, s20, $0xb8;
	[tilespmem:$0xEC00] =	vst v63  }
0x7f: {  	s11 =	sadd.s32 $0x80, s11;
	_ =	swait.ge [sflag:s17], $0x400  }
0x80: {  	s7 =	sadd.s32 $0x80, s14;
	s10 =	sadd.s32 $0xFFFFFFFF, s15;
	[sflag:s17] =	ssyncset.done $0x0  }
.LBB2_2:
0x81: {  	[sflag:s17] =	ssyncadd.s32 $0xFFFFFC00  }
0x82: {  	[tilespmem:s18], [sflag:$0x3] =	stream.linear.gather [hbm4b:s7+s2], $0x200, $0x38;
	[tilespmem:$0xEC00] =	vst v63  }
0x83: {  	_ =	swait.ge [sflag:s17], $0x200  }
0x84: {  	[sflag:s17] =	ssyncset.done $0x0  }
0x85: {  	[sflag:s17] =	ssyncadd.s32 $0xFFFFFE00  }
0x86: {  	[tilespmem:s19], [sflag:$0x3] =	stream.linear.gather [hbm4b:s11+s2], $0x200, $0x38;
	[tilespmem:$0xEC00] =	vst v63  }
0x87: {  	_ =	swait.ge [sflag:s17], $0x200  }
0x88: {  	[sflag:s17] =	ssyncset.done $0x0  }
0x89: {  	[sflag:s17] =	ssyncadd.s32 $0xFFFFFE00  }
0x8a: {  	[tilespmem:s21], [sflag:$0x1] =	stream.indirect.gather [hbm4b:s3+s20], $0x8, s18, s20, $0xb8;
	[tilespmem:$0xEC00] =	vst v63  }
0x8b: {  	s6 =	rddreg [dreg:$0x3]  }
0x8c: {  	[tilespmem:s22], [sflag:$0x1] =	stream.indirect.gather [hbm4b:s3+s20], $0x8, s6, s20, $0xb8;
	[tilespmem:$0xEC00] =	vst v63  }
0x8d: {  	s14 =	rddreg [dreg:$0x4]  }
0x8e: {  	[tilespmem:s23], [sflag:$0x1] =	stream.indirect.gather [hbm4b:s3+s20], $0x8, s14, s20, $0xb8;
	[tilespmem:$0xEC00] =	vst v63  }
0x8f: {  	s15 =	rddreg [dreg:$0x5]  }
0x90: {  	[tilespmem:s24], [sflag:$0x1] =	stream.indirect.gather [hbm4b:s3+s20], $0x8, s15, s20, $0xb8;
	[tilespmem:$0xEC00] =	vst v63  }
0x91: {  	s13 =	sadd.s32 $0x80, s13  }
0x92: {  	[tilespmem:s25], [sflag:$0x3] =	stream.linear.gather [hbm4b:s13+s2], $0x200, $0x38;
	[tilespmem:$0xEC00] =	vst v63  }
0x93: {  	_ =	swait.ge [sflag:s17], $0x200  }
0x94: {  	[sflag:s17] =	ssyncset.done $0x0  }
0x95: {  	s12 =	sadd.s32 $0x80, s12;
	[sflag:s17] =	ssyncadd.s32 $0xFFFFFE00  }
0x96: {  	[tilespmem:s26], [sflag:$0x3] =	stream.linear.gather [hbm4b:s12+s2], $0x200, $0x38;
	[tilespmem:$0xEC00] =	vst v63  }
0x97: {  	_ =	swait.ge [sflag:s17], $0x200  }
0x98: {  	[sflag:s17] =	ssyncset.done $0x0  }
0x99: {  	[sflag:s17] =	ssyncadd.s32 $0xFFFFFE00  }
0x9a: {  	[tilespmem:s28], [sflag:$0x2] =	stream.indirect.gather [hbm4b:s3+s20], $0x8, s25, s20, $0xb8;
	[tilespmem:$0xEC00] =	vst v63  }
0x9b: {  	s15 =	rddreg [dreg:$0x6]  }
0x9c: {  	[tilespmem:s29], [sflag:$0x2] =	stream.indirect.gather [hbm4b:s3+s20], $0x8, s15, s20, $0xb8;
	[tilespmem:$0xEC00] =	vst v63  }
0x9d: {  	s14 =	rddreg [dreg:$0x7]  }
0x9e: {  	[tilespmem:s30], [sflag:$0x2] =	stream.indirect.gather [hbm4b:s3+s20], $0x8, s14, s20, $0xb8;
	[tilespmem:$0xEC00] =	vst v63  }
0x9f: {  	s15 =	rddreg [dreg:$0x8]  }
0xa0: {  	[tilespmem:s31], [sflag:$0x2] =	stream.indirect.gather [hbm4b:s3+s20], $0x8, s15, s20, $0xb8;
	[tilespmem:$0xEC00] =	vst v63  }
0xa1: {  	_ =	swait.ge [sflag:s0], $0x400  }
0xa2: {  	[sflag:s0] =	ssyncset.done $0x0  }
0xa3: {  	[sflag:s0] =	ssyncadd.s32 $0xFFFFFC00  }
0xa4: {  	_ =	swait.ge [sflag:s0], $0x400  }
0xa5: {  	[sflag:s0] =	ssyncset.done $0x0  }
0xa6: {  	[sflag:s0] =	ssyncadd.s32 $0xFFFFFC00  }
0xa7: {  	_ =	swait.ge [sflag:s0], $0x400  }
0xa8: {  	[sflag:s0] =	ssyncset.done $0x0  }
0xa9: {  	[sflag:s0] =	ssyncadd.s32 $0xFFFFFC00  }
0xaa: {  	_ =	swait.ge [sflag:s0], $0x400  }
0xab: {  	[sflag:s0] =	ssyncset.done $0x0  }
0xac: {  	[sflag:s0] =	ssyncadd.s32 $0xFFFFFC00  }
0xad: {  	[spmem:s1] =	stream.indirect.scatter.add.f32 [tilespmem:s21], [sflag:$0x3], $0x8, s19, s20, $0xb8;
	[tilespmem:$0xEC00] =	vst v63  }
0xae: {  	_ =	swait.ge [sflag:s17], $0x400  }
0xaf: {  	[sflag:s17] =	ssyncset.done $0x0  }
0xb0: {  	s14 =	rddreg [dreg:$0x9];
	[sflag:s17] =	ssyncadd.s32 $0xFFFFFC00  }
0xb1: {  	[spmem:s1] =	stream.indirect.scatter.add.f32 [tilespmem:s22], [sflag:$0x3], $0x8, s14, s20, $0xb8;
	[tilespmem:$0xEC00] =	vst v63  }
0xb2: {  	_ =	swait.ge [sflag:s17], $0x400  }
0xb3: {  	[sflag:s17] =	ssyncset.done $0x0  }
0xb4: {  	s15 =	rddreg [dreg:$0xa];
	[sflag:s17] =	ssyncadd.s32 $0xFFFFFC00  }
0xb5: {  	[spmem:s1] =	stream.indirect.scatter.add.f32 [tilespmem:s23], [sflag:$0x3], $0x8, s15, s20, $0xb8;
	[tilespmem:$0xEC00] =	vst v63  }
0xb6: {  	_ =	swait.ge [sflag:s17], $0x400  }
0xb7: {  	[sflag:s17] =	ssyncset.done $0x0  }
0xb8: {  	s14 =	rddreg [dreg:$0xb];
	[sflag:s17] =	ssyncadd.s32 $0xFFFFFC00  }
0xb9: {  	[spmem:s1] =	stream.indirect.scatter.add.f32 [tilespmem:s24], [sflag:$0x3], $0x8, s14, s20, $0xb8;
	[tilespmem:$0xEC00] =	vst v63  }
0xba: {  	_ =	swait.ge [sflag:s17], $0x400  }
0xbb: {  	[sflag:s17] =	ssyncset.done $0x0  }
0xbc: {  	[sflag:s17] =	ssyncadd.s32 $0xFFFFFC00  }
0xbd: {  	_ =	swait.ge [sflag:s4], $0x400  }
0xbe: {  	[sflag:s4] =	ssyncset.done $0x0  }
0xbf: {  	[sflag:s4] =	ssyncadd.s32 $0xFFFFFC00  }
0xc0: {  	_ =	swait.ge [sflag:s4], $0x400  }
0xc1: {  	[sflag:s4] =	ssyncset.done $0x0  }
0xc2: {  	[sflag:s4] =	ssyncadd.s32 $0xFFFFFC00  }
0xc3: {  	_ =	swait.ge [sflag:s4], $0x400  }
0xc4: {  	[sflag:s4] =	ssyncset.done $0x0  }
0xc5: {  	[sflag:s4] =	ssyncadd.s32 $0xFFFFFC00  }
0xc6: {  	_ =	swait.ge [sflag:s4], $0x400  }
0xc7: {  	[sflag:s4] =	ssyncset.done $0x0  }
0xc8: {  	[sflag:s4] =	ssyncadd.s32 $0xFFFFFC00  }
0xc9: {  	[spmem:s1] =	stream.indirect.scatter.add.f32 [tilespmem:s28], [sflag:$0x3], $0x8, s26, s20, $0xb8;
	[tilespmem:$0xEC00] =	vst v63  }
0xca: {  	_ =	swait.ge [sflag:s17], $0x400  }
0xcb: {  	[sflag:s17] =	ssyncset.done $0x0  }
0xcc: {  	s15 =	rddreg [dreg:$0xc];
	[sflag:s17] =	ssyncadd.s32 $0xFFFFFC00  }
0xcd: {  	[spmem:s1] =	stream.indirect.scatter.add.f32 [tilespmem:s29], [sflag:$0x3], $0x8, s15, s20, $0xb8;
	[tilespmem:$0xEC00] =	vst v63  }
0xce: {  	_ =	swait.ge [sflag:s17], $0x400  }
0xcf: {  	[sflag:s17] =	ssyncset.done $0x0  }
0xd0: {  	[sflag:s17] =	ssyncadd.s32 $0xFFFFFC00  }
0xd1: {  	[spmem:s1] =	stream.indirect.scatter.add.f32 [tilespmem:s30], [sflag:$0x3], $0x8, s5, s20, $0xb8;
	[tilespmem:$0xEC00] =	vst v63  }
0xd2: {  	p1 =	sne.s32 s10, $0x1;
	_ =	swait.ge [sflag:s17], $0x400  }
.Ltmp1:
0xd3: {  	[sflag:s17] =	ssyncset.done $0x0;
	(pc) =	sbr.rel @p1 .LBB2_2-.Ltmp1, $4  }
0xd4: {  	[sflag:s17] =	ssyncadd.s32 $0xFFFFFC00  }
0xd5: {  	[spmem:s1] =	stream.indirect.scatter.add.f32 [tilespmem:s31], [sflag:$0x3], $0x8, s8, s20, $0xb8;
	[tilespmem:$0xEC00] =	vst v63  }
0xd6: {  	s10 =	sadd.s32 $0xFFFFFFFF, s10;
	_ =	swait.ge [sflag:s17], $0x400  }
0xd7: {  	s7 =	sadd.s32 $0x80, s7;
	s11 =	sadd.s32 $0x80, s11;
	[sflag:s17] =	ssyncset.done $0x0  }
.LBB2_3:
0xd8: {  	[sflag:s17] =	ssyncadd.s32 $0xFFFFFC00  }
0xd9: {  	s6 =	simm.s32 @!p0 $0x0;
	s7 =	simm.s32 @!p0 $0xC400;
	s10 =	rddreg [dreg:$0xf]  }
0xda: {  	[tilespmem:s7], [sflag:$0x3] =	stream.linear.gather @!p0 [hbm4b:s10+s6], $0x200, $0x38;
	[tilespmem:$0xEC00] =	vst v63  }
0xdb: {  	s10 =	simm.s32 @!p0 $0x3  }
0xdc: {  	_ =	swait.ge @!p0 [sflag:s10], $0x200  }
0xdd: {  	[sflag:s10] =	ssyncset.done @!p0 $0x0  }
0xde: {  	s11 =	simm.s32 @!p0 $0xC800;
	s12 =	rddreg [dreg:$0x10];
	[sflag:s10] =	ssyncadd.s32 @!p0 $0xFFFFFE00  }
0xdf: {  	[tilespmem:s11], [sflag:$0x3] =	stream.linear.gather @!p0 [hbm4b:s12+s6], $0x200, $0x38;
	[tilespmem:$0xEC00] =	vst v63  }
0xe0: {  	_ =	swait.ge @!p0 [sflag:s10], $0x200  }
0xe1: {  	[sflag:s10] =	ssyncset.done @!p0 $0x0  }
0xe2: {  	s6 =	simm.s32 @!p0 $0x80;
	s12 =	simm.s32 @!p0 $0xCC00;
	[sflag:s10] =	ssyncadd.s32 @!p0 $0xFFFFFE00  }
0xe3: {  	[tilespmem:s12], [sflag:$0x1] =	stream.indirect.gather @!p0 [hbm4b:s3+s6], $0x8, s7, s6, $0xb8;
	[tilespmem:$0xEC00] =	vst v63  }
0xe4: {  	s13 =	simm.s32 @!p0 $0xD000;
	s7 =	simm.s32 @!p0 $0xC480  }
0xe5: {  	[tilespmem:s13], [sflag:$0x1] =	stream.indirect.gather @!p0 [hbm4b:s3+s6], $0x8, s7, s6, $0xb8;
	[tilespmem:$0xEC00] =	vst v63  }
0xe6: {  	s14 =	simm.s32 @!p0 $0xD400;
	s7 =	simm.s32 @!p0 $0xC500  }
0xe7: {  	[tilespmem:s14], [sflag:$0x1] =	stream.indirect.gather @!p0 [hbm4b:s3+s6], $0x8, s7, s6, $0xb8;
	[tilespmem:$0xEC00] =	vst v63  }
0xe8: {  	s15 =	simm.s32 @!p0 $0xD800;
	s7 =	simm.s32 @!p0 $0xC580  }
0xe9: {  	[tilespmem:s15], [sflag:$0x1] =	stream.indirect.gather @!p0 [hbm4b:s3+s6], $0x8, s7, s6, $0xb8;
	[tilespmem:$0xEC00] =	vst v63  }
0xea: {  	s7 =	simm.s32 @!p0 $0x1  }
0xeb: {  	_ =	swait.ge @!p0 [sflag:s7], $0x400  }
0xec: {  	[sflag:s7] =	ssyncset.done @!p0 $0x0  }
0xed: {  	[sflag:s7] =	ssyncadd.s32 @!p0 $0xFFFFFC00  }
0xee: {  	_ =	swait.ge @!p0 [sflag:s7], $0x400  }
0xef: {  	[sflag:s7] =	ssyncset.done @!p0 $0x0  }
0xf0: {  	[sflag:s7] =	ssyncadd.s32 @!p0 $0xFFFFFC00  }
0xf1: {  	_ =	swait.ge @!p0 [sflag:s7], $0x400  }
0xf2: {  	[sflag:s7] =	ssyncset.done @!p0 $0x0  }
0xf3: {  	[sflag:s7] =	ssyncadd.s32 @!p0 $0xFFFFFC00  }
0xf4: {  	_ =	swait.ge @!p0 [sflag:s7], $0x400  }
0xf5: {  	[sflag:s7] =	ssyncset.done @!p0 $0x0  }
0xf6: {  	[sflag:s7] =	ssyncadd.s32 @!p0 $0xFFFFFC00  }
0xf7: {  	[spmem:s1] =	stream.indirect.scatter.add.f32 @!p0 [tilespmem:s12], [sflag:$0x3], $0x8, s11, s6, $0xb8;
	[tilespmem:$0xEC00] =	vst v63  }
0xf8: {  	_ =	swait.ge @!p0 [sflag:s10], $0x400  }
0xf9: {  	[sflag:s10] =	ssyncset.done @!p0 $0x0  }
0xfa: {  	s7 =	simm.s32 @!p0 $0xC880;
	[sflag:s10] =	ssyncadd.s32 @!p0 $0xFFFFFC00  }
0xfb: {  	[spmem:s1] =	stream.indirect.scatter.add.f32 @!p0 [tilespmem:s13], [sflag:$0x3], $0x8, s7, s6, $0xb8;
	[tilespmem:$0xEC00] =	vst v63  }
0xfc: {  	_ =	swait.ge @!p0 [sflag:s10], $0x400  }
0xfd: {  	[sflag:s10] =	ssyncset.done @!p0 $0x0  }
0xfe: {  	s7 =	simm.s32 @!p0 $0xC900;
	[sflag:s10] =	ssyncadd.s32 @!p0 $0xFFFFFC00  }
0xff: {  	[spmem:s1] =	stream.indirect.scatter.add.f32 @!p0 [tilespmem:s14], [sflag:$0x3], $0x8, s7, s6, $0xb8;
	[tilespmem:$0xEC00] =	vst v63  }
0x100: {  	_ =	swait.ge @!p0 [sflag:s10], $0x400  }
0x101: {  	[sflag:s10] =	ssyncset.done @!p0 $0x0  }
0x102: {  	s7 =	simm.s32 @!p0 $0xC980;
	[sflag:s10] =	ssyncadd.s32 @!p0 $0xFFFFFC00  }
0x103: {  	[spmem:s1] =	stream.indirect.scatter.add.f32 @!p0 [tilespmem:s15], [sflag:$0x3], $0x8, s7, s6, $0xb8;
	[tilespmem:$0xEC00] =	vst v63  }
0x104: {  	_ =	swait.ge @!p0 [sflag:s10], $0x400  }
0x105: {  	[sflag:s10] =	ssyncset.done @!p0 $0x0  }
0x106: {  	[sflag:s10] =	ssyncadd.s32 @!p0 $0xFFFFFC00  }
0x107: {  	[bflag:$0x0] =	sbarrier.arrive $0xFFFF  }
0x108: {  	s15 =	rddreg [dreg:$0x12]  }
0x109: {  	s10 =	rddreg [dreg:$0x17]  }
0x10a: {  	[hbm:s15], [sflag:s16] =	dma.local [spmem:s10], $0x1880  }
0x10b: {  	_ =	swait.ge [sflag:s17], $0x1880  }
0x10c: {  	s9 =	sadd.s32 $0x1, s9;
	s12 =	smov.u32 s16;
	s16 =	rddreg [dreg:$0x11]  }
0x10d: {  	p1 =	sne.s32 s9, s16  }
.Ltmp2:
0x10e: {  	_ = 	snop;
	(pc) =	sbr.rel @p1 .LBB2_1-.Ltmp2, $3  }
0x10f: {  	_ =	sdelay $0x1  }
0x110: {  	[sflag:s17] =	ssyncset.done $0x0  }
0x111: {  	[sflag:s17] =	ssyncadd.s32 $0xFFFFE780  }
0x112: {  	_ =	sfence.sel $0x180000  }
0x113: {  	[bflag:$0x0] =	sbarrier.arrive $0xFFFF  }
0x114: {  	_ =	strace $0x90000047  }
0x115: {  	s0 =	stileid.u32;
	[bflag:$0x2] =	sbarrier.arrive $0xFFFF  }
0x116: {  	p0 =	sne.s32 s0, $0x0;
	s0 =	rddreg [dreg:$0x2]  }
0x117: {  	s0 =	sadd.s32 @!p0 $0x100000, s0  }
0x118: {  	[sflag:s0] =	ssyncadd.tile.s32 @!p0 $0x1;
	_ =	shalt  }
.Lfunc_end2:
_tile_overlayer_lowered:
.L_overlay_start_2:
0x119: {  	(tag) =	ssettag $0x2  }
0x11a: {  	s0 =	rddreg [dreg:$0x0];
	s2 =	stileid.u32  }
0x11b: {  	s1 =	rddreg [dreg:$0x1];
	p0 =	sne.s32 s2, $0x0  }
0x11c: {  	s3 =	rddreg [dreg:$0x2];
	[bflag:$0x3] =	sbarrier.arrive $0xFFFF;
	s2 =	simm.s32 @!p0 $0x1C03  }
0x11d: {  	[timem:s3], [sflag:s2] =	dma.local @!p0 [hbm:s0], s1  }
0x11e: {  	s0 =	simm.s32 @!p0 $0x3  }
0x11f: {  	_ =	swait.ge @!p0 [sflag:s0], s1  }
0x120: {  	s1 =	ssub.s32 @!p0 $0x0, s1;
	[sflag:s0] =	ssyncset.done @!p0 $0x0  }
0x121: {  	[sflag:s0] =	ssyncadd.s32 @!p0 s1  }
0x122: {  	[bflag:$0x3] =	sbarrier.arrive $0xFFFF  }
0x123: {  	_ =	shalt  }

</sc_bundles>
